<compile_context>
chip_gen: v7x
topology: tpu7x:2x2x1
jax: 0.10.2.dev20260603
libtpu: 0.0.44.dev20260713+nightly
codegen_flags: <defaults>
</compile_context>

<pallas_src>
import functools

import jax
import jax.numpy as jnp
import numpy as np
from jax.experimental import pallas as pl
from jax.experimental.pallas import tpu as pltpu
from jax.experimental.pallas import tpu_sc as plsc

F32 = jnp.float32
_BN_DIV = np.float32(np.sqrt(np.float32(1.0 + 1e-5)))


def _fps_body(xt_ref, out_ref, *, npoint):
    x = xt_ref[...]
    B, _, N = x.shape
    iota_n = jax.lax.broadcasted_iota(jnp.int32, (B, N), 1)
    iota_s = jax.lax.broadcasted_iota(jnp.int32, (B, 3, npoint), 2)

    def step(i, carry):
        dist_min, far, acc = carry
        onehot = (iota_n == far).astype(F32)[:, None, :]
        c = jnp.sum(x * onehot, axis=2, keepdims=True)
        acc = jnp.where(iota_s == i, c, acc)
        d = x - c
        dist = d[:, 0, :] * d[:, 0, :] + d[:, 1, :] * d[:, 1, :] + d[:, 2, :] * d[:, 2, :]
        dist_min = jnp.minimum(dist_min, dist)
        m = jnp.max(dist_min, axis=1, keepdims=True)
        far = jnp.min(jnp.where(dist_min == m, iota_n, N), axis=1, keepdims=True)
        return dist_min, far, acc

    init = (
        jnp.full((B, N), 1e10, F32),
        jnp.zeros((B, 1), jnp.int32),
        jnp.zeros((B, 3, npoint), F32),
    )
    _, _, acc = jax.lax.fori_loop(0, npoint, step, init)
    out_ref[...] = acc


def _fps(xt, npoint):
    B, _, N = xt.shape
    return pl.pallas_call(
        functools.partial(_fps_body, npoint=npoint),
        out_shape=jax.ShapeDtypeStruct((B, 3, npoint), F32),
    )(xt)


def _bq_body(src_ref, xt_ref, idx_ref, *, radius2, nsample):
    src = src_ref[0]
    xt = xt_ref[0]
    St = src.shape[0]
    N = xt.shape[1]
    mm = jnp.dot(src, xt)
    s2 = jnp.sum(src * src, axis=1, keepdims=True)
    d2 = jnp.sum(xt * xt, axis=0, keepdims=True)
    sqr = (s2 + d2) - 2.0 * mm
    mask = jnp.logical_not(sqr > radius2)
    nc = N // 128
    r128 = jax.lax.broadcasted_iota(jnp.int32, (128, 128), 0)
    c128 = jax.lax.broadcasted_iota(jnp.int32, (128, 128), 1)
    u128 = (r128 <= c128).astype(F32)
    rc = jax.lax.broadcasted_iota(jnp.int32, (nc, nc), 0)
    cc = jax.lax.broadcasted_iota(jnp.int32, (nc, nc), 1)
    uc = (rc < cc).astype(F32)
    m2 = mask.astype(F32).reshape(St * nc, 128)
    y = jnp.dot(m2, u128)
    tot = y[:, 127:128].reshape(St, nc)
    offs = jnp.dot(tot, uc)
    rank = (y.reshape(St, nc, 128) + offs[:, :, None]).reshape(St, N).astype(jnp.int32)
    count = rank[:, N - 1 : N]
    cols = []
    j0 = None
    for k in range(nsample):
        jk = jnp.sum(
            jnp.where(rank <= k, 1.0, 0.0), axis=1, keepdims=True
        ).astype(jnp.int32)
        if k == 0:
            j0 = jk
            cols.append(jk)
        else:
            cols.append(jnp.where(count > k, jk, j0))
    idx_ref[0] = jnp.concatenate(cols, axis=1)


def _bq(new_xyz, xt, radius2, nsample, s_tile):
    B, S, _ = new_xyz.shape
    N = xt.shape[2]
    return pl.pallas_call(
        functools.partial(_bq_body, radius2=radius2, nsample=nsample),
        grid=(B, S // s_tile),
        in_specs=[
            pl.BlockSpec((1, s_tile, 3), lambda b, s: (b, s, 0)),
            pl.BlockSpec((1, 3, N), lambda b, s: (b, 0, 0)),
        ],
        out_specs=pl.BlockSpec((1, s_tile, nsample), lambda b, s: (b, s, 0)),
        out_shape=jax.ShapeDtypeStruct((B, S, nsample), jnp.int32),
    )(new_xyz, xt)


def _sa_body(g_ref, c_ref, *refs, ns, nlayers):
    o_ref = refs[-1]
    w_refs = refs[:-1]
    g = g_ref[...]
    c = c_ref[...]
    Rt, Cpad = g.shape
    Ct = c.shape[0]
    cpad = jnp.concatenate([c, jnp.zeros((Ct, Cpad - 3), F32)], axis=1)
    crep = jnp.broadcast_to(cpad[:, None, :], (Ct, ns, Cpad)).reshape(Rt, Cpad)
    h = g - crep
    for li in range(nlayers):
        wt, b, gm, be = (w_refs[4 * li + j][...] for j in range(4))
        h = jnp.dot(h, wt) + b
        h = jnp.maximum(h / _BN_DIV * gm + be, 0.0)
    Cout = h.shape[1]
    o_ref[...] = jnp.max(h.reshape(Ct, ns, Cout), axis=1)


def _sa_mlp(g, centers, layers, ns, c_tile):
    R, Cpad = g.shape
    M = R // ns
    nlayers = len(layers)
    cout = layers[-1][0].shape[1]
    w_args = []
    w_specs = []
    for wt, b, gm, be in layers:
        for a in (wt, b, gm, be):
            w_args.append(a)
            w_specs.append(pl.BlockSpec(a.shape, lambda i: (0,) * a.ndim))
    return pl.pallas_call(
        functools.partial(_sa_body, ns=ns, nlayers=nlayers),
        grid=(M // c_tile,),
        in_specs=[
            pl.BlockSpec((c_tile * ns, Cpad), lambda i: (i, 0)),
            pl.BlockSpec((c_tile, 3), lambda i: (i, 0)),
        ]
        + w_specs,
        out_specs=pl.BlockSpec((c_tile, cout), lambda i: (i, 0)),
        out_shape=jax.ShapeDtypeStruct((M, cout), F32),
    )(g, centers, *w_args)


def _fp_body(x1_ref, x2t_ref, p1_ref, p2_ref, *refs, nlayers):
    o_ref = refs[-1]
    w_refs = refs[:-1]
    x1 = x1_ref[0]
    x2t = x2t_ref[0]
    p1 = p1_ref[0]
    p2 = p2_ref[0]
    Nt = x1.shape[0]
    N2 = x2t.shape[1]
    mm = jnp.dot(x1, x2t)
    s2 = jnp.sum(x1 * x1, axis=1, keepdims=True)
    d2 = jnp.sum(x2t * x2t, axis=0, keepdims=True)
    sqr = (s2 + d2) - 2.0 * mm
    iota = jax.lax.broadcasted_iota(jnp.int32, (Nt, N2), 1)
    d = sqr
    ms, iks = [], []
    for _ in range(3):
        m = jnp.min(d, axis=1, keepdims=True)
        ik = jnp.min(jnp.where(d == m, iota, N2), axis=1, keepdims=True)
        d = jnp.where(iota == ik, 3.4e38, d)
        ms.append(m)
        iks.append(ik)
    recs = [1.0 / (m + 1e-8) for m in ms]
    rsum = (recs[0] + recs[1]) + recs[2]
    wm = jnp.zeros((Nt, N2), F32)
    for m, ik, rec in zip(ms, iks, recs):
        wm = wm + jnp.where(iota == ik, rec / rsum, 0.0)
    interp = jnp.dot(wm, p2)
    h = jnp.concatenate([p1, interp], axis=1)
    for li in range(nlayers):
        wt, b, gm, be = (w_refs[4 * li + j][...] for j in range(4))
        h = jnp.dot(h, wt) + b
        h = jnp.maximum(h / _BN_DIV * gm + be, 0.0)
    o_ref[0] = h


def _fp(xyz1, x2t, p1, p2, layers, n_tile):
    B, N1, _ = xyz1.shape
    N2 = x2t.shape[2]
    C1 = p1.shape[2]
    C2 = p2.shape[2]
    nlayers = len(layers)
    cout = layers[-1][0].shape[1]
    w_args = []
    w_specs = []
    for wt, b, gm, be in layers:
        for a in (wt, b, gm, be):
            w_args.append(a)
            w_specs.append(pl.BlockSpec(a.shape, lambda b_, n_: (0,) * a.ndim))
    return pl.pallas_call(
        functools.partial(_fp_body, nlayers=nlayers),
        grid=(B, N1 // n_tile),
        in_specs=[
            pl.BlockSpec((1, n_tile, 3), lambda b, n: (b, n, 0)),
            pl.BlockSpec((1, 3, N2), lambda b, n: (b, 0, 0)),
            pl.BlockSpec((1, n_tile, C1), lambda b, n: (b, n, 0)),
            pl.BlockSpec((1, N2, C2), lambda b, n: (b, 0, 0)),
        ]
        + w_specs,
        out_specs=pl.BlockSpec((1, n_tile, cout), lambda b, n: (b, n, 0)),
        out_shape=jax.ShapeDtypeStruct((B, N1, cout), F32),
    )(xyz1, x2t, p1, p2, *w_args)


def _head_body(l0_ref, xyz_ref, w1, b1, g1, be1, w2, b2, o_ref):
    l0 = l0_ref[0]
    g = jnp.mean(l0, axis=0, keepdims=True)
    comb = jnp.concatenate([l0, jnp.broadcast_to(g, l0.shape)], axis=1)
    x = jnp.dot(comb, w1[...]) + b1[...]
    x = jnp.maximum(x / _BN_DIV * g1[...] + be1[...], 0.0)
    lo = jnp.dot(x, w2[...]) + b2[...]
    o_ref[0] = jnp.concatenate([xyz_ref[0], lo], axis=1)


def _head(l0_out, xyz0, hw):
    B, N, C = l0_out.shape
    w1, b1, g1, be1, w2, b2 = hw
    w_specs = [pl.BlockSpec(a.shape, lambda b: (0,) * a.ndim) for a in hw]
    return pl.pallas_call(
        _head_body,
        grid=(B,),
        in_specs=[
            pl.BlockSpec((1, N, C), lambda b: (b, 0, 0)),
            pl.BlockSpec((1, N, 3), lambda b: (b, 0, 0)),
        ]
        + w_specs,
        out_specs=pl.BlockSpec((1, N, 4), lambda b: (b, 0, 0)),
        out_shape=jax.ShapeDtypeStruct((B, N, 4), F32),
    )(l0_out, xyz0, *hw)


_NWORKERS = 32


def _gather_rows(table, idx_flat):
    R = idx_flat.shape[0]
    width = table.shape[1]
    per = R // _NWORKERS
    chunks = 1
    while (per // chunks) * width * 4 > 256 * 1024 or (per // chunks) > 8192:
        chunks *= 2
    cper = per // chunks
    mesh = plsc.VectorSubcoreMesh(core_axis_name="c", subcore_axis_name="s")

    @functools.partial(
        pl.kernel,
        mesh=mesh,
        compiler_params=pltpu.CompilerParams(use_tc_tiling_on_sc=False),
        out_type=jax.ShapeDtypeStruct((R, width), F32),
        scratch_types=[
            pltpu.VMEM((cper,), jnp.int32),
            pltpu.VMEM((cper, width), F32),
            pltpu.SemaphoreType.DMA,
        ],
    )
    def k(table_hbm, idx_hbm, out_hbm, idx_v, rows_v, sem):
        wid = jax.lax.axis_index("s") * 2 + jax.lax.axis_index("c")
        base = wid * per
        for ci in range(chunks):
            off = base + ci * cper
            pltpu.sync_copy(idx_hbm.at[pl.ds(off, cper)], idx_v)
            pltpu.async_copy(table_hbm.at[idx_v], rows_v, sem).wait()
            pltpu.sync_copy(rows_v, out_hbm.at[pl.ds(off, cper)])

    return k(table, idx_flat)


def _prep_layers(layers, cpad=None):
    out = []
    cin = None
    for wt, b, gm, be in layers:
        w = jnp.transpose(wt)
        if cpad is not None and cin is None and w.shape[0] < cpad:
            w = jnp.concatenate([w, jnp.zeros((cpad - w.shape[0], w.shape[1]), F32)], axis=0)
        cin = w.shape[0]
        out.append((w, b.reshape(1, -1), gm.reshape(1, -1), be.reshape(1, -1)))
    return out


def kernel(coords, features, params):
    B, N0, _ = coords.shape
    xyz0 = coords[..., :3]
    x0t = jnp.transpose(xyz0, (0, 2, 1))

    S1, NS = 1024, 32
    nx1t = _fps(x0t, S1)
    new_xyz1 = jnp.transpose(nx1t, (0, 2, 1))
    idx1 = _bq(new_xyz1, x0t, 0.25, NS, 256)
    src1 = jnp.concatenate(
        [xyz0, features, jnp.zeros((B, N0, 9), F32)], axis=-1
    ).reshape(B * N0, 16)
    gidx1 = (idx1 + (jnp.arange(B, dtype=jnp.int32) * N0)[:, None, None]).reshape(-1)
    g1 = _gather_rows(src1, gidx1)
    sa1 = _prep_layers(params["sa1"], cpad=16)
    l1 = _sa_mlp(g1, new_xyz1.reshape(B * S1, 3), sa1, NS, 64)
    l1_points = l1.reshape(B, S1, 64)

    S2 = 256
    nx2t = _fps(nx1t, S2)
    new_xyz2 = jnp.transpose(nx2t, (0, 2, 1))
    idx2 = _bq(new_xyz2, nx1t, 1.0, NS, 256)
    src2 = jnp.concatenate(
        [new_xyz1, l1_points, jnp.zeros((B, S1, 13), F32)], axis=-1
    ).reshape(B * S1, 80)
    gidx2 = (idx2 + (jnp.arange(B, dtype=jnp.int32) * S1)[:, None, None]).reshape(-1)
    g2 = _gather_rows(src2, gidx2)
    sa2 = _prep_layers(params["sa2"], cpad=80)
    l2 = _sa_mlp(g2, new_xyz2.reshape(B * S2, 3), sa2, NS, 64)
    l2_points = l2.reshape(B, S2, 128)

    fp2 = _prep_layers(params["fp2"])
    l1_new = _fp(new_xyz1, nx2t, l1_points, l2_points, fp2, 512)

    fp1 = _prep_layers(params["fp1"])
    l0_new = _fp(xyz0, nx1t, features, l1_new, fp1, 512)

    w1, b1, g1, be1 = params["head_conv1"]
    w2, b2 = params["head_conv2"]
    hw = (
        jnp.transpose(w1),
        b1.reshape(1, -1),
        g1.reshape(1, -1),
        be1.reshape(1, -1),
        jnp.transpose(w2),
        b2.reshape(1, -1),
    )
    return _head(l0_new, xyz0, hw)

# --- scband reference (transcript-rebuilt; emitter-appended) ---
"""Pipeline reference for scband-point-net2-18056042512599 (READ-ONLY COPY).

The authoritative reference and input builder live on the scoring server;
editing this copy changes nothing except your own understanding.
"""

import jax, jax.numpy as jnp
import numpy as np

def square_distance(src, dst):
    return jnp.sum(src ** 2, -1)[..., :, None] + jnp.sum(dst ** 2, -1)[..., None, :] - 2.0 * jnp.einsum('bnc,bmc->bnm', src, dst)

def index_points(points, idx):
    B = points.shape[0]
    batch = jnp.arange(B).reshape((B,) + (1,) * (idx.ndim - 1))
    return points[batch, idx]

def farthest_point_sample(xyz, npoint):
    xyz = jax.lax.stop_gradient(xyz)
    B, N, _ = xyz.shape
    def step(carry, _):
        distance, farthest = carry
        centroid = jnp.take_along_axis(xyz, farthest[:, None, None], axis=1)
        dist = jnp.sum((xyz - centroid) ** 2, -1)
        distance = jnp.minimum(distance, dist)
        new_farthest = jnp.argmax(distance, -1).astype(jnp.int32)
        return (distance, new_farthest), farthest
    init = (jnp.full((B, N), 1e10, xyz.dtype), jnp.zeros((B,), jnp.int32))
    _, centroids = jax.lax.scan(step, init, None, length=npoint)
    return centroids.T

def query_ball_point(radius, nsample, xyz, new_xyz):
    B, N, _ = xyz.shape
    S = new_xyz.shape[1]
    sqrdists = jax.lax.stop_gradient(square_distance(new_xyz, xyz))
    group_idx = jnp.broadcast_to(jnp.arange(N, dtype=jnp.int32), (B, S, N))
    group_idx = jnp.where(sqrdists > radius ** 2, N, group_idx)
    group_idx = jnp.sort(group_idx, axis=-1)[:, :, :nsample]
    group_first = jnp.broadcast_to(group_idx[:, :, :1], group_idx.shape)
    group_idx = jnp.where(group_idx == N, group_first, group_idx)
    return group_idx

def bn_eval(x, gamma, beta):
    return x / jnp.sqrt(1.0 + 1e-5) * gamma + beta

def set_abstraction(xyz, points, npoint, radius, nsample, layers):
    fps_idx = farthest_point_sample(xyz, npoint)
    new_xyz = index_points(xyz, fps_idx)
    idx = query_ball_point(radius, nsample, xyz, new_xyz)
    grouped_xyz = index_points(xyz, idx)
    grouped_xyz_norm = grouped_xyz - new_xyz[:, :, None, :]
    grouped_points = index_points(points, idx)
    h = jnp.concatenate([grouped_xyz_norm, grouped_points], axis=-1)
    for w, b, g, be in layers:
        h = jnp.einsum('bskc,oc->bsko', h, w) + b
        h = jax.nn.relu(bn_eval(h, g, be))
    return new_xyz, jnp.max(h, axis=2)

def feature_propagation(xyz1, xyz2, points1, points2, layers):
    sqr = square_distance(xyz1, xyz2)
    neg, idx = jax.lax.top_k(-sqr, 3)
    dists = -neg
    dist_recip = 1.0 / (dists + 1e-8)
    weight = dist_recip / jnp.sum(dist_recip, axis=2, keepdims=True)
    interpolated = jnp.sum(index_points(points2, idx) * weight[..., None], axis=2)
    h = jnp.concatenate([points1, interpolated], axis=-1)
    for w, b, g, be in layers:
        h = jnp.einsum('bnc,oc->bno', h, w) + b
        h = jax.nn.relu(bn_eval(h, g, be))
    return h

def pointnet2_forward(coords, features, params):
    xyz0 = coords[..., :3]
    l0_points = features
    l1_xyz, l1_points = set_abstraction(xyz0, l0_points, 1024, 0.5, 32, params['sa1'])
    l2_xyz, l2_points = set_abstraction(l1_xyz, l1_points, 256, 1.0, 32, params['sa2'])
    l1_points = feature_propagation(l1_xyz, l2_xyz, l1_points, l2_points, params['fp2'])
    l0_out = feature_propagation(xyz0, l1_xyz, l0_points, l1_points, params['fp1'])
    g = jnp.broadcast_to(jnp.mean(l0_out, axis=1, keepdims=True), l0_out.shape)
    combined = jnp.concatenate([l0_out, g], axis=-1)
    w1, b1, g1, be1 = params['head_conv1']
    x = jax.nn.relu(bn_eval(jnp.einsum('bnc,oc->bno', combined, w1) + b1, g1, be1))
    w2, b2 = params['head_conv2']
    log_odds = jnp.einsum('bnc,oc->bno', x, w2) + b2
    return jnp.concatenate([coords[..., :3], log_odds], axis=-1)

def setup_inputs(seed: int = 0):
    key = jax.random.key(seed)
    k1, k2, kp = jax.random.split(key, 3)
    coords = jax.random.normal(k1, (8, 4096, 3), dtype=jnp.float32)
    features = jax.random.normal(k2, (8, 4096, 4), dtype=jnp.float32)
    def make_layers(key, in_c, outs):
        layers = []
        for o in outs:
            key, kk = jax.random.split(key)
            layers.append((jax.random.normal(kk, (o, in_c), jnp.float32) * 0.1, jnp.zeros((o,), jnp.float32), jnp.ones((o,), jnp.float32), jnp.zeros((o,), jnp.float32)))
            in_c = o
        return layers, key
    sa1, kp = make_layers(kp, 7, [32, 32, 64])
    sa2, kp = make_layers(kp, 67, [64, 64, 128])
    fp2, kp = make_layers(kp, 192, [128, 128])
    fp1, kp = make_layers(kp, 132, [128, 128, 64])
    kp, kw1, kw2 = jax.random.split(kp, 3)
    head_conv1 = (jax.random.normal(kw1, (64, 128), jnp.float32) * 0.1, jnp.zeros((64,), jnp.float32), jnp.ones((64,), jnp.float32), jnp.zeros((64,), jnp.float32))
    head_conv2 = (jax.random.normal(kw2, (1, 64), jnp.float32) * 0.1, jnp.zeros((1,), jnp.float32))
    params = {'sa1': sa1, 'sa2': sa2, 'fp2': fp2, 'fp1': fp1, 'head_conv1': head_conv1, 'head_conv2': head_conv2}
    return {'coords': coords, 'features': features, 'params': params}

def reference(coords, features, params):
    return pointnet2_forward(coords, features, params)

if __name__ == "__main__":
    import jax
    _d = setup_inputs()
    print(jax.jit(kernel)(*tuple(_d.values())))

</pallas_src>

<mosaic_0001>
#map = affine_map<(d0, d1) -> (0, 0)>
#map1 = affine_map<(d0, d1) -> (0)>
module attributes {stable_mosaic.version = 14 : i64} {
  func.func @k(%arg0: i32, %arg1: i32, %arg2: memref<32768x16xf32, #tpu.memory_space<hbm>>, %arg3: memref<262144xi32, #tpu.memory_space<hbm>>, %arg4: memref<262144x16xf32, #tpu.memory_space<hbm>>, %arg5: memref<4096xi32, #tpu.memory_space<vmem>>, %arg6: memref<4096x16xf32, #tpu.memory_space<vmem>>, %arg7: memref<!tpu.dma_semaphore, #tpu.memory_space<semaphore_mem>>) attributes {dimension_semantics = [#tpu.dimension_semantics<core_parallel>, #tpu.dimension_semantics<subcore_parallel>], iteration_bounds = array<i64: 2, 16>, scalar_prefetch = 0 : i64, scratch_operands = 3 : i64, tpu.core_type = #tpu.core_type<sc_vector_subcore>, window_params = [{transform_indices = #map}, {transform_indices = #map1}, {transform_indices = #map}]} {
    %mul3A = arith.constant 2 : i32
    %mul3A_0 = arith.muli %arg1, %mul3A : i32
    %add3A = arith.addi %mul3A_0, %arg0 : i32
    %mul3A_1 = arith.constant 8192 : i32
    %mul3A_2 = arith.muli %add3A, %mul3A_1 : i32
    %add3A_3 = arith.constant 0 : i32
    %add3A_4 = arith.addi %mul3A_2, %add3A_3 : i32
    "tpu.region"() ({
      %run_scoped3A = tpu.sem_alloc : memref<!tpu.dma_semaphore, #tpu.memory_space<semaphore_mem>>
      %dma_start3A_17 = tpu.memref_slice %arg3[%add3A_4] : memref<262144xi32, #tpu.memory_space<hbm>> -> memref<4096xi32, #tpu.memory_space<hbm>>
      %dma_start3A_18 = tpu.memref_slice %arg3[%add3A_4] : memref<262144xi32, #tpu.memory_space<hbm>> -> memref<4096xi32, #tpu.memory_space<hbm>>
      tpu.enqueue_dma source(%dma_start3A_18 : memref<4096xi32, #tpu.memory_space<hbm>>) target(%arg5 : memref<4096xi32, #tpu.memory_space<vmem>>) target_semaphore(%run_scoped3A : memref<!tpu.dma_semaphore, #tpu.memory_space<semaphore_mem>>)
      %dma_wait3A_19 = tpu.memref_slice %arg3[%add3A_4] : memref<262144xi32, #tpu.memory_space<hbm>> -> memref<4096xi32, #tpu.memory_space<hbm>>
      %dma_wait3A_20 = tpu.memref_slice %arg3[%add3A_4] : memref<262144xi32, #tpu.memory_space<hbm>> -> memref<4096xi32, #tpu.memory_space<hbm>>
      tpu.wait_dma2 semaphore(%run_scoped3A : memref<!tpu.dma_semaphore, #tpu.memory_space<semaphore_mem>>) src(%dma_wait3A_20 : memref<4096xi32, #tpu.memory_space<hbm>>) dst(%arg5 : memref<4096xi32, #tpu.memory_space<vmem>>)
      tpu.yield
    }) : () -> ()
    %dma_start3A = arith.constant 0 : i32
    %dma_start3A_5 = arith.constant 0 : i32
    %dma_start3A_6 = tpu.memref_slice %arg2[%dma_start3A, %dma_start3A_5] : memref<32768x16xf32, #tpu.memory_space<hbm>> -> memref<32768x16xf32, #tpu.memory_space<hbm>>
    tpu.enqueue_indirect_dma source(%dma_start3A_6 : memref<32768x16xf32, #tpu.memory_space<hbm>>) target(%arg6 : memref<4096x16xf32, #tpu.memory_space<vmem>>) offsets(%arg5 : memref<4096xi32, #tpu.memory_space<vmem>>) semaphore(%arg7 : memref<!tpu.dma_semaphore, #tpu.memory_space<semaphore_mem>>)
    %dma_wait3A = arith.constant 0 : i32
    %dma_wait3A_7 = arith.constant 0 : i32
    %dma_wait3A_8 = tpu.memref_slice %arg2[%dma_wait3A, %dma_wait3A_7] : memref<32768x16xf32, #tpu.memory_space<hbm>> -> memref<32768x16xf32, #tpu.memory_space<hbm>>
    tpu.wait_indirect_dma semaphore(%arg7 : memref<!tpu.dma_semaphore, #tpu.memory_space<semaphore_mem>>) src(%dma_wait3A_8 : memref<32768x16xf32, #tpu.memory_space<hbm>>) dst(%arg6 : memref<4096x16xf32, #tpu.memory_space<vmem>>)
    "tpu.region"() ({
      %run_scoped3A = tpu.sem_alloc : memref<!tpu.dma_semaphore, #tpu.memory_space<semaphore_mem>>
      %dma_start3A_17 = arith.constant 0 : i32
      %dma_start3A_18 = tpu.memref_slice %arg4[%add3A_4, %dma_start3A_17] : memref<262144x16xf32, #tpu.memory_space<hbm>> -> memref<4096x16xf32, #tpu.memory_space<hbm>>
      %dma_start3A_19 = arith.constant 0 : i32
      %dma_start3A_20 = tpu.memref_slice %arg4[%add3A_4, %dma_start3A_19] : memref<262144x16xf32, #tpu.memory_space<hbm>> -> memref<4096x16xf32, #tpu.memory_space<hbm>>
      tpu.enqueue_dma source(%arg6 : memref<4096x16xf32, #tpu.memory_space<vmem>>) target(%dma_start3A_20 : memref<4096x16xf32, #tpu.memory_space<hbm>>) target_semaphore(%run_scoped3A : memref<!tpu.dma_semaphore, #tpu.memory_space<semaphore_mem>>)
      %dma_wait3A_21 = arith.constant 0 : i32
      %dma_wait3A_22 = tpu.memref_slice %arg4[%add3A_4, %dma_wait3A_21] : memref<262144x16xf32, #tpu.memory_space<hbm>> -> memref<4096x16xf32, #tpu.memory_space<hbm>>
      %dma_wait3A_23 = arith.constant 0 : i32
      %dma_wait3A_24 = tpu.memref_slice %arg4[%add3A_4, %dma_wait3A_23] : memref<262144x16xf32, #tpu.memory_space<hbm>> -> memref<4096x16xf32, #tpu.memory_space<hbm>>
      tpu.wait_dma2 semaphore(%run_scoped3A : memref<!tpu.dma_semaphore, #tpu.memory_space<semaphore_mem>>) src(%arg6 : memref<4096x16xf32, #tpu.memory_space<vmem>>) dst(%dma_wait3A_24 : memref<4096x16xf32, #tpu.memory_space<hbm>>)
      tpu.yield
    }) : () -> ()
    %add3A_9 = arith.constant 4096 : i32
    %add3A_10 = arith.addi %mul3A_2, %add3A_9 : i32
    "tpu.region"() ({
      %run_scoped3A = tpu.sem_alloc : memref<!tpu.dma_semaphore, #tpu.memory_space<semaphore_mem>>
      %dma_start3A_17 = tpu.memref_slice %arg3[%add3A_10] : memref<262144xi32, #tpu.memory_space<hbm>> -> memref<4096xi32, #tpu.memory_space<hbm>>
      %dma_start3A_18 = tpu.memref_slice %arg3[%add3A_10] : memref<262144xi32, #tpu.memory_space<hbm>> -> memref<4096xi32, #tpu.memory_space<hbm>>
      tpu.enqueue_dma source(%dma_start3A_18 : memref<4096xi32, #tpu.memory_space<hbm>>) target(%arg5 : memref<4096xi32, #tpu.memory_space<vmem>>) target_semaphore(%run_scoped3A : memref<!tpu.dma_semaphore, #tpu.memory_space<semaphore_mem>>)
      %dma_wait3A_19 = tpu.memref_slice %arg3[%add3A_10] : memref<262144xi32, #tpu.memory_space<hbm>> -> memref<4096xi32, #tpu.memory_space<hbm>>
      %dma_wait3A_20 = tpu.memref_slice %arg3[%add3A_10] : memref<262144xi32, #tpu.memory_space<hbm>> -> memref<4096xi32, #tpu.memory_space<hbm>>
      tpu.wait_dma2 semaphore(%run_scoped3A : memref<!tpu.dma_semaphore, #tpu.memory_space<semaphore_mem>>) src(%dma_wait3A_20 : memref<4096xi32, #tpu.memory_space<hbm>>) dst(%arg5 : memref<4096xi32, #tpu.memory_space<vmem>>)
      tpu.yield
    }) : () -> ()
    %dma_start3A_11 = arith.constant 0 : i32
    %dma_start3A_12 = arith.constant 0 : i32
    %dma_start3A_13 = tpu.memref_slice %arg2[%dma_start3A_11, %dma_start3A_12] : memref<32768x16xf32, #tpu.memory_space<hbm>> -> memref<32768x16xf32, #tpu.memory_space<hbm>>
    tpu.enqueue_indirect_dma source(%dma_start3A_13 : memref<32768x16xf32, #tpu.memory_space<hbm>>) target(%arg6 : memref<4096x16xf32, #tpu.memory_space<vmem>>) offsets(%arg5 : memref<4096xi32, #tpu.memory_space<vmem>>) semaphore(%arg7 : memref<!tpu.dma_semaphore, #tpu.memory_space<semaphore_mem>>)
    %dma_wait3A_14 = arith.constant 0 : i32
    %dma_wait3A_15 = arith.constant 0 : i32
    %dma_wait3A_16 = tpu.memref_slice %arg2[%dma_wait3A_14, %dma_wait3A_15] : memref<32768x16xf32, #tpu.memory_space<hbm>> -> memref<32768x16xf32, #tpu.memory_space<hbm>>
    tpu.wait_indirect_dma semaphore(%arg7 : memref<!tpu.dma_semaphore, #tpu.memory_space<semaphore_mem>>) src(%dma_wait3A_16 : memref<32768x16xf32, #tpu.memory_space<hbm>>) dst(%arg6 : memref<4096x16xf32, #tpu.memory_space<vmem>>)
    "tpu.region"() ({
      %run_scoped3A = tpu.sem_alloc : memref<!tpu.dma_semaphore, #tpu.memory_space<semaphore_mem>>
      %dma_start3A_17 = arith.constant 0 : i32
      %dma_start3A_18 = tpu.memref_slice %arg4[%add3A_10, %dma_start3A_17] : memref<262144x16xf32, #tpu.memory_space<hbm>> -> memref<4096x16xf32, #tpu.memory_space<hbm>>
      %dma_start3A_19 = arith.constant 0 : i32
      %dma_start3A_20 = tpu.memref_slice %arg4[%add3A_10, %dma_start3A_19] : memref<262144x16xf32, #tpu.memory_space<hbm>> -> memref<4096x16xf32, #tpu.memory_space<hbm>>
      tpu.enqueue_dma source(%arg6 : memref<4096x16xf32, #tpu.memory_space<vmem>>) target(%dma_start3A_20 : memref<4096x16xf32, #tpu.memory_space<hbm>>) target_semaphore(%run_scoped3A : memref<!tpu.dma_semaphore, #tpu.memory_space<semaphore_mem>>)
      %dma_wait3A_21 = arith.constant 0 : i32
      %dma_wait3A_22 = tpu.memref_slice %arg4[%add3A_10, %dma_wait3A_21] : memref<262144x16xf32, #tpu.memory_space<hbm>> -> memref<4096x16xf32, #tpu.memory_space<hbm>>
      %dma_wait3A_23 = arith.constant 0 : i32
      %dma_wait3A_24 = tpu.memref_slice %arg4[%add3A_10, %dma_wait3A_23] : memref<262144x16xf32, #tpu.memory_space<hbm>> -> memref<4096x16xf32, #tpu.memory_space<hbm>>
      tpu.wait_dma2 semaphore(%run_scoped3A : memref<!tpu.dma_semaphore, #tpu.memory_space<semaphore_mem>>) src(%arg6 : memref<4096x16xf32, #tpu.memory_space<vmem>>) dst(%dma_wait3A_24 : memref<4096x16xf32, #tpu.memory_space<hbm>>)
      tpu.yield
    }) : () -> ()
    return
  }
}

#map = affine_map<(d0, d1) -> (0, 0)>
#map1 = affine_map<(d0, d1) -> (0)>
module attributes {stable_mosaic.version = 14 : i64} {
  func.func @k(%arg0: i32, %arg1: i32, %arg2: memref<8192x80xf32, #tpu.memory_space<hbm>>, %arg3: memref<65536xi32, #tpu.memory_space<hbm>>, %arg4: memref<65536x80xf32, #tpu.memory_space<hbm>>, %arg5: memref<512xi32, #tpu.memory_space<vmem>>, %arg6: memref<512x80xf32, #tpu.memory_space<vmem>>, %arg7: memref<!tpu.dma_semaphore, #tpu.memory_space<semaphore_mem>>) attributes {dimension_semantics = [#tpu.dimension_semantics<core_parallel>, #tpu.dimension_semantics<subcore_parallel>], iteration_bounds = array<i64: 2, 16>, scalar_prefetch = 0 : i64, scratch_operands = 3 : i64, tpu.core_type = #tpu.core_type<sc_vector_subcore>, window_params = [{transform_indices = #map}, {transform_indices = #map1}, {transform_indices = #map}]} {
    %mul3A = arith.constant 2 : i32
    %mul3A_0 = arith.muli %arg1, %mul3A : i32
    %add3A = arith.addi %mul3A_0, %arg0 : i32
    %mul3A_1 = arith.constant 2048 : i32
    %mul3A_2 = arith.muli %add3A, %mul3A_1 : i32
    %add3A_3 = arith.constant 0 : i32
    %add3A_4 = arith.addi %mul3A_2, %add3A_3 : i32
    "tpu.region"() ({
      %run_scoped3A = tpu.sem_alloc : memref<!tpu.dma_semaphore, #tpu.memory_space<semaphore_mem>>
      %dma_start3A_33 = tpu.memref_slice %arg3[%add3A_4] : memref<65536xi32, #tpu.memory_space<hbm>> -> memref<512xi32, #tpu.memory_space<hbm>>
      %dma_start3A_34 = tpu.memref_slice %arg3[%add3A_4] : memref<65536xi32, #tpu.memory_space<hbm>> -> memref<512xi32, #tpu.memory_space<hbm>>
      tpu.enqueue_dma source(%dma_start3A_34 : memref<512xi32, #tpu.memory_space<hbm>>) target(%arg5 : memref<512xi32, #tpu.memory_space<vmem>>) target_semaphore(%run_scoped3A : memref<!tpu.dma_semaphore, #tpu.memory_space<semaphore_mem>>)
      %dma_wait3A_35 = tpu.memref_slice %arg3[%add3A_4] : memref<65536xi32, #tpu.memory_space<hbm>> -> memref<512xi32, #tpu.memory_space<hbm>>
      %dma_wait3A_36 = tpu.memref_slice %arg3[%add3A_4] : memref<65536xi32, #tpu.memory_space<hbm>> -> memref<512xi32, #tpu.memory_space<hbm>>
      tpu.wait_dma2 semaphore(%run_scoped3A : memref<!tpu.dma_semaphore, #tpu.memory_space<semaphore_mem>>) src(%dma_wait3A_36 : memref<512xi32, #tpu.memory_space<hbm>>) dst(%arg5 : memref<512xi32, #tpu.memory_space<vmem>>)
      tpu.yield
    }) : () -> ()
    %dma_start3A = arith.constant 0 : i32
    %dma_start3A_5 = arith.constant 0 : i32
    %dma_start3A_6 = tpu.memref_slice %arg2[%dma_start3A, %dma_start3A_5] : memref<8192x80xf32, #tpu.memory_space<hbm>> -> memref<8192x80xf32, #tpu.memory_space<hbm>>
    tpu.enqueue_indirect_dma source(%dma_start3A_6 : memref<8192x80xf32, #tpu.memory_space<hbm>>) target(%arg6 : memref<512x80xf32, #tpu.memory_space<vmem>>) offsets(%arg5 : memref<512xi32, #tpu.memory_space<vmem>>) semaphore(%arg7 : memref<!tpu.dma_semaphore, #tpu.memory_space<semaphore_mem>>)
    %dma_wait3A = arith.constant 0 : i32
    %dma_wait3A_7 = arith.constant 0 : i32
    %dma_wait3A_8 = tpu.memref_slice %arg2[%dma_wait3A, %dma_wait3A_7] : memref<8192x80xf32, #tpu.memory_space<hbm>> -> memref<8192x80xf32, #tpu.memory_space<hbm>>
    tpu.wait_indirect_dma semaphore(%arg7 : memref<!tpu.dma_semaphore, #tpu.memory_space<semaphore_mem>>) src(%dma_wait3A_8 : memref<8192x80xf32, #tpu.memory_space<hbm>>) dst(%arg6 : memref<512x80xf32, #tpu.memory_space<vmem>>)
    "tpu.region"() ({
      %run_scoped3A = tpu.sem_alloc : memref<!tpu.dma_semaphore, #tpu.memory_space<semaphore_mem>>
      %dma_start3A_33 = arith.constant 0 : i32
      %dma_start3A_34 = tpu.memref_slice %arg4[%add3A_4, %dma_start3A_33] : memref<65536x80xf32, #tpu.memory_space<hbm>> -> memref<512x80xf32, #tpu.memory_space<hbm>>
      %dma_start3A_35 = arith.constant 0 : i32
      %dma_start3A_36 = tpu.memref_slice %arg4[%add3A_4, %dma_start3A_35] : memref<65536x80xf32, #tpu.memory_space<hbm>> -> memref<512x80xf32, #tpu.memory_space<hbm>>
      tpu.enqueue_dma source(%arg6 : memref<512x80xf32, #tpu.memory_space<vmem>>) target(%dma_start3A_36 : memref<512x80xf32, #tpu.memory_space<hbm>>) target_semaphore(%run_scoped3A : memref<!tpu.dma_semaphore, #tpu.memory_space<semaphore_mem>>)
      %dma_wait3A_37 = arith.constant 0 : i32
      %dma_wait3A_38 = tpu.memref_slice %arg4[%add3A_4, %dma_wait3A_37] : memref<65536x80xf32, #tpu.memory_space<hbm>> -> memref<512x80xf32, #tpu.memory_space<hbm>>
      %dma_wait3A_39 = arith.constant 0 : i32
      %dma_wait3A_40 = tpu.memref_slice %arg4[%add3A_4, %dma_wait3A_39] : memref<65536x80xf32, #tpu.memory_space<hbm>> -> memref<512x80xf32, #tpu.memory_space<hbm>>
      tpu.wait_dma2 semaphore(%run_scoped3A : memref<!tpu.dma_semaphore, #tpu.memory_space<semaphore_mem>>) src(%arg6 : memref<512x80xf32, #tpu.memory_space<vmem>>) dst(%dma_wait3A_40 : memref<512x80xf32, #tpu.memory_space<hbm>>)
      tpu.yield
    }) : () -> ()
    %add3A_9 = arith.constant 512 : i32
    %add3A_10 = arith.addi %mul3A_2, %add3A_9 : i32
    "tpu.region"() ({
      %run_scoped3A = tpu.sem_alloc : memref<!tpu.dma_semaphore, #tpu.memory_space<semaphore_mem>>
      %dma_start3A_33 = tpu.memref_slice %arg3[%add3A_10] : memref<65536xi32, #tpu.memory_space<hbm>> -> memref<512xi32, #tpu.memory_space<hbm>>
      %dma_start3A_34 = tpu.memref_slice %arg3[%add3A_10] : memref<65536xi32, #tpu.memory_space<hbm>> -> memref<512xi32, #tpu.memory_space<hbm>>
      tpu.enqueue_dma source(%dma_start3A_34 : memref<512xi32, #tpu.memory_space<hbm>>) target(%arg5 : memref<512xi32, #tpu.memory_space<vmem>>) target_semaphore(%run_scoped3A : memref<!tpu.dma_semaphore, #tpu.memory_space<semaphore_mem>>)
      %dma_wait3A_35 = tpu.memref_slice %arg3[%add3A_10] : memref<65536xi32, #tpu.memory_space<hbm>> -> memref<512xi32, #tpu.memory_space<hbm>>
      %dma_wait3A_36 = tpu.memref_slice %arg3[%add3A_10] : memref<65536xi32, #tpu.memory_space<hbm>> -> memref<512xi32, #tpu.memory_space<hbm>>
      tpu.wait_dma2 semaphore(%run_scoped3A : memref<!tpu.dma_semaphore, #tpu.memory_space<semaphore_mem>>) src(%dma_wait3A_36 : memref<512xi32, #tpu.memory_space<hbm>>) dst(%arg5 : memref<512xi32, #tpu.memory_space<vmem>>)
      tpu.yield
    }) : () -> ()
    %dma_start3A_11 = arith.constant 0 : i32
    %dma_start3A_12 = arith.constant 0 : i32
    %dma_start3A_13 = tpu.memref_slice %arg2[%dma_start3A_11, %dma_start3A_12] : memref<8192x80xf32, #tpu.memory_space<hbm>> -> memref<8192x80xf32, #tpu.memory_space<hbm>>
    tpu.enqueue_indirect_dma source(%dma_start3A_13 : memref<8192x80xf32, #tpu.memory_space<hbm>>) target(%arg6 : memref<512x80xf32, #tpu.memory_space<vmem>>) offsets(%arg5 : memref<512xi32, #tpu.memory_space<vmem>>) semaphore(%arg7 : memref<!tpu.dma_semaphore, #tpu.memory_space<semaphore_mem>>)
    %dma_wait3A_14 = arith.constant 0 : i32
    %dma_wait3A_15 = arith.constant 0 : i32
    %dma_wait3A_16 = tpu.memref_slice %arg2[%dma_wait3A_14, %dma_wait3A_15] : memref<8192x80xf32, #tpu.memory_space<hbm>> -> memref<8192x80xf32, #tpu.memory_space<hbm>>
    tpu.wait_indirect_dma semaphore(%arg7 : memref<!tpu.dma_semaphore, #tpu.memory_space<semaphore_mem>>) src(%dma_wait3A_16 : memref<8192x80xf32, #tpu.memory_space<hbm>>) dst(%arg6 : memref<512x80xf32, #tpu.memory_space<vmem>>)
    "tpu.region"() ({
      %run_scoped3A = tpu.sem_alloc : memref<!tpu.dma_semaphore, #tpu.memory_space<semaphore_mem>>
      %dma_start3A_33 = arith.constant 0 : i32
      %dma_start3A_34 = tpu.memref_slice %arg4[%add3A_10, %dma_start3A_33] : memref<65536x80xf32, #tpu.memory_space<hbm>> -> memref<512x80xf32, #tpu.memory_space<hbm>>
      %dma_start3A_35 = arith.constant 0 : i32
      %dma_start3A_36 = tpu.memref_slice %arg4[%add3A_10, %dma_start3A_35] : memref<65536x80xf32, #tpu.memory_space<hbm>> -> memref<512x80xf32, #tpu.memory_space<hbm>>
      tpu.enqueue_dma source(%arg6 : memref<512x80xf32, #tpu.memory_space<vmem>>) target(%dma_start3A_36 : memref<512x80xf32, #tpu.memory_space<hbm>>) target_semaphore(%run_scoped3A : memref<!tpu.dma_semaphore, #tpu.memory_space<semaphore_mem>>)
      %dma_wait3A_37 = arith.constant 0 : i32
      %dma_wait3A_38 = tpu.memref_slice %arg4[%add3A_10, %dma_wait3A_37] : memref<65536x80xf32, #tpu.memory_space<hbm>> -> memref<512x80xf32, #tpu.memory_space<hbm>>
      %dma_wait3A_39 = arith.constant 0 : i32
      %dma_wait3A_40 = tpu.memref_slice %arg4[%add3A_10, %dma_wait3A_39] : memref<65536x80xf32, #tpu.memory_space<hbm>> -> memref<512x80xf32, #tpu.memory_space<hbm>>
      tpu.wait_dma2 semaphore(%run_scoped3A : memref<!tpu.dma_semaphore, #tpu.memory_space<semaphore_mem>>) src(%arg6 : memref<512x80xf32, #tpu.memory_space<vmem>>) dst(%dma_wait3A_40 : memref<512x80xf32, #tpu.memory_space<hbm>>)
      tpu.yield
    }) : () -> ()
    %add3A_17 = arith.constant 1024 : i32
    %add3A_18 = arith.addi %mul3A_2, %add3A_17 : i32
    "tpu.region"() ({
      %run_scoped3A = tpu.sem_alloc : memref<!tpu.dma_semaphore, #tpu.memory_space<semaphore_mem>>
      %dma_start3A_33 = tpu.memref_slice %arg3[%add3A_18] : memref<65536xi32, #tpu.memory_space<hbm>> -> memref<512xi32, #tpu.memory_space<hbm>>
      %dma_start3A_34 = tpu.memref_slice %arg3[%add3A_18] : memref<65536xi32, #tpu.memory_space<hbm>> -> memref<512xi32, #tpu.memory_space<hbm>>
      tpu.enqueue_dma source(%dma_start3A_34 : memref<512xi32, #tpu.memory_space<hbm>>) target(%arg5 : memref<512xi32, #tpu.memory_space<vmem>>) target_semaphore(%run_scoped3A : memref<!tpu.dma_semaphore, #tpu.memory_space<semaphore_mem>>)
      %dma_wait3A_35 = tpu.memref_slice %arg3[%add3A_18] : memref<65536xi32, #tpu.memory_space<hbm>> -> memref<512xi32, #tpu.memory_space<hbm>>
      %dma_wait3A_36 = tpu.memref_slice %arg3[%add3A_18] : memref<65536xi32, #tpu.memory_space<hbm>> -> memref<512xi32, #tpu.memory_space<hbm>>
      tpu.wait_dma2 semaphore(%run_scoped3A : memref<!tpu.dma_semaphore, #tpu.memory_space<semaphore_mem>>) src(%dma_wait3A_36 : memref<512xi32, #tpu.memory_space<hbm>>) dst(%arg5 : memref<512xi32, #tpu.memory_space<vmem>>)
      tpu.yield
    }) : () -> ()
    %dma_start3A_19 = arith.constant 0 : i32
    %dma_start3A_20 = arith.constant 0 : i32
    %dma_start3A_21 = tpu.memref_slice %arg2[%dma_start3A_19, %dma_start3A_20] : memref<8192x80xf32, #tpu.memory_space<hbm>> -> memref<8192x80xf32, #tpu.memory_space<hbm>>
    tpu.enqueue_indirect_dma source(%dma_start3A_21 : memref<8192x80xf32, #tpu.memory_space<hbm>>) target(%arg6 : memref<512x80xf32, #tpu.memory_space<vmem>>) offsets(%arg5 : memref<512xi32, #tpu.memory_space<vmem>>) semaphore(%arg7 : memref<!tpu.dma_semaphore, #tpu.memory_space<semaphore_mem>>)
    %dma_wait3A_22 = arith.constant 0 : i32
    %dma_wait3A_23 = arith.constant 0 : i32
    %dma_wait3A_24 = tpu.memref_slice %arg2[%dma_wait3A_22, %dma_wait3A_23] : memref<8192x80xf32, #tpu.memory_space<hbm>> -> memref<8192x80xf32, #tpu.memory_space<hbm>>
    tpu.wait_indirect_dma semaphore(%arg7 : memref<!tpu.dma_semaphore, #tpu.memory_space<semaphore_mem>>) src(%dma_wait3A_24 : memref<8192x80xf32, #tpu.memory_space<hbm>>) dst(%arg6 : memref<512x80xf32, #tpu.memory_space<vmem>>)
    "tpu.region"() ({
      %run_scoped3A = tpu.sem_alloc : memref<!tpu.dma_semaphore, #tpu.memory_space<semaphore_mem>>
      %dma_start3A_33 = arith.constant 0 : i32
      %dma_start3A_34 = tpu.memref_slice %arg4[%add3A_18, %dma_start3A_33] : memref<65536x80xf32, #tpu.memory_space<hbm>> -> memref<512x80xf32, #tpu.memory_space<hbm>>
      %dma_start3A_35 = arith.constant 0 : i32
      %dma_start3A_36 = tpu.memref_slice %arg4[%add3A_18, %dma_start3A_35] : memref<65536x80xf32, #tpu.memory_space<hbm>> -> memref<512x80xf32, #tpu.memory_space<hbm>>
      tpu.enqueue_dma source(%arg6 : memref<512x80xf32, #tpu.memory_space<vmem>>) target(%dma_start3A_36 : memref<512x80xf32, #tpu.memory_space<hbm>>) target_semaphore(%run_scoped3A : memref<!tpu.dma_semaphore, #tpu.memory_space<semaphore_mem>>)
      %dma_wait3A_37 = arith.constant 0 : i32
      %dma_wait3A_38 = tpu.memref_slice %arg4[%add3A_18, %dma_wait3A_37] : memref<65536x80xf32, #tpu.memory_space<hbm>> -> memref<512x80xf32, #tpu.memory_space<hbm>>
      %dma_wait3A_39 = arith.constant 0 : i32
      %dma_wait3A_40 = tpu.memref_slice %arg4[%add3A_18, %dma_wait3A_39] : memref<65536x80xf32, #tpu.memory_space<hbm>> -> memref<512x80xf32, #tpu.memory_space<hbm>>
      tpu.wait_dma2 semaphore(%run_scoped3A : memref<!tpu.dma_semaphore, #tpu.memory_space<semaphore_mem>>) src(%arg6 : memref<512x80xf32, #tpu.memory_space<vmem>>) dst(%dma_wait3A_40 : memref<512x80xf32, #tpu.memory_space<hbm>>)
      tpu.yield
    }) : () -> ()
    %add3A_25 = arith.constant 1536 : i32
    %add3A_26 = arith.addi %mul3A_2, %add3A_25 : i32
    "tpu.region"() ({
      %run_scoped3A = tpu.sem_alloc : memref<!tpu.dma_semaphore, #tpu.memory_space<semaphore_mem>>
      %dma_start3A_33 = tpu.memref_slice %arg3[%add3A_26] : memref<65536xi32, #tpu.memory_space<hbm>> -> memref<512xi32, #tpu.memory_space<hbm>>
      %dma_start3A_34 = tpu.memref_slice %arg3[%add3A_26] : memref<65536xi32, #tpu.memory_space<hbm>> -> memref<512xi32, #tpu.memory_space<hbm>>
      tpu.enqueue_dma source(%dma_start3A_34 : memref<512xi32, #tpu.memory_space<hbm>>) target(%arg5 : memref<512xi32, #tpu.memory_space<vmem>>) target_semaphore(%run_scoped3A : memref<!tpu.dma_semaphore, #tpu.memory_space<semaphore_mem>>)
      %dma_wait3A_35 = tpu.memref_slice %arg3[%add3A_26] : memref<65536xi32, #tpu.memory_space<hbm>> -> memref<512xi32, #tpu.memory_space<hbm>>
      %dma_wait3A_36 = tpu.memref_slice %arg3[%add3A_26] : memref<65536xi32, #tpu.memory_space<hbm>> -> memref<512xi32, #tpu.memory_space<hbm>>
      tpu.wait_dma2 semaphore(%run_scoped3A : memref<!tpu.dma_semaphore, #tpu.memory_space<semaphore_mem>>) src(%dma_wait3A_36 : memref<512xi32, #tpu.memory_space<hbm>>) dst(%arg5 : memref<512xi32, #tpu.memory_space<vmem>>)
      tpu.yield
    }) : () -> ()
    %dma_start3A_27 = arith.constant 0 : i32
    %dma_start3A_28 = arith.constant 0 : i32
    %dma_start3A_29 = tpu.memref_slice %arg2[%dma_start3A_27, %dma_start3A_28] : memref<8192x80xf32, #tpu.memory_space<hbm>> -> memref<8192x80xf32, #tpu.memory_space<hbm>>
    tpu.enqueue_indirect_dma source(%dma_start3A_29 : memref<8192x80xf32, #tpu.memory_space<hbm>>) target(%arg6 : memref<512x80xf32, #tpu.memory_space<vmem>>) offsets(%arg5 : memref<512xi32, #tpu.memory_space<vmem>>) semaphore(%arg7 : memref<!tpu.dma_semaphore, #tpu.memory_space<semaphore_mem>>)
    %dma_wait3A_30 = arith.constant 0 : i32
    %dma_wait3A_31 = arith.constant 0 : i32
    %dma_wait3A_32 = tpu.memref_slice %arg2[%dma_wait3A_30, %dma_wait3A_31] : memref<8192x80xf32, #tpu.memory_space<hbm>> -> memref<8192x80xf32, #tpu.memory_space<hbm>>
    tpu.wait_indirect_dma semaphore(%arg7 : memref<!tpu.dma_semaphore, #tpu.memory_space<semaphore_mem>>) src(%dma_wait3A_32 : memref<8192x80xf32, #tpu.memory_space<hbm>>) dst(%arg6 : memref<512x80xf32, #tpu.memory_space<vmem>>)
    "tpu.region"() ({
      %run_scoped3A = tpu.sem_alloc : memref<!tpu.dma_semaphore, #tpu.memory_space<semaphore_mem>>
      %dma_start3A_33 = arith.constant 0 : i32
      %dma_start3A_34 = tpu.memref_slice %arg4[%add3A_26, %dma_start3A_33] : memref<65536x80xf32, #tpu.memory_space<hbm>> -> memref<512x80xf32, #tpu.memory_space<hbm>>
      %dma_start3A_35 = arith.constant 0 : i32
      %dma_start3A_36 = tpu.memref_slice %arg4[%add3A_26, %dma_start3A_35] : memref<65536x80xf32, #tpu.memory_space<hbm>> -> memref<512x80xf32, #tpu.memory_space<hbm>>
      tpu.enqueue_dma source(%arg6 : memref<512x80xf32, #tpu.memory_space<vmem>>) target(%dma_start3A_36 : memref<512x80xf32, #tpu.memory_space<hbm>>) target_semaphore(%run_scoped3A : memref<!tpu.dma_semaphore, #tpu.memory_space<semaphore_mem>>)
      %dma_wait3A_37 = arith.constant 0 : i32
      %dma_wait3A_38 = tpu.memref_slice %arg4[%add3A_26, %dma_wait3A_37] : memref<65536x80xf32, #tpu.memory_space<hbm>> -> memref<512x80xf32, #tpu.memory_space<hbm>>
      %dma_wait3A_39 = arith.constant 0 : i32
      %dma_wait3A_40 = tpu.memref_slice %arg4[%add3A_26, %dma_wait3A_39] : memref<65536x80xf32, #tpu.memory_space<hbm>> -> memref<512x80xf32, #tpu.memory_space<hbm>>
      tpu.wait_dma2 semaphore(%run_scoped3A : memref<!tpu.dma_semaphore, #tpu.memory_space<semaphore_mem>>) src(%arg6 : memref<512x80xf32, #tpu.memory_space<vmem>>) dst(%dma_wait3A_40 : memref<512x80xf32, #tpu.memory_space<hbm>>)
      tpu.yield
    }) : () -> ()
    return
  }
}

module attributes {stable_mosaic.version = 14 : i64} {
  func.func @_fps_body(%arg0: memref<8x3x4096xf32, #tpu.memory_space<vmem>>, %arg1: memref<8x3x1024xf32, #tpu.memory_space<vmem>>) attributes {dimension_semantics = [], scalar_prefetch = 0 : i64, scratch_operands = 0 : i64, tpu.core_type = #tpu.core_type<tc>} {
    %get3A = arith.constant 0 : index
    %get3A_0 = arith.constant 0 : index
    %get3A_1 = arith.constant 0 : index
    %get3A_2 = vector.load %arg0[%get3A, %get3A_0, %get3A_1] : memref<8x3x4096xf32, #tpu.memory_space<vmem>>, vector<8x3x4096xf32>
    %iota3A = tpu.iota {dimensions = array<i32: 1>} : vector<8x4096xi32>
    %iota3A_3 = tpu.iota {dimensions = array<i32: 2>} : vector<8x3x1024xi32>
    %broadcast_in_dim3A = arith.constant 1.000000e+10 : f32
    %broadcast_in_dim3A_4 = vector.broadcast %broadcast_in_dim3A : f32 to vector<8x4096xf32>
    %broadcast_in_dim3A_5 = arith.constant 0 : i32
    %broadcast_in_dim3A_6 = vector.broadcast %broadcast_in_dim3A_5 : i32 to vector<8x1xi32>
    %broadcast_in_dim3A_7 = arith.constant 0.000000e+00 : f32
    %broadcast_in_dim3A_8 = vector.broadcast %broadcast_in_dim3A_7 : f32 to vector<8x3x1024xf32>
    %scan3A = arith.constant 0 : i32
    %scan3A_9 = arith.constant 1024 : i32
    %scan3A_10 = arith.addi %scan3A, %scan3A_9 : i32
    %scan3A_11 = arith.constant 1 : i32
    %scan3A_12:3 = scf.for %scan3A_17 = %scan3A to %scan3A_10 step %scan3A_11 iter_args(%scan3A_18 = %broadcast_in_dim3A_4, %scan3A_19 = %broadcast_in_dim3A_6, %scan3A_20 = %broadcast_in_dim3A_8) -> (vector<8x4096xf32>, vector<8x1xi32>, vector<8x3x1024xf32>)  : i32 {
      %eq3A = vector.broadcast %scan3A_19 : vector<8x1xi32> to vector<8x4096xi32>
      %eq3A_21 = arith.cmpi eq, %iota3A, %eq3A : vector<8x4096xi32>
      %convert_element_type3A = arith.extui %eq3A_21 : vector<8x4096xi1> to vector<8x4096xi32>
      %convert_element_type3A_22 = arith.sitofp %convert_element_type3A : vector<8x4096xi32> to vector<8x4096xf32>
      %broadcast_in_dim3A_23 = vector.shape_cast %convert_element_type3A_22 : vector<8x4096xf32> to vector<8x1x4096xf32>
      %mul3A = vector.broadcast %broadcast_in_dim3A_23 : vector<8x1x4096xf32> to vector<8x3x4096xf32>
      %mul3A_24 = arith.mulf %get3A_2, %mul3A : vector<8x3x4096xf32>
      %reduce_sum3A = arith.constant dense<0.000000e+00> : vector<8x3xf32>
      %reduce_sum3A_25 = vector.multi_reduction <add>, %mul3A_24, %reduce_sum3A [2] : vector<8x3x4096xf32> to vector<8x3xf32>
      %broadcast_in_dim3A_26 = vector.shape_cast %reduce_sum3A_25 : vector<8x3xf32> to vector<8x3x1xf32>
      %eq3A_27 = vector.broadcast %scan3A_17 : i32 to vector<8x3x1024xi32>
      %eq3A_28 = arith.cmpi eq, %iota3A_3, %eq3A_27 : vector<8x3x1024xi32>
      %broadcast_in_dim3A_29 = vector.shape_cast %broadcast_in_dim3A_26 : vector<8x3x1xf32> to vector<8x3x1xf32>
      %broadcast_in_dim3A_30 = vector.broadcast %broadcast_in_dim3A_29 : vector<8x3x1xf32> to vector<8x3x1024xf32>
      %select_n3A = arith.select %eq3A_28, %broadcast_in_dim3A_30, %scan3A_20 : vector<8x3x1024xi1>, vector<8x3x1024xf32>
      %sub3A = vector.broadcast %broadcast_in_dim3A_26 : vector<8x3x1xf32> to vector<8x3x4096xf32>
      %sub3A_31 = arith.subf %get3A_2, %sub3A : vector<8x3x4096xf32>
      %slice3A = vector.extract_strided_slice %sub3A_31 {offsets = [0, 0, 0], sizes = [8, 1, 4096], strides = [1, 1, 1]} : vector<8x3x4096xf32> to vector<8x1x4096xf32>
      %squeeze3A = vector.shape_cast %slice3A : vector<8x1x4096xf32> to vector<8x4096xf32>
      %slice3A_32 = vector.extract_strided_slice %sub3A_31 {offsets = [0, 0, 0], sizes = [8, 1, 4096], strides = [1, 1, 1]} : vector<8x3x4096xf32> to vector<8x1x4096xf32>
      %squeeze3A_33 = vector.shape_cast %slice3A_32 : vector<8x1x4096xf32> to vector<8x4096xf32>
      %mul3A_34 = arith.mulf %squeeze3A, %squeeze3A_33 : vector<8x4096xf32>
      %slice3A_35 = vector.extract_strided_slice %sub3A_31 {offsets = [0, 1, 0], sizes = [8, 1, 4096], strides = [1, 1, 1]} : vector<8x3x4096xf32> to vector<8x1x4096xf32>
      %squeeze3A_36 = vector.shape_cast %slice3A_35 : vector<8x1x4096xf32> to vector<8x4096xf32>
      %slice3A_37 = vector.extract_strided_slice %sub3A_31 {offsets = [0, 1, 0], sizes = [8, 1, 4096], strides = [1, 1, 1]} : vector<8x3x4096xf32> to vector<8x1x4096xf32>
      %squeeze3A_38 = vector.shape_cast %slice3A_37 : vector<8x1x4096xf32> to vector<8x4096xf32>
      %mul3A_39 = arith.mulf %squeeze3A_36, %squeeze3A_38 : vector<8x4096xf32>
      %add3A = arith.addf %mul3A_34, %mul3A_39 : vector<8x4096xf32>
      %slice3A_40 = vector.extract_strided_slice %sub3A_31 {offsets = [0, 2, 0], sizes = [8, 1, 4096], strides = [1, 1, 1]} : vector<8x3x4096xf32> to vector<8x1x4096xf32>
      %squeeze3A_41 = vector.shape_cast %slice3A_40 : vector<8x1x4096xf32> to vector<8x4096xf32>
      %slice3A_42 = vector.extract_strided_slice %sub3A_31 {offsets = [0, 2, 0], sizes = [8, 1, 4096], strides = [1, 1, 1]} : vector<8x3x4096xf32> to vector<8x1x4096xf32>
      %squeeze3A_43 = vector.shape_cast %slice3A_42 : vector<8x1x4096xf32> to vector<8x4096xf32>
      %mul3A_44 = arith.mulf %squeeze3A_41, %squeeze3A_43 : vector<8x4096xf32>
      %add3A_45 = arith.addf %add3A, %mul3A_44 : vector<8x4096xf32>
      %min3A = arith.minimumf %scan3A_18, %add3A_45 : vector<8x4096xf32>
      %reduce_max3A = arith.constant dense<0xFF800000> : vector<8xf32>
      %reduce_max3A_46 = vector.multi_reduction <maximumf>, %min3A, %reduce_max3A [1] : vector<8x4096xf32> to vector<8xf32>
      %broadcast_in_dim3A_47 = vector.shape_cast %reduce_max3A_46 : vector<8xf32> to vector<8x1xf32>
      %eq3A_48 = vector.broadcast %broadcast_in_dim3A_47 : vector<8x1xf32> to vector<8x4096xf32>
      %eq3A_49 = arith.cmpf oeq, %min3A, %eq3A_48 : vector<8x4096xf32>
      %jit3A = arith.constant 4096 : i32
      %broadcast_in_dim3A_50 = vector.broadcast %jit3A : i32 to vector<8x4096xi32>
      %select_n3A_51 = arith.select %eq3A_49, %iota3A, %broadcast_in_dim3A_50 : vector<8x4096xi1>, vector<8x4096xi32>
      %reduce_min3A = arith.constant dense<2147483647> : vector<8xi32>
      %reduce_min3A_52 = vector.multi_reduction <minsi>, %select_n3A_51, %reduce_min3A [1] : vector<8x4096xi32> to vector<8xi32>
      %broadcast_in_dim3A_53 = vector.shape_cast %reduce_min3A_52 : vector<8xi32> to vector<8x1xi32>
      scf.yield %min3A, %broadcast_in_dim3A_53, %select_n3A : vector<8x4096xf32>, vector<8x1xi32>, vector<8x3x1024xf32>
    }
    %scan3A_13 = arith.constant 1024 : i32
    %swap3A = arith.constant 0 : index
    %swap3A_14 = arith.constant 0 : index
    %swap3A_15 = arith.constant 0 : index
    %swap3A_16 = vector.load %arg1[%swap3A, %swap3A_14, %swap3A_15] : memref<8x3x1024xf32, #tpu.memory_space<vmem>>, vector<8x3x1024xf32>
    tpu.vector_store %arg1[%swap3A, %swap3A_14, %swap3A_15], %scan3A_12#2 {strides = array<i32>} : memref<8x3x1024xf32, #tpu.memory_space<vmem>>, vector<8x3x1024xf32>,
    return
  }
}

module attributes {stable_mosaic.version = 14 : i64} {
  func.func @_bq_body(%arg0: i32, %arg1: i32, %arg2: memref<1x256x3xf32, #tpu.memory_space<vmem>>, %arg3: memref<1x3x4096xf32, #tpu.memory_space<vmem>>, %arg4: memref<1x256x32xi32, #tpu.memory_space<vmem>>) attributes {dimension_semantics = [#tpu.dimension_semantics<arbitrary>, #tpu.dimension_semantics<arbitrary>], iteration_bounds = array<i64: 8, 4>, scalar_prefetch = 0 : i64, scratch_operands = 0 : i64, tpu.core_type = #tpu.core_type<tc>, window_params = [{transform_indices = @transform_0, window_bounds = array<i64: 1, 256, 3>}, {transform_indices = @transform_1, window_bounds = array<i64: 1, 3, 4096>}, {transform_indices = @transform_2, window_bounds = array<i64: 1, 256, 32>}]} {
    %get3A = arith.constant 0 : index
    %get3A_0 = arith.constant 0 : index
    %get3A_1 = arith.constant 0 : index
    %get3A_2 = vector.load %arg2[%get3A, %get3A_0, %get3A_1] : memref<1x256x3xf32, #tpu.memory_space<vmem>>, vector<1x256x3xf32>
    %get3A_3 = vector.shape_cast %get3A_2 : vector<1x256x3xf32> to vector<256x3xf32>
    %get3A_4 = arith.constant 0 : index
    %get3A_5 = arith.constant 0 : index
    %get3A_6 = arith.constant 0 : index
    %get3A_7 = vector.load %arg3[%get3A_4, %get3A_5, %get3A_6] : memref<1x3x4096xf32, #tpu.memory_space<vmem>>, vector<1x3x4096xf32>
    %get3A_8 = vector.shape_cast %get3A_7 : vector<1x3x4096xf32> to vector<3x4096xf32>
    %dot_general3A = arith.constant dense<0.000000e+00> : vector<256x4096xf32>
    %dot_general3A_9 = tpu.matmul %get3A_3, %get3A_8, %dot_general3A {dimension_numbers = #tpu.dot_dimension_numbers<[1], [0], [0], [1], [0, 0, 1, 1], [], []>, transpose_lhs_hint = false} : vector<256x3xf32>, vector<3x4096xf32>, vector<256x4096xf32> -> vector<256x4096xf32>
    %mul3A = arith.mulf %get3A_3, %get3A_3 : vector<256x3xf32>
    %reduce_sum3A = arith.constant dense<0.000000e+00> : vector<256xf32>
    %reduce_sum3A_10 = vector.multi_reduction <add>, %mul3A, %reduce_sum3A [1] : vector<256x3xf32> to vector<256xf32>
    %broadcast_in_dim3A = vector.shape_cast %reduce_sum3A_10 : vector<256xf32> to vector<256x1xf32>
    %mul3A_11 = arith.mulf %get3A_8, %get3A_8 : vector<3x4096xf32>
    %reduce_sum3A_12 = arith.constant dense<0.000000e+00> : vector<4096xf32>
    %reduce_sum3A_13 = vector.multi_reduction <add>, %mul3A_11, %reduce_sum3A_12 [0] : vector<3x4096xf32> to vector<4096xf32>
    %broadcast_in_dim3A_14 = vector.shape_cast %reduce_sum3A_13 : vector<4096xf32> to vector<1x4096xf32>
    %add3A = vector.broadcast %broadcast_in_dim3A : vector<256x1xf32> to vector<256x4096xf32>
    %add3A_15 = vector.broadcast %broadcast_in_dim3A_14 : vector<1x4096xf32> to vector<256x4096xf32>
    %add3A_16 = arith.addf %add3A, %add3A_15 : vector<256x4096xf32>
    %mul3A_17 = arith.constant 2.000000e+00 : f32
    %mul3A_18 = vector.broadcast %mul3A_17 : f32 to vector<256x4096xf32>
    %mul3A_19 = arith.mulf %mul3A_18, %dot_general3A_9 : vector<256x4096xf32>
    %sub3A = arith.subf %add3A_16, %mul3A_19 : vector<256x4096xf32>
    %gt3A = arith.constant 2.500000e-01 : f32
    %gt3A_20 = vector.broadcast %gt3A : f32 to vector<256x4096xf32>
    %gt3A_21 = arith.cmpf ogt, %sub3A, %gt3A_20 : vector<256x4096xf32>
    %not3A = arith.constant dense<true> : vector<256x4096xi1>
    %not3A_22 = arith.xori %gt3A_21, %not3A : vector<256x4096xi1>
    %iota3A = tpu.iota {dimensions = array<i32: 0>} : vector<128x128xi32>
    %iota3A_23 = tpu.iota {dimensions = array<i32: 1>} : vector<128x128xi32>
    %le3A = arith.cmpi sle, %iota3A, %iota3A_23 : vector<128x128xi32>
    %convert_element_type3A = arith.extui %le3A : vector<128x128xi1> to vector<128x128xi32>
    %convert_element_type3A_24 = arith.sitofp %convert_element_type3A : vector<128x128xi32> to vector<128x128xf32>
    %iota3A_25 = tpu.iota {dimensions = array<i32: 0>} : vector<32x32xi32>
    %iota3A_26 = tpu.iota {dimensions = array<i32: 1>} : vector<32x32xi32>
    %lt3A = arith.cmpi slt, %iota3A_25, %iota3A_26 : vector<32x32xi32>
    %convert_element_type3A_27 = arith.extui %lt3A : vector<32x32xi1> to vector<32x32xi32>
    %convert_element_type3A_28 = arith.sitofp %convert_element_type3A_27 : vector<32x32xi32> to vector<32x32xf32>
    %convert_element_type3A_29 = arith.extui %not3A_22 : vector<256x4096xi1> to vector<256x4096xi32>
    %convert_element_type3A_30 = arith.sitofp %convert_element_type3A_29 : vector<256x4096xi32> to vector<256x4096xf32>
    %reshape3A = vector.shape_cast %convert_element_type3A_30 : vector<256x4096xf32> to vector<8192x128xf32>
    %dot_general3A_31 = arith.constant dense<0.000000e+00> : vector<8192x128xf32>
    %dot_general3A_32 = tpu.matmul %reshape3A, %convert_element_type3A_24, %dot_general3A_31 {dimension_numbers = #tpu.dot_dimension_numbers<[1], [0], [0], [1], [0, 0, 1, 1], [], []>, transpose_lhs_hint = false} : vector<8192x128xf32>, vector<128x128xf32>, vector<8192x128xf32> -> vector<8192x128xf32>
    %slice3A = vector.extract_strided_slice %dot_general3A_32 {offsets = [0, 127], sizes = [8192, 1], strides = [1, 1]} : vector<8192x128xf32> to vector<8192x1xf32>
    %reshape3A_33 = vector.shape_cast %slice3A : vector<8192x1xf32> to vector<256x32xf32>
    %dot_general3A_34 = arith.constant dense<0.000000e+00> : vector<256x32xf32>
    %dot_general3A_35 = tpu.matmul %reshape3A_33, %convert_element_type3A_28, %dot_general3A_34 {dimension_numbers = #tpu.dot_dimension_numbers<[1], [0], [0], [1], [0, 0, 1, 1], [], []>, transpose_lhs_hint = false} : vector<256x32xf32>, vector<32x32xf32>, vector<256x32xf32> -> vector<256x32xf32>
    %reshape3A_36 = vector.shape_cast %dot_general3A_32 : vector<8192x128xf32> to vector<256x32x128xf32>
    %broadcast_in_dim3A_37 = vector.shape_cast %dot_general3A_35 : vector<256x32xf32> to vector<256x32x1xf32>
    %add3A_38 = vector.broadcast %broadcast_in_dim3A_37 : vector<256x32x1xf32> to vector<256x32x128xf32>
    %add3A_39 = arith.addf %reshape3A_36, %add3A_38 : vector<256x32x128xf32>
    %reshape3A_40 = vector.shape_cast %add3A_39 : vector<256x32x128xf32> to vector<256x4096xf32>
    %convert_element_type3A_41 = arith.fptosi %reshape3A_40 : vector<256x4096xf32> to vector<256x4096xi32>
    %slice3A_42 = vector.extract_strided_slice %convert_element_type3A_41 {offsets = [0, 4095], sizes = [256, 1], strides = [1, 1]} : vector<256x4096xi32> to vector<256x1xi32>
    %le3A_43 = arith.constant 0 : i32
    %le3A_44 = vector.broadcast %le3A_43 : i32 to vector<256x4096xi32>
    %le3A_45 = arith.cmpi sle, %convert_element_type3A_41, %le3A_44 : vector<256x4096xi32>
    %jit3A = arith.constant 1.000000e+00 : f32
    %jit3A_46 = arith.constant 0.000000e+00 : f32
    %broadcast_in_dim3A_47 = vector.broadcast %jit3A : f32 to vector<256x4096xf32>
    %broadcast_in_dim3A_48 = vector.broadcast %jit3A_46 : f32 to vector<256x4096xf32>
    %select_n3A = arith.select %le3A_45, %broadcast_in_dim3A_47, %broadcast_in_dim3A_48 : vector<256x4096xi1>, vector<256x4096xf32>
    %reduce_sum3A_49 = arith.constant dense<0.000000e+00> : vector<256xf32>
    %reduce_sum3A_50 = vector.multi_reduction <add>, %select_n3A, %reduce_sum3A_49 [1] : vector<256x4096xf32> to vector<256xf32>
    %broadcast_in_dim3A_51 = vector.shape_cast %reduce_sum3A_50 : vector<256xf32> to vector<256x1xf32>
    %convert_element_type3A_52 = arith.fptosi %broadcast_in_dim3A_51 : vector<256x1xf32> to vector<256x1xi32>
    %le3A_53 = arith.constant 1 : i32
    %le3A_54 = vector.broadcast %le3A_53 : i32 to vector<256x4096xi32>
    %le3A_55 = arith.cmpi sle, %convert_element_type3A_41, %le3A_54 : vector<256x4096xi32>
    %jit3A_56 = arith.constant 1.000000e+00 : f32
    %jit3A_57 = arith.constant 0.000000e+00 : f32
    %broadcast_in_dim3A_58 = vector.broadcast %jit3A_56 : f32 to vector<256x4096xf32>
    %broadcast_in_dim3A_59 = vector.broadcast %jit3A_57 : f32 to vector<256x4096xf32>
    %select_n3A_60 = arith.select %le3A_55, %broadcast_in_dim3A_58, %broadcast_in_dim3A_59 : vector<256x4096xi1>, vector<256x4096xf32>
    %reduce_sum3A_61 = arith.constant dense<0.000000e+00> : vector<256xf32>
    %reduce_sum3A_62 = vector.multi_reduction <add>, %select_n3A_60, %reduce_sum3A_61 [1] : vector<256x4096xf32> to vector<256xf32>
    %broadcast_in_dim3A_63 = vector.shape_cast %reduce_sum3A_62 : vector<256xf32> to vector<256x1xf32>
    %convert_element_type3A_64 = arith.fptosi %broadcast_in_dim3A_63 : vector<256x1xf32> to vector<256x1xi32>
    %gt3A_65 = arith.constant 1 : i32
    %gt3A_66 = vector.broadcast %gt3A_65 : i32 to vector<256x1xi32>
    %gt3A_67 = arith.cmpi sgt, %slice3A_42, %gt3A_66 : vector<256x1xi32>
    %select_n3A_68 = arith.select %gt3A_67, %convert_element_type3A_64, %convert_element_type3A_52 : vector<256x1xi1>, vector<256x1xi32>
    %le3A_69 = arith.constant 2 : i32
    %le3A_70 = vector.broadcast %le3A_69 : i32 to vector<256x4096xi32>
    %le3A_71 = arith.cmpi sle, %convert_element_type3A_41, %le3A_70 : vector<256x4096xi32>
    %jit3A_72 = arith.constant 1.000000e+00 : f32
    %jit3A_73 = arith.constant 0.000000e+00 : f32
    %broadcast_in_dim3A_74 = vector.broadcast %jit3A_72 : f32 to vector<256x4096xf32>
    %broadcast_in_dim3A_75 = vector.broadcast %jit3A_73 : f32 to vector<256x4096xf32>
    %select_n3A_76 = arith.select %le3A_71, %broadcast_in_dim3A_74, %broadcast_in_dim3A_75 : vector<256x4096xi1>, vector<256x4096xf32>
    %reduce_sum3A_77 = arith.constant dense<0.000000e+00> : vector<256xf32>
    %reduce_sum3A_78 = vector.multi_reduction <add>, %select_n3A_76, %reduce_sum3A_77 [1] : vector<256x4096xf32> to vector<256xf32>
    %broadcast_in_dim3A_79 = vector.shape_cast %reduce_sum3A_78 : vector<256xf32> to vector<256x1xf32>
    %convert_element_type3A_80 = arith.fptosi %broadcast_in_dim3A_79 : vector<256x1xf32> to vector<256x1xi32>
    %gt3A_81 = arith.constant 2 : i32
    %gt3A_82 = vector.broadcast %gt3A_81 : i32 to vector<256x1xi32>
    %gt3A_83 = arith.cmpi sgt, %slice3A_42, %gt3A_82 : vector<256x1xi32>
    %select_n3A_84 = arith.select %gt3A_83, %convert_element_type3A_80, %convert_element_type3A_52 : vector<256x1xi1>, vector<256x1xi32>
    %le3A_85 = arith.constant 3 : i32
    %le3A_86 = vector.broadcast %le3A_85 : i32 to vector<256x4096xi32>
    %le3A_87 = arith.cmpi sle, %convert_element_type3A_41, %le3A_86 : vector<256x4096xi32>
    %jit3A_88 = arith.constant 1.000000e+00 : f32
    %jit3A_89 = arith.constant 0.000000e+00 : f32
    %broadcast_in_dim3A_90 = vector.broadcast %jit3A_88 : f32 to vector<256x4096xf32>
    %broadcast_in_dim3A_91 = vector.broadcast %jit3A_89 : f32 to vector<256x4096xf32>
    %select_n3A_92 = arith.select %le3A_87, %broadcast_in_dim3A_90, %broadcast_in_dim3A_91 : vector<256x4096xi1>, vector<256x4096xf32>
    %reduce_sum3A_93 = arith.constant dense<0.000000e+00> : vector<256xf32>
    %reduce_sum3A_94 = vector.multi_reduction <add>, %select_n3A_92, %reduce_sum3A_93 [1] : vector<256x4096xf32> to vector<256xf32>
    %broadcast_in_dim3A_95 = vector.shape_cast %reduce_sum3A_94 : vector<256xf32> to vector<256x1xf32>
    %convert_element_type3A_96 = arith.fptosi %broadcast_in_dim3A_95 : vector<256x1xf32> to vector<256x1xi32>
    %gt3A_97 = arith.constant 3 : i32
    %gt3A_98 = vector.broadcast %gt3A_97 : i32 to vector<256x1xi32>
    %gt3A_99 = arith.cmpi sgt, %slice3A_42, %gt3A_98 : vector<256x1xi32>
    %select_n3A_100 = arith.select %gt3A_99, %convert_element_type3A_96, %convert_element_type3A_52 : vector<256x1xi1>, vector<256x1xi32>
    %le3A_101 = arith.constant 4 : i32
    %le3A_102 = vector.broadcast %le3A_101 : i32 to vector<256x4096xi32>
    %le3A_103 = arith.cmpi sle, %convert_element_type3A_41, %le3A_102 : vector<256x4096xi32>
    %jit3A_104 = arith.constant 1.000000e+00 : f32
    %jit3A_105 = arith.constant 0.000000e+00 : f32
    %broadcast_in_dim3A_106 = vector.broadcast %jit3A_104 : f32 to vector<256x4096xf32>
    %broadcast_in_dim3A_107 = vector.broadcast %jit3A_105 : f32 to vector<256x4096xf32>
    %select_n3A_108 = arith.select %le3A_103, %broadcast_in_dim3A_106, %broadcast_in_dim3A_107 : vector<256x4096xi1>, vector<256x4096xf32>
    %reduce_sum3A_109 = arith.constant dense<0.000000e+00> : vector<256xf32>
    %reduce_sum3A_110 = vector.multi_reduction <add>, %select_n3A_108, %reduce_sum3A_109 [1] : vector<256x4096xf32> to vector<256xf32>
    %broadcast_in_dim3A_111 = vector.shape_cast %reduce_sum3A_110 : vector<256xf32> to vector<256x1xf32>
    %convert_element_type3A_112 = arith.fptosi %broadcast_in_dim3A_111 : vector<256x1xf32> to vector<256x1xi32>
    %gt3A_113 = arith.constant 4 : i32
    %gt3A_114 = vector.broadcast %gt3A_113 : i32 to vector<256x1xi32>
    %gt3A_115 = arith.cmpi sgt, %slice3A_42, %gt3A_114 : vector<256x1xi32>
    %select_n3A_116 = arith.select %gt3A_115, %convert_element_type3A_112, %convert_element_type3A_52 : vector<256x1xi1>, vector<256x1xi32>
    %le3A_117 = arith.constant 5 : i32
    %le3A_118 = vector.broadcast %le3A_117 : i32 to vector<256x4096xi32>
    %le3A_119 = arith.cmpi sle, %convert_element_type3A_41, %le3A_118 : vector<256x4096xi32>
    %jit3A_120 = arith.constant 1.000000e+00 : f32
    %jit3A_121 = arith.constant 0.000000e+00 : f32
    %broadcast_in_dim3A_122 = vector.broadcast %jit3A_120 : f32 to vector<256x4096xf32>
    %broadcast_in_dim3A_123 = vector.broadcast %jit3A_121 : f32 to vector<256x4096xf32>
    %select_n3A_124 = arith.select %le3A_119, %broadcast_in_dim3A_122, %broadcast_in_dim3A_123 : vector<256x4096xi1>, vector<256x4096xf32>
    %reduce_sum3A_125 = arith.constant dense<0.000000e+00> : vector<256xf32>
    %reduce_sum3A_126 = vector.multi_reduction <add>, %select_n3A_124, %reduce_sum3A_125 [1] : vector<256x4096xf32> to vector<256xf32>
    %broadcast_in_dim3A_127 = vector.shape_cast %reduce_sum3A_126 : vector<256xf32> to vector<256x1xf32>
    %convert_element_type3A_128 = arith.fptosi %broadcast_in_dim3A_127 : vector<256x1xf32> to vector<256x1xi32>
    %gt3A_129 = arith.constant 5 : i32
    %gt3A_130 = vector.broadcast %gt3A_129 : i32 to vector<256x1xi32>
    %gt3A_131 = arith.cmpi sgt, %slice3A_42, %gt3A_130 : vector<256x1xi32>
    %select_n3A_132 = arith.select %gt3A_131, %convert_element_type3A_128, %convert_element_type3A_52 : vector<256x1xi1>, vector<256x1xi32>
    %le3A_133 = arith.constant 6 : i32
    %le3A_134 = vector.broadcast %le3A_133 : i32 to vector<256x4096xi32>
    %le3A_135 = arith.cmpi sle, %convert_element_type3A_41, %le3A_134 : vector<256x4096xi32>
    %jit3A_136 = arith.constant 1.000000e+00 : f32
    %jit3A_137 = arith.constant 0.000000e+00 : f32
    %broadcast_in_dim3A_138 = vector.broadcast %jit3A_136 : f32 to vector<256x4096xf32>
    %broadcast_in_dim3A_139 = vector.broadcast %jit3A_137 : f32 to vector<256x4096xf32>
    %select_n3A_140 = arith.select %le3A_135, %broadcast_in_dim3A_138, %broadcast_in_dim3A_139 : vector<256x4096xi1>, vector<256x4096xf32>
    %reduce_sum3A_141 = arith.constant dense<0.000000e+00> : vector<256xf32>
    %reduce_sum3A_142 = vector.multi_reduction <add>, %select_n3A_140, %reduce_sum3A_141 [1] : vector<256x4096xf32> to vector<256xf32>
    %broadcast_in_dim3A_143 = vector.shape_cast %reduce_sum3A_142 : vector<256xf32> to vector<256x1xf32>
    %convert_element_type3A_144 = arith.fptosi %broadcast_in_dim3A_143 : vector<256x1xf32> to vector<256x1xi32>
    %gt3A_145 = arith.constant 6 : i32
    %gt3A_146 = vector.broadcast %gt3A_145 : i32 to vector<256x1xi32>
    %gt3A_147 = arith.cmpi sgt, %slice3A_42, %gt3A_146 : vector<256x1xi32>
    %select_n3A_148 = arith.select %gt3A_147, %convert_element_type3A_144, %convert_element_type3A_52 : vector<256x1xi1>, vector<256x1xi32>
    %le3A_149 = arith.constant 7 : i32
    %le3A_150 = vector.broadcast %le3A_149 : i32 to vector<256x4096xi32>
    %le3A_151 = arith.cmpi sle, %convert_element_type3A_41, %le3A_150 : vector<256x4096xi32>
    %jit3A_152 = arith.constant 1.000000e+00 : f32
    %jit3A_153 = arith.constant 0.000000e+00 : f32
    %broadcast_in_dim3A_154 = vector.broadcast %jit3A_152 : f32 to vector<256x4096xf32>
    %broadcast_in_dim3A_155 = vector.broadcast %jit3A_153 : f32 to vector<256x4096xf32>
    %select_n3A_156 = arith.select %le3A_151, %broadcast_in_dim3A_154, %broadcast_in_dim3A_155 : vector<256x4096xi1>, vector<256x4096xf32>
    %reduce_sum3A_157 = arith.constant dense<0.000000e+00> : vector<256xf32>
    %reduce_sum3A_158 = vector.multi_reduction <add>, %select_n3A_156, %reduce_sum3A_157 [1] : vector<256x4096xf32> to vector<256xf32>
    %broadcast_in_dim3A_159 = vector.shape_cast %reduce_sum3A_158 : vector<256xf32> to vector<256x1xf32>
    %convert_element_type3A_160 = arith.fptosi %broadcast_in_dim3A_159 : vector<256x1xf32> to vector<256x1xi32>
    %gt3A_161 = arith.constant 7 : i32
    %gt3A_162 = vector.broadcast %gt3A_161 : i32 to vector<256x1xi32>
    %gt3A_163 = arith.cmpi sgt, %slice3A_42, %gt3A_162 : vector<256x1xi32>
    %select_n3A_164 = arith.select %gt3A_163, %convert_element_type3A_160, %convert_element_type3A_52 : vector<256x1xi1>, vector<256x1xi32>
    %le3A_165 = arith.constant 8 : i32
    %le3A_166 = vector.broadcast %le3A_165 : i32 to vector<256x4096xi32>
    %le3A_167 = arith.cmpi sle, %convert_element_type3A_41, %le3A_166 : vector<256x4096xi32>
    %jit3A_168 = arith.constant 1.000000e+00 : f32
    %jit3A_169 = arith.constant 0.000000e+00 : f32
    %broadcast_in_dim3A_170 = vector.broadcast %jit3A_168 : f32 to vector<256x4096xf32>
    %broadcast_in_dim3A_171 = vector.broadcast %jit3A_169 : f32 to vector<256x4096xf32>
    %select_n3A_172 = arith.select %le3A_167, %broadcast_in_dim3A_170, %broadcast_in_dim3A_171 : vector<256x4096xi1>, vector<256x4096xf32>
    %reduce_sum3A_173 = arith.constant dense<0.000000e+00> : vector<256xf32>
    %reduce_sum3A_174 = vector.multi_reduction <add>, %select_n3A_172, %reduce_sum3A_173 [1] : vector<256x4096xf32> to vector<256xf32>
    %broadcast_in_dim3A_175 = vector.shape_cast %reduce_sum3A_174 : vector<256xf32> to vector<256x1xf32>
    %convert_element_type3A_176 = arith.fptosi %broadcast_in_dim3A_175 : vector<256x1xf32> to vector<256x1xi32>
    %gt3A_177 = arith.constant 8 : i32
    %gt3A_178 = vector.broadcast %gt3A_177 : i32 to vector<256x1xi32>
    %gt3A_179 = arith.cmpi sgt, %slice3A_42, %gt3A_178 : vector<256x1xi32>
    %select_n3A_180 = arith.select %gt3A_179, %convert_element_type3A_176, %convert_element_type3A_52 : vector<256x1xi1>, vector<256x1xi32>
    %le3A_181 = arith.constant 9 : i32
    %le3A_182 = vector.broadcast %le3A_181 : i32 to vector<256x4096xi32>
    %le3A_183 = arith.cmpi sle, %convert_element_type3A_41, %le3A_182 : vector<256x4096xi32>
    %jit3A_184 = arith.constant 1.000000e+00 : f32
    %jit3A_185 = arith.constant 0.000000e+00 : f32
    %broadcast_in_dim3A_186 = vector.broadcast %jit3A_184 : f32 to vector<256x4096xf32>
    %broadcast_in_dim3A_187 = vector.broadcast %jit3A_185 : f32 to vector<256x4096xf32>
    %select_n3A_188 = arith.select %le3A_183, %broadcast_in_dim3A_186, %broadcast_in_dim3A_187 : vector<256x4096xi1>, vector<256x4096xf32>
    %reduce_sum3A_189 = arith.constant dense<0.000000e+00> : vector<256xf32>
    %reduce_sum3A_190 = vector.multi_reduction <add>, %select_n3A_188, %reduce_sum3A_189 [1] : vector<256x4096xf32> to vector<256xf32>
    %broadcast_in_dim3A_191 = vector.shape_cast %reduce_sum3A_190 : vector<256xf32> to vector<256x1xf32>
    %convert_element_type3A_192 = arith.fptosi %broadcast_in_dim3A_191 : vector<256x1xf32> to vector<256x1xi32>
    %gt3A_193 = arith.constant 9 : i32
    %gt3A_194 = vector.broadcast %gt3A_193 : i32 to vector<256x1xi32>
    %gt3A_195 = arith.cmpi sgt, %slice3A_42, %gt3A_194 : vector<256x1xi32>
    %select_n3A_196 = arith.select %gt3A_195, %convert_element_type3A_192, %convert_element_type3A_52 : vector<256x1xi1>, vector<256x1xi32>
    %le3A_197 = arith.constant 10 : i32
    %le3A_198 = vector.broadcast %le3A_197 : i32 to vector<256x4096xi32>
    %le3A_199 = arith.cmpi sle, %convert_element_type3A_41, %le3A_198 : vector<256x4096xi32>
    %jit3A_200 = arith.constant 1.000000e+00 : f32
    %jit3A_201 = arith.constant 0.000000e+00 : f32
    %broadcast_in_dim3A_202 = vector.broadcast %jit3A_200 : f32 to vector<256x4096xf32>
    %broadcast_in_dim3A_203 = vector.broadcast %jit3A_201 : f32 to vector<256x4096xf32>
    %select_n3A_204 = arith.select %le3A_199, %broadcast_in_dim3A_202, %broadcast_in_dim3A_203 : vector<256x4096xi1>, vector<256x4096xf32>
    %reduce_sum3A_205 = arith.constant dense<0.000000e+00> : vector<256xf32>
    %reduce_sum3A_206 = vector.multi_reduction <add>, %select_n3A_204, %reduce_sum3A_205 [1] : vector<256x4096xf32> to vector<256xf32>
    %broadcast_in_dim3A_207 = vector.shape_cast %reduce_sum3A_206 : vector<256xf32> to vector<256x1xf32>
    %convert_element_type3A_208 = arith.fptosi %broadcast_in_dim3A_207 : vector<256x1xf32> to vector<256x1xi32>
    %gt3A_209 = arith.constant 10 : i32
    %gt3A_210 = vector.broadcast %gt3A_209 : i32 to vector<256x1xi32>
    %gt3A_211 = arith.cmpi sgt, %slice3A_42, %gt3A_210 : vector<256x1xi32>
    %select_n3A_212 = arith.select %gt3A_211, %convert_element_type3A_208, %convert_element_type3A_52 : vector<256x1xi1>, vector<256x1xi32>
    %le3A_213 = arith.constant 11 : i32
    %le3A_214 = vector.broadcast %le3A_213 : i32 to vector<256x4096xi32>
    %le3A_215 = arith.cmpi sle, %convert_element_type3A_41, %le3A_214 : vector<256x4096xi32>
    %jit3A_216 = arith.constant 1.000000e+00 : f32
    %jit3A_217 = arith.constant 0.000000e+00 : f32
    %broadcast_in_dim3A_218 = vector.broadcast %jit3A_216 : f32 to vector<256x4096xf32>
    %broadcast_in_dim3A_219 = vector.broadcast %jit3A_217 : f32 to vector<256x4096xf32>
    %select_n3A_220 = arith.select %le3A_215, %broadcast_in_dim3A_218, %broadcast_in_dim3A_219 : vector<256x4096xi1>, vector<256x4096xf32>
    %reduce_sum3A_221 = arith.constant dense<0.000000e+00> : vector<256xf32>
    %reduce_sum3A_222 = vector.multi_reduction <add>, %select_n3A_220, %reduce_sum3A_221 [1] : vector<256x4096xf32> to vector<256xf32>
    %broadcast_in_dim3A_223 = vector.shape_cast %reduce_sum3A_222 : vector<256xf32> to vector<256x1xf32>
    %convert_element_type3A_224 = arith.fptosi %broadcast_in_dim3A_223 : vector<256x1xf32> to vector<256x1xi32>
    %gt3A_225 = arith.constant 11 : i32
    %gt3A_226 = vector.broadcast %gt3A_225 : i32 to vector<256x1xi32>
    %gt3A_227 = arith.cmpi sgt, %slice3A_42, %gt3A_226 : vector<256x1xi32>
    %select_n3A_228 = arith.select %gt3A_227, %convert_element_type3A_224, %convert_element_type3A_52 : vector<256x1xi1>, vector<256x1xi32>
    %le3A_229 = arith.constant 12 : i32
    %le3A_230 = vector.broadcast %le3A_229 : i32 to vector<256x4096xi32>
    %le3A_231 = arith.cmpi sle, %convert_element_type3A_41, %le3A_230 : vector<256x4096xi32>
    %jit3A_232 = arith.constant 1.000000e+00 : f32
    %jit3A_233 = arith.constant 0.000000e+00 : f32
    %broadcast_in_dim3A_234 = vector.broadcast %jit3A_232 : f32 to vector<256x4096xf32>
    %broadcast_in_dim3A_235 = vector.broadcast %jit3A_233 : f32 to vector<256x4096xf32>
    %select_n3A_236 = arith.select %le3A_231, %broadcast_in_dim3A_234, %broadcast_in_dim3A_235 : vector<256x4096xi1>, vector<256x4096xf32>
    %reduce_sum3A_237 = arith.constant dense<0.000000e+00> : vector<256xf32>
    %reduce_sum3A_238 = vector.multi_reduction <add>, %select_n3A_236, %reduce_sum3A_237 [1] : vector<256x4096xf32> to vector<256xf32>
    %broadcast_in_dim3A_239 = vector.shape_cast %reduce_sum3A_238 : vector<256xf32> to vector<256x1xf32>
    %convert_element_type3A_240 = arith.fptosi %broadcast_in_dim3A_239 : vector<256x1xf32> to vector<256x1xi32>
    %gt3A_241 = arith.constant 12 : i32
    %gt3A_242 = vector.broadcast %gt3A_241 : i32 to vector<256x1xi32>
    %gt3A_243 = arith.cmpi sgt, %slice3A_42, %gt3A_242 : vector<256x1xi32>
    %select_n3A_244 = arith.select %gt3A_243, %convert_element_type3A_240, %convert_element_type3A_52 : vector<256x1xi1>, vector<256x1xi32>
    %le3A_245 = arith.constant 13 : i32
    %le3A_246 = vector.broadcast %le3A_245 : i32 to vector<256x4096xi32>
    %le3A_247 = arith.cmpi sle, %convert_element_type3A_41, %le3A_246 : vector<256x4096xi32>
    %jit3A_248 = arith.constant 1.000000e+00 : f32
    %jit3A_249 = arith.constant 0.000000e+00 : f32
    %broadcast_in_dim3A_250 = vector.broadcast %jit3A_248 : f32 to vector<256x4096xf32>
    %broadcast_in_dim3A_251 = vector.broadcast %jit3A_249 : f32 to vector<256x4096xf32>
    %select_n3A_252 = arith.select %le3A_247, %broadcast_in_dim3A_250, %broadcast_in_dim3A_251 : vector<256x4096xi1>, vector<256x4096xf32>
    %reduce_sum3A_253 = arith.constant dense<0.000000e+00> : vector<256xf32>
    %reduce_sum3A_254 = vector.multi_reduction <add>, %select_n3A_252, %reduce_sum3A_253 [1] : vector<256x4096xf32> to vector<256xf32>
    %broadcast_in_dim3A_255 = vector.shape_cast %reduce_sum3A_254 : vector<256xf32> to vector<256x1xf32>
    %convert_element_type3A_256 = arith.fptosi %broadcast_in_dim3A_255 : vector<256x1xf32> to vector<256x1xi32>
    %gt3A_257 = arith.constant 13 : i32
    %gt3A_258 = vector.broadcast %gt3A_257 : i32 to vector<256x1xi32>
    %gt3A_259 = arith.cmpi sgt, %slice3A_42, %gt3A_258 : vector<256x1xi32>
    %select_n3A_260 = arith.select %gt3A_259, %convert_element_type3A_256, %convert_element_type3A_52 : vector<256x1xi1>, vector<256x1xi32>
    %le3A_261 = arith.constant 14 : i32
    %le3A_262 = vector.broadcast %le3A_261 : i32 to vector<256x4096xi32>
    %le3A_263 = arith.cmpi sle, %convert_element_type3A_41, %le3A_262 : vector<256x4096xi32>
    %jit3A_264 = arith.constant 1.000000e+00 : f32
    %jit3A_265 = arith.constant 0.000000e+00 : f32
    %broadcast_in_dim3A_266 = vector.broadcast %jit3A_264 : f32 to vector<256x4096xf32>
    %broadcast_in_dim3A_267 = vector.broadcast %jit3A_265 : f32 to vector<256x4096xf32>
    %select_n3A_268 = arith.select %le3A_263, %broadcast_in_dim3A_266, %broadcast_in_dim3A_267 : vector<256x4096xi1>, vector<256x4096xf32>
    %reduce_sum3A_269 = arith.constant dense<0.000000e+00> : vector<256xf32>
    %reduce_sum3A_270 = vector.multi_reduction <add>, %select_n3A_268, %reduce_sum3A_269 [1] : vector<256x4096xf32> to vector<256xf32>
    %broadcast_in_dim3A_271 = vector.shape_cast %reduce_sum3A_270 : vector<256xf32> to vector<256x1xf32>
    %convert_element_type3A_272 = arith.fptosi %broadcast_in_dim3A_271 : vector<256x1xf32> to vector<256x1xi32>
    %gt3A_273 = arith.constant 14 : i32
    %gt3A_274 = vector.broadcast %gt3A_273 : i32 to vector<256x1xi32>
    %gt3A_275 = arith.cmpi sgt, %slice3A_42, %gt3A_274 : vector<256x1xi32>
    %select_n3A_276 = arith.select %gt3A_275, %convert_element_type3A_272, %convert_element_type3A_52 : vector<256x1xi1>, vector<256x1xi32>
    %le3A_277 = arith.constant 15 : i32
    %le3A_278 = vector.broadcast %le3A_277 : i32 to vector<256x4096xi32>
    %le3A_279 = arith.cmpi sle, %convert_element_type3A_41, %le3A_278 : vector<256x4096xi32>
    %jit3A_280 = arith.constant 1.000000e+00 : f32
    %jit3A_281 = arith.constant 0.000000e+00 : f32
    %broadcast_in_dim3A_282 = vector.broadcast %jit3A_280 : f32 to vector<256x4096xf32>
    %broadcast_in_dim3A_283 = vector.broadcast %jit3A_281 : f32 to vector<256x4096xf32>
    %select_n3A_284 = arith.select %le3A_279, %broadcast_in_dim3A_282, %broadcast_in_dim3A_283 : vector<256x4096xi1>, vector<256x4096xf32>
    %reduce_sum3A_285 = arith.constant dense<0.000000e+00> : vector<256xf32>
    %reduce_sum3A_286 = vector.multi_reduction <add>, %select_n3A_284, %reduce_sum3A_285 [1] : vector<256x4096xf32> to vector<256xf32>
    %broadcast_in_dim3A_287 = vector.shape_cast %reduce_sum3A_286 : vector<256xf32> to vector<256x1xf32>
    %convert_element_type3A_288 = arith.fptosi %broadcast_in_dim3A_287 : vector<256x1xf32> to vector<256x1xi32>
    %gt3A_289 = arith.constant 15 : i32
    %gt3A_290 = vector.broadcast %gt3A_289 : i32 to vector<256x1xi32>
    %gt3A_291 = arith.cmpi sgt, %slice3A_42, %gt3A_290 : vector<256x1xi32>
    %select_n3A_292 = arith.select %gt3A_291, %convert_element_type3A_288, %convert_element_type3A_52 : vector<256x1xi1>, vector<256x1xi32>
    %le3A_293 = arith.constant 16 : i32
    %le3A_294 = vector.broadcast %le3A_293 : i32 to vector<256x4096xi32>
    %le3A_295 = arith.cmpi sle, %convert_element_type3A_41, %le3A_294 : vector<256x4096xi32>
    %jit3A_296 = arith.constant 1.000000e+00 : f32
    %jit3A_297 = arith.constant 0.000000e+00 : f32
    %broadcast_in_dim3A_298 = vector.broadcast %jit3A_296 : f32 to vector<256x4096xf32>
    %broadcast_in_dim3A_299 = vector.broadcast %jit3A_297 : f32 to vector<256x4096xf32>
    %select_n3A_300 = arith.select %le3A_295, %broadcast_in_dim3A_298, %broadcast_in_dim3A_299 : vector<256x4096xi1>, vector<256x4096xf32>
    %reduce_sum3A_301 = arith.constant dense<0.000000e+00> : vector<256xf32>
    %reduce_sum3A_302 = vector.multi_reduction <add>, %select_n3A_300, %reduce_sum3A_301 [1] : vector<256x4096xf32> to vector<256xf32>
    %broadcast_in_dim3A_303 = vector.shape_cast %reduce_sum3A_302 : vector<256xf32> to vector<256x1xf32>
    %convert_element_type3A_304 = arith.fptosi %broadcast_in_dim3A_303 : vector<256x1xf32> to vector<256x1xi32>
    %gt3A_305 = arith.constant 16 : i32
    %gt3A_306 = vector.broadcast %gt3A_305 : i32 to vector<256x1xi32>
    %gt3A_307 = arith.cmpi sgt, %slice3A_42, %gt3A_306 : vector<256x1xi32>
    %select_n3A_308 = arith.select %gt3A_307, %convert_element_type3A_304, %convert_element_type3A_52 : vector<256x1xi1>, vector<256x1xi32>
    %le3A_309 = arith.constant 17 : i32
    %le3A_310 = vector.broadcast %le3A_309 : i32 to vector<256x4096xi32>
    %le3A_311 = arith.cmpi sle, %convert_element_type3A_41, %le3A_310 : vector<256x4096xi32>
    %jit3A_312 = arith.constant 1.000000e+00 : f32
    %jit3A_313 = arith.constant 0.000000e+00 : f32
    %broadcast_in_dim3A_314 = vector.broadcast %jit3A_312 : f32 to vector<256x4096xf32>
    %broadcast_in_dim3A_315 = vector.broadcast %jit3A_313 : f32 to vector<256x4096xf32>
    %select_n3A_316 = arith.select %le3A_311, %broadcast_in_dim3A_314, %broadcast_in_dim3A_315 : vector<256x4096xi1>, vector<256x4096xf32>
    %reduce_sum3A_317 = arith.constant dense<0.000000e+00> : vector<256xf32>
    %reduce_sum3A_318 = vector.multi_reduction <add>, %select_n3A_316, %reduce_sum3A_317 [1] : vector<256x4096xf32> to vector<256xf32>
    %broadcast_in_dim3A_319 = vector.shape_cast %reduce_sum3A_318 : vector<256xf32> to vector<256x1xf32>
    %convert_element_type3A_320 = arith.fptosi %broadcast_in_dim3A_319 : vector<256x1xf32> to vector<256x1xi32>
    %gt3A_321 = arith.constant 17 : i32
    %gt3A_322 = vector.broadcast %gt3A_321 : i32 to vector<256x1xi32>
    %gt3A_323 = arith.cmpi sgt, %slice3A_42, %gt3A_322 : vector<256x1xi32>
    %select_n3A_324 = arith.select %gt3A_323, %convert_element_type3A_320, %convert_element_type3A_52 : vector<256x1xi1>, vector<256x1xi32>
    %le3A_325 = arith.constant 18 : i32
    %le3A_326 = vector.broadcast %le3A_325 : i32 to vector<256x4096xi32>
    %le3A_327 = arith.cmpi sle, %convert_element_type3A_41, %le3A_326 : vector<256x4096xi32>
    %jit3A_328 = arith.constant 1.000000e+00 : f32
    %jit3A_329 = arith.constant 0.000000e+00 : f32
    %broadcast_in_dim3A_330 = vector.broadcast %jit3A_328 : f32 to vector<256x4096xf32>
    %broadcast_in_dim3A_331 = vector.broadcast %jit3A_329 : f32 to vector<256x4096xf32>
    %select_n3A_332 = arith.select %le3A_327, %broadcast_in_dim3A_330, %broadcast_in_dim3A_331 : vector<256x4096xi1>, vector<256x4096xf32>
    %reduce_sum3A_333 = arith.constant dense<0.000000e+00> : vector<256xf32>
    %reduce_sum3A_334 = vector.multi_reduction <add>, %select_n3A_332, %reduce_sum3A_333 [1] : vector<256x4096xf32> to vector<256xf32>
    %broadcast_in_dim3A_335 = vector.shape_cast %reduce_sum3A_334 : vector<256xf32> to vector<256x1xf32>
    %convert_element_type3A_336 = arith.fptosi %broadcast_in_dim3A_335 : vector<256x1xf32> to vector<256x1xi32>
    %gt3A_337 = arith.constant 18 : i32
    %gt3A_338 = vector.broadcast %gt3A_337 : i32 to vector<256x1xi32>
    %gt3A_339 = arith.cmpi sgt, %slice3A_42, %gt3A_338 : vector<256x1xi32>
    %select_n3A_340 = arith.select %gt3A_339, %convert_element_type3A_336, %convert_element_type3A_52 : vector<256x1xi1>, vector<256x1xi32>
    %le3A_341 = arith.constant 19 : i32
    %le3A_342 = vector.broadcast %le3A_341 : i32 to vector<256x4096xi32>
    %le3A_343 = arith.cmpi sle, %convert_element_type3A_41, %le3A_342 : vector<256x4096xi32>
    %jit3A_344 = arith.constant 1.000000e+00 : f32
    %jit3A_345 = arith.constant 0.000000e+00 : f32
    %broadcast_in_dim3A_346 = vector.broadcast %jit3A_344 : f32 to vector<256x4096xf32>
    %broadcast_in_dim3A_347 = vector.broadcast %jit3A_345 : f32 to vector<256x4096xf32>
    %select_n3A_348 = arith.select %le3A_343, %broadcast_in_dim3A_346, %broadcast_in_dim3A_347 : vector<256x4096xi1>, vector<256x4096xf32>
    %reduce_sum3A_349 = arith.constant dense<0.000000e+00> : vector<256xf32>
    %reduce_sum3A_350 = vector.multi_reduction <add>, %select_n3A_348, %reduce_sum3A_349 [1] : vector<256x4096xf32> to vector<256xf32>
    %broadcast_in_dim3A_351 = vector.shape_cast %reduce_sum3A_350 : vector<256xf32> to vector<256x1xf32>
    %convert_element_type3A_352 = arith.fptosi %broadcast_in_dim3A_351 : vector<256x1xf32> to vector<256x1xi32>
    %gt3A_353 = arith.constant 19 : i32
    %gt3A_354 = vector.broadcast %gt3A_353 : i32 to vector<256x1xi32>
    %gt3A_355 = arith.cmpi sgt, %slice3A_42, %gt3A_354 : vector<256x1xi32>
    %select_n3A_356 = arith.select %gt3A_355, %convert_element_type3A_352, %convert_element_type3A_52 : vector<256x1xi1>, vector<256x1xi32>
    %le3A_357 = arith.constant 20 : i32
    %le3A_358 = vector.broadcast %le3A_357 : i32 to vector<256x4096xi32>
    %le3A_359 = arith.cmpi sle, %convert_element_type3A_41, %le3A_358 : vector<256x4096xi32>
    %jit3A_360 = arith.constant 1.000000e+00 : f32
    %jit3A_361 = arith.constant 0.000000e+00 : f32
    %broadcast_in_dim3A_362 = vector.broadcast %jit3A_360 : f32 to vector<256x4096xf32>
    %broadcast_in_dim3A_363 = vector.broadcast %jit3A_361 : f32 to vector<256x4096xf32>
    %select_n3A_364 = arith.select %le3A_359, %broadcast_in_dim3A_362, %broadcast_in_dim3A_363 : vector<256x4096xi1>, vector<256x4096xf32>
    %reduce_sum3A_365 = arith.constant dense<0.000000e+00> : vector<256xf32>
    %reduce_sum3A_366 = vector.multi_reduction <add>, %select_n3A_364, %reduce_sum3A_365 [1] : vector<256x4096xf32> to vector<256xf32>
    %broadcast_in_dim3A_367 = vector.shape_cast %reduce_sum3A_366 : vector<256xf32> to vector<256x1xf32>
    %convert_element_type3A_368 = arith.fptosi %broadcast_in_dim3A_367 : vector<256x1xf32> to vector<256x1xi32>
    %gt3A_369 = arith.constant 20 : i32
    %gt3A_370 = vector.broadcast %gt3A_369 : i32 to vector<256x1xi32>
    %gt3A_371 = arith.cmpi sgt, %slice3A_42, %gt3A_370 : vector<256x1xi32>
    %select_n3A_372 = arith.select %gt3A_371, %convert_element_type3A_368, %convert_element_type3A_52 : vector<256x1xi1>, vector<256x1xi32>
    %le3A_373 = arith.constant 21 : i32
    %le3A_374 = vector.broadcast %le3A_373 : i32 to vector<256x4096xi32>
    %le3A_375 = arith.cmpi sle, %convert_element_type3A_41, %le3A_374 : vector<256x4096xi32>
    %jit3A_376 = arith.constant 1.000000e+00 : f32
    %jit3A_377 = arith.constant 0.000000e+00 : f32
    %broadcast_in_dim3A_378 = vector.broadcast %jit3A_376 : f32 to vector<256x4096xf32>
    %broadcast_in_dim3A_379 = vector.broadcast %jit3A_377 : f32 to vector<256x4096xf32>
    %select_n3A_380 = arith.select %le3A_375, %broadcast_in_dim3A_378, %broadcast_in_dim3A_379 : vector<256x4096xi1>, vector<256x4096xf32>
    %reduce_sum3A_381 = arith.constant dense<0.000000e+00> : vector<256xf32>
    %reduce_sum3A_382 = vector.multi_reduction <add>, %select_n3A_380, %reduce_sum3A_381 [1] : vector<256x4096xf32> to vector<256xf32>
    %broadcast_in_dim3A_383 = vector.shape_cast %reduce_sum3A_382 : vector<256xf32> to vector<256x1xf32>
    %convert_element_type3A_384 = arith.fptosi %broadcast_in_dim3A_383 : vector<256x1xf32> to vector<256x1xi32>
    %gt3A_385 = arith.constant 21 : i32
    %gt3A_386 = vector.broadcast %gt3A_385 : i32 to vector<256x1xi32>
    %gt3A_387 = arith.cmpi sgt, %slice3A_42, %gt3A_386 : vector<256x1xi32>
    %select_n3A_388 = arith.select %gt3A_387, %convert_element_type3A_384, %convert_element_type3A_52 : vector<256x1xi1>, vector<256x1xi32>
    %le3A_389 = arith.constant 22 : i32
    %le3A_390 = vector.broadcast %le3A_389 : i32 to vector<256x4096xi32>
    %le3A_391 = arith.cmpi sle, %convert_element_type3A_41, %le3A_390 : vector<256x4096xi32>
    %jit3A_392 = arith.constant 1.000000e+00 : f32
    %jit3A_393 = arith.constant 0.000000e+00 : f32
    %broadcast_in_dim3A_394 = vector.broadcast %jit3A_392 : f32 to vector<256x4096xf32>
    %broadcast_in_dim3A_395 = vector.broadcast %jit3A_393 : f32 to vector<256x4096xf32>
    %select_n3A_396 = arith.select %le3A_391, %broadcast_in_dim3A_394, %broadcast_in_dim3A_395 : vector<256x4096xi1>, vector<256x4096xf32>
    %reduce_sum3A_397 = arith.constant dense<0.000000e+00> : vector<256xf32>
    %reduce_sum3A_398 = vector.multi_reduction <add>, %select_n3A_396, %reduce_sum3A_397 [1] : vector<256x4096xf32> to vector<256xf32>
    %broadcast_in_dim3A_399 = vector.shape_cast %reduce_sum3A_398 : vector<256xf32> to vector<256x1xf32>
    %convert_element_type3A_400 = arith.fptosi %broadcast_in_dim3A_399 : vector<256x1xf32> to vector<256x1xi32>
    %gt3A_401 = arith.constant 22 : i32
    %gt3A_402 = vector.broadcast %gt3A_401 : i32 to vector<256x1xi32>
    %gt3A_403 = arith.cmpi sgt, %slice3A_42, %gt3A_402 : vector<256x1xi32>
    %select_n3A_404 = arith.select %gt3A_403, %convert_element_type3A_400, %convert_element_type3A_52 : vector<256x1xi1>, vector<256x1xi32>
    %le3A_405 = arith.constant 23 : i32
    %le3A_406 = vector.broadcast %le3A_405 : i32 to vector<256x4096xi32>
    %le3A_407 = arith.cmpi sle, %convert_element_type3A_41, %le3A_406 : vector<256x4096xi32>
    %jit3A_408 = arith.constant 1.000000e+00 : f32
    %jit3A_409 = arith.constant 0.000000e+00 : f32
    %broadcast_in_dim3A_410 = vector.broadcast %jit3A_408 : f32 to vector<256x4096xf32>
    %broadcast_in_dim3A_411 = vector.broadcast %jit3A_409 : f32 to vector<256x4096xf32>
    %select_n3A_412 = arith.select %le3A_407, %broadcast_in_dim3A_410, %broadcast_in_dim3A_411 : vector<256x4096xi1>, vector<256x4096xf32>
    %reduce_sum3A_413 = arith.constant dense<0.000000e+00> : vector<256xf32>
    %reduce_sum3A_414 = vector.multi_reduction <add>, %select_n3A_412, %reduce_sum3A_413 [1] : vector<256x4096xf32> to vector<256xf32>
    %broadcast_in_dim3A_415 = vector.shape_cast %reduce_sum3A_414 : vector<256xf32> to vector<256x1xf32>
    %convert_element_type3A_416 = arith.fptosi %broadcast_in_dim3A_415 : vector<256x1xf32> to vector<256x1xi32>
    %gt3A_417 = arith.constant 23 : i32
    %gt3A_418 = vector.broadcast %gt3A_417 : i32 to vector<256x1xi32>
    %gt3A_419 = arith.cmpi sgt, %slice3A_42, %gt3A_418 : vector<256x1xi32>
    %select_n3A_420 = arith.select %gt3A_419, %convert_element_type3A_416, %convert_element_type3A_52 : vector<256x1xi1>, vector<256x1xi32>
    %le3A_421 = arith.constant 24 : i32
    %le3A_422 = vector.broadcast %le3A_421 : i32 to vector<256x4096xi32>
    %le3A_423 = arith.cmpi sle, %convert_element_type3A_41, %le3A_422 : vector<256x4096xi32>
    %jit3A_424 = arith.constant 1.000000e+00 : f32
    %jit3A_425 = arith.constant 0.000000e+00 : f32
    %broadcast_in_dim3A_426 = vector.broadcast %jit3A_424 : f32 to vector<256x4096xf32>
    %broadcast_in_dim3A_427 = vector.broadcast %jit3A_425 : f32 to vector<256x4096xf32>
    %select_n3A_428 = arith.select %le3A_423, %broadcast_in_dim3A_426, %broadcast_in_dim3A_427 : vector<256x4096xi1>, vector<256x4096xf32>
    %reduce_sum3A_429 = arith.constant dense<0.000000e+00> : vector<256xf32>
    %reduce_sum3A_430 = vector.multi_reduction <add>, %select_n3A_428, %reduce_sum3A_429 [1] : vector<256x4096xf32> to vector<256xf32>
    %broadcast_in_dim3A_431 = vector.shape_cast %reduce_sum3A_430 : vector<256xf32> to vector<256x1xf32>
    %convert_element_type3A_432 = arith.fptosi %broadcast_in_dim3A_431 : vector<256x1xf32> to vector<256x1xi32>
    %gt3A_433 = arith.constant 24 : i32
    %gt3A_434 = vector.broadcast %gt3A_433 : i32 to vector<256x1xi32>
    %gt3A_435 = arith.cmpi sgt, %slice3A_42, %gt3A_434 : vector<256x1xi32>
    %select_n3A_436 = arith.select %gt3A_435, %convert_element_type3A_432, %convert_element_type3A_52 : vector<256x1xi1>, vector<256x1xi32>
    %le3A_437 = arith.constant 25 : i32
    %le3A_438 = vector.broadcast %le3A_437 : i32 to vector<256x4096xi32>
    %le3A_439 = arith.cmpi sle, %convert_element_type3A_41, %le3A_438 : vector<256x4096xi32>
    %jit3A_440 = arith.constant 1.000000e+00 : f32
    %jit3A_441 = arith.constant 0.000000e+00 : f32
    %broadcast_in_dim3A_442 = vector.broadcast %jit3A_440 : f32 to vector<256x4096xf32>
    %broadcast_in_dim3A_443 = vector.broadcast %jit3A_441 : f32 to vector<256x4096xf32>
    %select_n3A_444 = arith.select %le3A_439, %broadcast_in_dim3A_442, %broadcast_in_dim3A_443 : vector<256x4096xi1>, vector<256x4096xf32>
    %reduce_sum3A_445 = arith.constant dense<0.000000e+00> : vector<256xf32>
    %reduce_sum3A_446 = vector.multi_reduction <add>, %select_n3A_444, %reduce_sum3A_445 [1] : vector<256x4096xf32> to vector<256xf32>
    %broadcast_in_dim3A_447 = vector.shape_cast %reduce_sum3A_446 : vector<256xf32> to vector<256x1xf32>
    %convert_element_type3A_448 = arith.fptosi %broadcast_in_dim3A_447 : vector<256x1xf32> to vector<256x1xi32>
    %gt3A_449 = arith.constant 25 : i32
    %gt3A_450 = vector.broadcast %gt3A_449 : i32 to vector<256x1xi32>
    %gt3A_451 = arith.cmpi sgt, %slice3A_42, %gt3A_450 : vector<256x1xi32>
    %select_n3A_452 = arith.select %gt3A_451, %convert_element_type3A_448, %convert_element_type3A_52 : vector<256x1xi1>, vector<256x1xi32>
    %le3A_453 = arith.constant 26 : i32
    %le3A_454 = vector.broadcast %le3A_453 : i32 to vector<256x4096xi32>
    %le3A_455 = arith.cmpi sle, %convert_element_type3A_41, %le3A_454 : vector<256x4096xi32>
    %jit3A_456 = arith.constant 1.000000e+00 : f32
    %jit3A_457 = arith.constant 0.000000e+00 : f32
    %broadcast_in_dim3A_458 = vector.broadcast %jit3A_456 : f32 to vector<256x4096xf32>
    %broadcast_in_dim3A_459 = vector.broadcast %jit3A_457 : f32 to vector<256x4096xf32>
    %select_n3A_460 = arith.select %le3A_455, %broadcast_in_dim3A_458, %broadcast_in_dim3A_459 : vector<256x4096xi1>, vector<256x4096xf32>
    %reduce_sum3A_461 = arith.constant dense<0.000000e+00> : vector<256xf32>
    %reduce_sum3A_462 = vector.multi_reduction <add>, %select_n3A_460, %reduce_sum3A_461 [1] : vector<256x4096xf32> to vector<256xf32>
    %broadcast_in_dim3A_463 = vector.shape_cast %reduce_sum3A_462 : vector<256xf32> to vector<256x1xf32>
    %convert_element_type3A_464 = arith.fptosi %broadcast_in_dim3A_463 : vector<256x1xf32> to vector<256x1xi32>
    %gt3A_465 = arith.constant 26 : i32
    %gt3A_466 = vector.broadcast %gt3A_465 : i32 to vector<256x1xi32>
    %gt3A_467 = arith.cmpi sgt, %slice3A_42, %gt3A_466 : vector<256x1xi32>
    %select_n3A_468 = arith.select %gt3A_467, %convert_element_type3A_464, %convert_element_type3A_52 : vector<256x1xi1>, vector<256x1xi32>
    %le3A_469 = arith.constant 27 : i32
    %le3A_470 = vector.broadcast %le3A_469 : i32 to vector<256x4096xi32>
    %le3A_471 = arith.cmpi sle, %convert_element_type3A_41, %le3A_470 : vector<256x4096xi32>
    %jit3A_472 = arith.constant 1.000000e+00 : f32
    %jit3A_473 = arith.constant 0.000000e+00 : f32
    %broadcast_in_dim3A_474 = vector.broadcast %jit3A_472 : f32 to vector<256x4096xf32>
    %broadcast_in_dim3A_475 = vector.broadcast %jit3A_473 : f32 to vector<256x4096xf32>
    %select_n3A_476 = arith.select %le3A_471, %broadcast_in_dim3A_474, %broadcast_in_dim3A_475 : vector<256x4096xi1>, vector<256x4096xf32>
    %reduce_sum3A_477 = arith.constant dense<0.000000e+00> : vector<256xf32>
    %reduce_sum3A_478 = vector.multi_reduction <add>, %select_n3A_476, %reduce_sum3A_477 [1] : vector<256x4096xf32> to vector<256xf32>
    %broadcast_in_dim3A_479 = vector.shape_cast %reduce_sum3A_478 : vector<256xf32> to vector<256x1xf32>
    %convert_element_type3A_480 = arith.fptosi %broadcast_in_dim3A_479 : vector<256x1xf32> to vector<256x1xi32>
    %gt3A_481 = arith.constant 27 : i32
    %gt3A_482 = vector.broadcast %gt3A_481 : i32 to vector<256x1xi32>
    %gt3A_483 = arith.cmpi sgt, %slice3A_42, %gt3A_482 : vector<256x1xi32>
    %select_n3A_484 = arith.select %gt3A_483, %convert_element_type3A_480, %convert_element_type3A_52 : vector<256x1xi1>, vector<256x1xi32>
    %le3A_485 = arith.constant 28 : i32
    %le3A_486 = vector.broadcast %le3A_485 : i32 to vector<256x4096xi32>
    %le3A_487 = arith.cmpi sle, %convert_element_type3A_41, %le3A_486 : vector<256x4096xi32>
    %jit3A_488 = arith.constant 1.000000e+00 : f32
    %jit3A_489 = arith.constant 0.000000e+00 : f32
    %broadcast_in_dim3A_490 = vector.broadcast %jit3A_488 : f32 to vector<256x4096xf32>
    %broadcast_in_dim3A_491 = vector.broadcast %jit3A_489 : f32 to vector<256x4096xf32>
    %select_n3A_492 = arith.select %le3A_487, %broadcast_in_dim3A_490, %broadcast_in_dim3A_491 : vector<256x4096xi1>, vector<256x4096xf32>
    %reduce_sum3A_493 = arith.constant dense<0.000000e+00> : vector<256xf32>
    %reduce_sum3A_494 = vector.multi_reduction <add>, %select_n3A_492, %reduce_sum3A_493 [1] : vector<256x4096xf32> to vector<256xf32>
    %broadcast_in_dim3A_495 = vector.shape_cast %reduce_sum3A_494 : vector<256xf32> to vector<256x1xf32>
    %convert_element_type3A_496 = arith.fptosi %broadcast_in_dim3A_495 : vector<256x1xf32> to vector<256x1xi32>
    %gt3A_497 = arith.constant 28 : i32
    %gt3A_498 = vector.broadcast %gt3A_497 : i32 to vector<256x1xi32>
    %gt3A_499 = arith.cmpi sgt, %slice3A_42, %gt3A_498 : vector<256x1xi32>
    %select_n3A_500 = arith.select %gt3A_499, %convert_element_type3A_496, %convert_element_type3A_52 : vector<256x1xi1>, vector<256x1xi32>
    %le3A_501 = arith.constant 29 : i32
    %le3A_502 = vector.broadcast %le3A_501 : i32 to vector<256x4096xi32>
    %le3A_503 = arith.cmpi sle, %convert_element_type3A_41, %le3A_502 : vector<256x4096xi32>
    %jit3A_504 = arith.constant 1.000000e+00 : f32
    %jit3A_505 = arith.constant 0.000000e+00 : f32
    %broadcast_in_dim3A_506 = vector.broadcast %jit3A_504 : f32 to vector<256x4096xf32>
    %broadcast_in_dim3A_507 = vector.broadcast %jit3A_505 : f32 to vector<256x4096xf32>
    %select_n3A_508 = arith.select %le3A_503, %broadcast_in_dim3A_506, %broadcast_in_dim3A_507 : vector<256x4096xi1>, vector<256x4096xf32>
    %reduce_sum3A_509 = arith.constant dense<0.000000e+00> : vector<256xf32>
    %reduce_sum3A_510 = vector.multi_reduction <add>, %select_n3A_508, %reduce_sum3A_509 [1] : vector<256x4096xf32> to vector<256xf32>
    %broadcast_in_dim3A_511 = vector.shape_cast %reduce_sum3A_510 : vector<256xf32> to vector<256x1xf32>
    %convert_element_type3A_512 = arith.fptosi %broadcast_in_dim3A_511 : vector<256x1xf32> to vector<256x1xi32>
    %gt3A_513 = arith.constant 29 : i32
    %gt3A_514 = vector.broadcast %gt3A_513 : i32 to vector<256x1xi32>
    %gt3A_515 = arith.cmpi sgt, %slice3A_42, %gt3A_514 : vector<256x1xi32>
    %select_n3A_516 = arith.select %gt3A_515, %convert_element_type3A_512, %convert_element_type3A_52 : vector<256x1xi1>, vector<256x1xi32>
    %le3A_517 = arith.constant 30 : i32
    %le3A_518 = vector.broadcast %le3A_517 : i32 to vector<256x4096xi32>
    %le3A_519 = arith.cmpi sle, %convert_element_type3A_41, %le3A_518 : vector<256x4096xi32>
    %jit3A_520 = arith.constant 1.000000e+00 : f32
    %jit3A_521 = arith.constant 0.000000e+00 : f32
    %broadcast_in_dim3A_522 = vector.broadcast %jit3A_520 : f32 to vector<256x4096xf32>
    %broadcast_in_dim3A_523 = vector.broadcast %jit3A_521 : f32 to vector<256x4096xf32>
    %select_n3A_524 = arith.select %le3A_519, %broadcast_in_dim3A_522, %broadcast_in_dim3A_523 : vector<256x4096xi1>, vector<256x4096xf32>
    %reduce_sum3A_525 = arith.constant dense<0.000000e+00> : vector<256xf32>
    %reduce_sum3A_526 = vector.multi_reduction <add>, %select_n3A_524, %reduce_sum3A_525 [1] : vector<256x4096xf32> to vector<256xf32>
    %broadcast_in_dim3A_527 = vector.shape_cast %reduce_sum3A_526 : vector<256xf32> to vector<256x1xf32>
    %convert_element_type3A_528 = arith.fptosi %broadcast_in_dim3A_527 : vector<256x1xf32> to vector<256x1xi32>
    %gt3A_529 = arith.constant 30 : i32
    %gt3A_530 = vector.broadcast %gt3A_529 : i32 to vector<256x1xi32>
    %gt3A_531 = arith.cmpi sgt, %slice3A_42, %gt3A_530 : vector<256x1xi32>
    %select_n3A_532 = arith.select %gt3A_531, %convert_element_type3A_528, %convert_element_type3A_52 : vector<256x1xi1>, vector<256x1xi32>
    %le3A_533 = arith.constant 31 : i32
    %le3A_534 = vector.broadcast %le3A_533 : i32 to vector<256x4096xi32>
    %le3A_535 = arith.cmpi sle, %convert_element_type3A_41, %le3A_534 : vector<256x4096xi32>
    %jit3A_536 = arith.constant 1.000000e+00 : f32
    %jit3A_537 = arith.constant 0.000000e+00 : f32
    %broadcast_in_dim3A_538 = vector.broadcast %jit3A_536 : f32 to vector<256x4096xf32>
    %broadcast_in_dim3A_539 = vector.broadcast %jit3A_537 : f32 to vector<256x4096xf32>
    %select_n3A_540 = arith.select %le3A_535, %broadcast_in_dim3A_538, %broadcast_in_dim3A_539 : vector<256x4096xi1>, vector<256x4096xf32>
    %reduce_sum3A_541 = arith.constant dense<0.000000e+00> : vector<256xf32>
    %reduce_sum3A_542 = vector.multi_reduction <add>, %select_n3A_540, %reduce_sum3A_541 [1] : vector<256x4096xf32> to vector<256xf32>
    %broadcast_in_dim3A_543 = vector.shape_cast %reduce_sum3A_542 : vector<256xf32> to vector<256x1xf32>
    %convert_element_type3A_544 = arith.fptosi %broadcast_in_dim3A_543 : vector<256x1xf32> to vector<256x1xi32>
    %gt3A_545 = arith.constant 31 : i32
    %gt3A_546 = vector.broadcast %gt3A_545 : i32 to vector<256x1xi32>
    %gt3A_547 = arith.cmpi sgt, %slice3A_42, %gt3A_546 : vector<256x1xi32>
    %select_n3A_548 = arith.select %gt3A_547, %convert_element_type3A_544, %convert_element_type3A_52 : vector<256x1xi1>, vector<256x1xi32>
    %concatenate3A = tpu.concatenate %convert_element_type3A_52, %select_n3A_68, %select_n3A_84, %select_n3A_100, %select_n3A_116, %select_n3A_132, %select_n3A_148, %select_n3A_164, %select_n3A_180, %select_n3A_196, %select_n3A_212, %select_n3A_228, %select_n3A_244, %select_n3A_260, %select_n3A_276, %select_n3A_292, %select_n3A_308, %select_n3A_324, %select_n3A_340, %select_n3A_356, %select_n3A_372, %select_n3A_388, %select_n3A_404, %select_n3A_420, %select_n3A_436, %select_n3A_452, %select_n3A_468, %select_n3A_484, %select_n3A_500, %select_n3A_516, %select_n3A_532, %select_n3A_548 in 1 : vector<256x1xi32>, vector<256x1xi32>, vector<256x1xi32>, vector<256x1xi32>, vector<256x1xi32>, vector<256x1xi32>, vector<256x1xi32>, vector<256x1xi32>, vector<256x1xi32>, vector<256x1xi32>, vector<256x1xi32>, vector<256x1xi32>, vector<256x1xi32>, vector<256x1xi32>, vector<256x1xi32>, vector<256x1xi32>, vector<256x1xi32>, vector<256x1xi32>, vector<256x1xi32>, vector<256x1xi32>, vector<256x1xi32>, vector<256x1xi32>, vector<256x1xi32>, vector<256x1xi32>, vector<256x1xi32>, vector<256x1xi32>, vector<256x1xi32>, vector<256x1xi32>, vector<256x1xi32>, vector<256x1xi32>, vector<256x1xi32>, vector<256x1xi32> -> vector<256x32xi32>
    %swap3A = arith.constant 0 : index
    %swap3A_549 = arith.constant 0 : index
    %swap3A_550 = arith.constant 0 : index
    %swap3A_551 = vector.load %arg4[%swap3A, %swap3A_549, %swap3A_550] : memref<1x256x32xi32, #tpu.memory_space<vmem>>, vector<1x256x32xi32>
    %swap3A_552 = vector.shape_cast %swap3A_551 : vector<1x256x32xi32> to vector<256x32xi32>
    %swap3A_553 = vector.shape_cast %concatenate3A : vector<256x32xi32> to vector<1x256x32xi32>
    tpu.vector_store %arg4[%swap3A, %swap3A_549, %swap3A_550], %swap3A_553 {strides = array<i32>} : memref<1x256x32xi32, #tpu.memory_space<vmem>>, vector<1x256x32xi32>,
    return
  }
  func.func @transform_0(%arg0: i32, %arg1: i32) -> (i32, i32, i32) {
    %c0_i32 = arith.constant 0 : i32
    %c0_i32_0 = arith.constant 0 : i32
    return %arg0, %arg1, %c0_i32 : i32, i32, i32
  }
  func.func @transform_1(%arg0: i32, %arg1: i32) -> (i32, i32, i32) {
    %c0_i32 = arith.constant 0 : i32
    %c0_i32_0 = arith.constant 0 : i32
    %c0_i32_1 = arith.constant 0 : i32
    return %arg0, %c0_i32, %c0_i32_0 : i32, i32, i32
  }
  func.func @transform_2(%arg0: i32, %arg1: i32) -> (i32, i32, i32) {
    %c0_i32 = arith.constant 0 : i32
    %c0_i32_0 = arith.constant 0 : i32
    return %arg0, %arg1, %c0_i32 : i32, i32, i32
  }
}

module attributes {stable_mosaic.version = 14 : i64} {
  func.func @_fps_body(%arg0: memref<8x3x1024xf32, #tpu.memory_space<vmem>>, %arg1: memref<8x3x256xf32, #tpu.memory_space<vmem>>) attributes {dimension_semantics = [], scalar_prefetch = 0 : i64, scratch_operands = 0 : i64, tpu.core_type = #tpu.core_type<tc>} {
    %get3A = arith.constant 0 : index
    %get3A_0 = arith.constant 0 : index
    %get3A_1 = arith.constant 0 : index
    %get3A_2 = vector.load %arg0[%get3A, %get3A_0, %get3A_1] : memref<8x3x1024xf32, #tpu.memory_space<vmem>>, vector<8x3x1024xf32>
    %iota3A = tpu.iota {dimensions = array<i32: 1>} : vector<8x1024xi32>
    %iota3A_3 = tpu.iota {dimensions = array<i32: 2>} : vector<8x3x256xi32>
    %broadcast_in_dim3A = arith.constant 1.000000e+10 : f32
    %broadcast_in_dim3A_4 = vector.broadcast %broadcast_in_dim3A : f32 to vector<8x1024xf32>
    %broadcast_in_dim3A_5 = arith.constant 0 : i32
    %broadcast_in_dim3A_6 = vector.broadcast %broadcast_in_dim3A_5 : i32 to vector<8x1xi32>
    %broadcast_in_dim3A_7 = arith.constant 0.000000e+00 : f32
    %broadcast_in_dim3A_8 = vector.broadcast %broadcast_in_dim3A_7 : f32 to vector<8x3x256xf32>
    %scan3A = arith.constant 0 : i32
    %scan3A_9 = arith.constant 256 : i32
    %scan3A_10 = arith.addi %scan3A, %scan3A_9 : i32
    %scan3A_11 = arith.constant 1 : i32
    %scan3A_12:3 = scf.for %scan3A_17 = %scan3A to %scan3A_10 step %scan3A_11 iter_args(%scan3A_18 = %broadcast_in_dim3A_4, %scan3A_19 = %broadcast_in_dim3A_6, %scan3A_20 = %broadcast_in_dim3A_8) -> (vector<8x1024xf32>, vector<8x1xi32>, vector<8x3x256xf32>)  : i32 {
      %eq3A = vector.broadcast %scan3A_19 : vector<8x1xi32> to vector<8x1024xi32>
      %eq3A_21 = arith.cmpi eq, %iota3A, %eq3A : vector<8x1024xi32>
      %convert_element_type3A = arith.extui %eq3A_21 : vector<8x1024xi1> to vector<8x1024xi32>
      %convert_element_type3A_22 = arith.sitofp %convert_element_type3A : vector<8x1024xi32> to vector<8x1024xf32>
      %broadcast_in_dim3A_23 = vector.shape_cast %convert_element_type3A_22 : vector<8x1024xf32> to vector<8x1x1024xf32>
      %mul3A = vector.broadcast %broadcast_in_dim3A_23 : vector<8x1x1024xf32> to vector<8x3x1024xf32>
      %mul3A_24 = arith.mulf %get3A_2, %mul3A : vector<8x3x1024xf32>
      %reduce_sum3A = arith.constant dense<0.000000e+00> : vector<8x3xf32>
      %reduce_sum3A_25 = vector.multi_reduction <add>, %mul3A_24, %reduce_sum3A [2] : vector<8x3x1024xf32> to vector<8x3xf32>
      %broadcast_in_dim3A_26 = vector.shape_cast %reduce_sum3A_25 : vector<8x3xf32> to vector<8x3x1xf32>
      %eq3A_27 = vector.broadcast %scan3A_17 : i32 to vector<8x3x256xi32>
      %eq3A_28 = arith.cmpi eq, %iota3A_3, %eq3A_27 : vector<8x3x256xi32>
      %broadcast_in_dim3A_29 = vector.shape_cast %broadcast_in_dim3A_26 : vector<8x3x1xf32> to vector<8x3x1xf32>
      %broadcast_in_dim3A_30 = vector.broadcast %broadcast_in_dim3A_29 : vector<8x3x1xf32> to vector<8x3x256xf32>
      %select_n3A = arith.select %eq3A_28, %broadcast_in_dim3A_30, %scan3A_20 : vector<8x3x256xi1>, vector<8x3x256xf32>
      %sub3A = vector.broadcast %broadcast_in_dim3A_26 : vector<8x3x1xf32> to vector<8x3x1024xf32>
      %sub3A_31 = arith.subf %get3A_2, %sub3A : vector<8x3x1024xf32>
      %slice3A = vector.extract_strided_slice %sub3A_31 {offsets = [0, 0, 0], sizes = [8, 1, 1024], strides = [1, 1, 1]} : vector<8x3x1024xf32> to vector<8x1x1024xf32>
      %squeeze3A = vector.shape_cast %slice3A : vector<8x1x1024xf32> to vector<8x1024xf32>
      %slice3A_32 = vector.extract_strided_slice %sub3A_31 {offsets = [0, 0, 0], sizes = [8, 1, 1024], strides = [1, 1, 1]} : vector<8x3x1024xf32> to vector<8x1x1024xf32>
      %squeeze3A_33 = vector.shape_cast %slice3A_32 : vector<8x1x1024xf32> to vector<8x1024xf32>
      %mul3A_34 = arith.mulf %squeeze3A, %squeeze3A_33 : vector<8x1024xf32>
      %slice3A_35 = vector.extract_strided_slice %sub3A_31 {offsets = [0, 1, 0], sizes = [8, 1, 1024], strides = [1, 1, 1]} : vector<8x3x1024xf32> to vector<8x1x1024xf32>
      %squeeze3A_36 = vector.shape_cast %slice3A_35 : vector<8x1x1024xf32> to vector<8x1024xf32>
      %slice3A_37 = vector.extract_strided_slice %sub3A_31 {offsets = [0, 1, 0], sizes = [8, 1, 1024], strides = [1, 1, 1]} : vector<8x3x1024xf32> to vector<8x1x1024xf32>
      %squeeze3A_38 = vector.shape_cast %slice3A_37 : vector<8x1x1024xf32> to vector<8x1024xf32>
      %mul3A_39 = arith.mulf %squeeze3A_36, %squeeze3A_38 : vector<8x1024xf32>
      %add3A = arith.addf %mul3A_34, %mul3A_39 : vector<8x1024xf32>
      %slice3A_40 = vector.extract_strided_slice %sub3A_31 {offsets = [0, 2, 0], sizes = [8, 1, 1024], strides = [1, 1, 1]} : vector<8x3x1024xf32> to vector<8x1x1024xf32>
      %squeeze3A_41 = vector.shape_cast %slice3A_40 : vector<8x1x1024xf32> to vector<8x1024xf32>
      %slice3A_42 = vector.extract_strided_slice %sub3A_31 {offsets = [0, 2, 0], sizes = [8, 1, 1024], strides = [1, 1, 1]} : vector<8x3x1024xf32> to vector<8x1x1024xf32>
      %squeeze3A_43 = vector.shape_cast %slice3A_42 : vector<8x1x1024xf32> to vector<8x1024xf32>
      %mul3A_44 = arith.mulf %squeeze3A_41, %squeeze3A_43 : vector<8x1024xf32>
      %add3A_45 = arith.addf %add3A, %mul3A_44 : vector<8x1024xf32>
      %min3A = arith.minimumf %scan3A_18, %add3A_45 : vector<8x1024xf32>
      %reduce_max3A = arith.constant dense<0xFF800000> : vector<8xf32>
      %reduce_max3A_46 = vector.multi_reduction <maximumf>, %min3A, %reduce_max3A [1] : vector<8x1024xf32> to vector<8xf32>
      %broadcast_in_dim3A_47 = vector.shape_cast %reduce_max3A_46 : vector<8xf32> to vector<8x1xf32>
      %eq3A_48 = vector.broadcast %broadcast_in_dim3A_47 : vector<8x1xf32> to vector<8x1024xf32>
      %eq3A_49 = arith.cmpf oeq, %min3A, %eq3A_48 : vector<8x1024xf32>
      %jit3A = arith.constant 1024 : i32
      %broadcast_in_dim3A_50 = vector.broadcast %jit3A : i32 to vector<8x1024xi32>
      %select_n3A_51 = arith.select %eq3A_49, %iota3A, %broadcast_in_dim3A_50 : vector<8x1024xi1>, vector<8x1024xi32>
      %reduce_min3A = arith.constant dense<2147483647> : vector<8xi32>
      %reduce_min3A_52 = vector.multi_reduction <minsi>, %select_n3A_51, %reduce_min3A [1] : vector<8x1024xi32> to vector<8xi32>
      %broadcast_in_dim3A_53 = vector.shape_cast %reduce_min3A_52 : vector<8xi32> to vector<8x1xi32>
      scf.yield %min3A, %broadcast_in_dim3A_53, %select_n3A : vector<8x1024xf32>, vector<8x1xi32>, vector<8x3x256xf32>
    }
    %scan3A_13 = arith.constant 256 : i32
    %swap3A = arith.constant 0 : index
    %swap3A_14 = arith.constant 0 : index
    %swap3A_15 = arith.constant 0 : index
    %swap3A_16 = vector.load %arg1[%swap3A, %swap3A_14, %swap3A_15] : memref<8x3x256xf32, #tpu.memory_space<vmem>>, vector<8x3x256xf32>
    tpu.vector_store %arg1[%swap3A, %swap3A_14, %swap3A_15], %scan3A_12#2 {strides = array<i32>} : memref<8x3x256xf32, #tpu.memory_space<vmem>>, vector<8x3x256xf32>,
    return
  }
}

module attributes {stable_mosaic.version = 14 : i64} {
  func.func @_bq_body(%arg0: i32, %arg1: i32, %arg2: memref<1x256x3xf32, #tpu.memory_space<vmem>>, %arg3: memref<1x3x1024xf32, #tpu.memory_space<vmem>>, %arg4: memref<1x256x32xi32, #tpu.memory_space<vmem>>) attributes {dimension_semantics = [#tpu.dimension_semantics<arbitrary>, #tpu.dimension_semantics<arbitrary>], iteration_bounds = array<i64: 8, 1>, scalar_prefetch = 0 : i64, scratch_operands = 0 : i64, tpu.core_type = #tpu.core_type<tc>, window_params = [{transform_indices = @transform_0, window_bounds = array<i64: 1, 256, 3>}, {transform_indices = @transform_1, window_bounds = array<i64: 1, 3, 1024>}, {transform_indices = @transform_2, window_bounds = array<i64: 1, 256, 32>}]} {
    %get3A = arith.constant 0 : index
    %get3A_0 = arith.constant 0 : index
    %get3A_1 = arith.constant 0 : index
    %get3A_2 = vector.load %arg2[%get3A, %get3A_0, %get3A_1] : memref<1x256x3xf32, #tpu.memory_space<vmem>>, vector<1x256x3xf32>
    %get3A_3 = vector.shape_cast %get3A_2 : vector<1x256x3xf32> to vector<256x3xf32>
    %get3A_4 = arith.constant 0 : index
    %get3A_5 = arith.constant 0 : index
    %get3A_6 = arith.constant 0 : index
    %get3A_7 = vector.load %arg3[%get3A_4, %get3A_5, %get3A_6] : memref<1x3x1024xf32, #tpu.memory_space<vmem>>, vector<1x3x1024xf32>
    %get3A_8 = vector.shape_cast %get3A_7 : vector<1x3x1024xf32> to vector<3x1024xf32>
    %dot_general3A = arith.constant dense<0.000000e+00> : vector<256x1024xf32>
    %dot_general3A_9 = tpu.matmul %get3A_3, %get3A_8, %dot_general3A {dimension_numbers = #tpu.dot_dimension_numbers<[1], [0], [0], [1], [0, 0, 1, 1], [], []>, transpose_lhs_hint = false} : vector<256x3xf32>, vector<3x1024xf32>, vector<256x1024xf32> -> vector<256x1024xf32>
    %mul3A = arith.mulf %get3A_3, %get3A_3 : vector<256x3xf32>
    %reduce_sum3A = arith.constant dense<0.000000e+00> : vector<256xf32>
    %reduce_sum3A_10 = vector.multi_reduction <add>, %mul3A, %reduce_sum3A [1] : vector<256x3xf32> to vector<256xf32>
    %broadcast_in_dim3A = vector.shape_cast %reduce_sum3A_10 : vector<256xf32> to vector<256x1xf32>
    %mul3A_11 = arith.mulf %get3A_8, %get3A_8 : vector<3x1024xf32>
    %reduce_sum3A_12 = arith.constant dense<0.000000e+00> : vector<1024xf32>
    %reduce_sum3A_13 = vector.multi_reduction <add>, %mul3A_11, %reduce_sum3A_12 [0] : vector<3x1024xf32> to vector<1024xf32>
    %broadcast_in_dim3A_14 = vector.shape_cast %reduce_sum3A_13 : vector<1024xf32> to vector<1x1024xf32>
    %add3A = vector.broadcast %broadcast_in_dim3A : vector<256x1xf32> to vector<256x1024xf32>
    %add3A_15 = vector.broadcast %broadcast_in_dim3A_14 : vector<1x1024xf32> to vector<256x1024xf32>
    %add3A_16 = arith.addf %add3A, %add3A_15 : vector<256x1024xf32>
    %mul3A_17 = arith.constant 2.000000e+00 : f32
    %mul3A_18 = vector.broadcast %mul3A_17 : f32 to vector<256x1024xf32>
    %mul3A_19 = arith.mulf %mul3A_18, %dot_general3A_9 : vector<256x1024xf32>
    %sub3A = arith.subf %add3A_16, %mul3A_19 : vector<256x1024xf32>
    %gt3A = arith.constant 1.000000e+00 : f32
    %gt3A_20 = vector.broadcast %gt3A : f32 to vector<256x1024xf32>
    %gt3A_21 = arith.cmpf ogt, %sub3A, %gt3A_20 : vector<256x1024xf32>
    %not3A = arith.constant dense<true> : vector<256x1024xi1>
    %not3A_22 = arith.xori %gt3A_21, %not3A : vector<256x1024xi1>
    %iota3A = tpu.iota {dimensions = array<i32: 0>} : vector<128x128xi32>
    %iota3A_23 = tpu.iota {dimensions = array<i32: 1>} : vector<128x128xi32>
    %le3A = arith.cmpi sle, %iota3A, %iota3A_23 : vector<128x128xi32>
    %convert_element_type3A = arith.extui %le3A : vector<128x128xi1> to vector<128x128xi32>
    %convert_element_type3A_24 = arith.sitofp %convert_element_type3A : vector<128x128xi32> to vector<128x128xf32>
    %iota3A_25 = tpu.iota {dimensions = array<i32: 0>} : vector<8x8xi32>
    %iota3A_26 = tpu.iota {dimensions = array<i32: 1>} : vector<8x8xi32>
    %lt3A = arith.cmpi slt, %iota3A_25, %iota3A_26 : vector<8x8xi32>
    %convert_element_type3A_27 = arith.extui %lt3A : vector<8x8xi1> to vector<8x8xi32>
    %convert_element_type3A_28 = arith.sitofp %convert_element_type3A_27 : vector<8x8xi32> to vector<8x8xf32>
    %convert_element_type3A_29 = arith.extui %not3A_22 : vector<256x1024xi1> to vector<256x1024xi32>
    %convert_element_type3A_30 = arith.sitofp %convert_element_type3A_29 : vector<256x1024xi32> to vector<256x1024xf32>
    %reshape3A = vector.shape_cast %convert_element_type3A_30 : vector<256x1024xf32> to vector<2048x128xf32>
    %dot_general3A_31 = arith.constant dense<0.000000e+00> : vector<2048x128xf32>
    %dot_general3A_32 = tpu.matmul %reshape3A, %convert_element_type3A_24, %dot_general3A_31 {dimension_numbers = #tpu.dot_dimension_numbers<[1], [0], [0], [1], [0, 0, 1, 1], [], []>, transpose_lhs_hint = false} : vector<2048x128xf32>, vector<128x128xf32>, vector<2048x128xf32> -> vector<2048x128xf32>
    %slice3A = vector.extract_strided_slice %dot_general3A_32 {offsets = [0, 127], sizes = [2048, 1], strides = [1, 1]} : vector<2048x128xf32> to vector<2048x1xf32>
    %reshape3A_33 = vector.shape_cast %slice3A : vector<2048x1xf32> to vector<256x8xf32>
    %dot_general3A_34 = arith.constant dense<0.000000e+00> : vector<256x8xf32>
    %dot_general3A_35 = tpu.matmul %reshape3A_33, %convert_element_type3A_28, %dot_general3A_34 {dimension_numbers = #tpu.dot_dimension_numbers<[1], [0], [0], [1], [0, 0, 1, 1], [], []>, transpose_lhs_hint = false} : vector<256x8xf32>, vector<8x8xf32>, vector<256x8xf32> -> vector<256x8xf32>
    %reshape3A_36 = vector.shape_cast %dot_general3A_32 : vector<2048x128xf32> to vector<256x8x128xf32>
    %broadcast_in_dim3A_37 = vector.shape_cast %dot_general3A_35 : vector<256x8xf32> to vector<256x8x1xf32>
    %add3A_38 = vector.broadcast %broadcast_in_dim3A_37 : vector<256x8x1xf32> to vector<256x8x128xf32>
    %add3A_39 = arith.addf %reshape3A_36, %add3A_38 : vector<256x8x128xf32>
    %reshape3A_40 = vector.shape_cast %add3A_39 : vector<256x8x128xf32> to vector<256x1024xf32>
    %convert_element_type3A_41 = arith.fptosi %reshape3A_40 : vector<256x1024xf32> to vector<256x1024xi32>
    %slice3A_42 = vector.extract_strided_slice %convert_element_type3A_41 {offsets = [0, 1023], sizes = [256, 1], strides = [1, 1]} : vector<256x1024xi32> to vector<256x1xi32>
    %le3A_43 = arith.constant 0 : i32
    %le3A_44 = vector.broadcast %le3A_43 : i32 to vector<256x1024xi32>
    %le3A_45 = arith.cmpi sle, %convert_element_type3A_41, %le3A_44 : vector<256x1024xi32>
    %jit3A = arith.constant 1.000000e+00 : f32
    %jit3A_46 = arith.constant 0.000000e+00 : f32
    %broadcast_in_dim3A_47 = vector.broadcast %jit3A : f32 to vector<256x1024xf32>
    %broadcast_in_dim3A_48 = vector.broadcast %jit3A_46 : f32 to vector<256x1024xf32>
    %select_n3A = arith.select %le3A_45, %broadcast_in_dim3A_47, %broadcast_in_dim3A_48 : vector<256x1024xi1>, vector<256x1024xf32>
    %reduce_sum3A_49 = arith.constant dense<0.000000e+00> : vector<256xf32>
    %reduce_sum3A_50 = vector.multi_reduction <add>, %select_n3A, %reduce_sum3A_49 [1] : vector<256x1024xf32> to vector<256xf32>
    %broadcast_in_dim3A_51 = vector.shape_cast %reduce_sum3A_50 : vector<256xf32> to vector<256x1xf32>
    %convert_element_type3A_52 = arith.fptosi %broadcast_in_dim3A_51 : vector<256x1xf32> to vector<256x1xi32>
    %le3A_53 = arith.constant 1 : i32
    %le3A_54 = vector.broadcast %le3A_53 : i32 to vector<256x1024xi32>
    %le3A_55 = arith.cmpi sle, %convert_element_type3A_41, %le3A_54 : vector<256x1024xi32>
    %jit3A_56 = arith.constant 1.000000e+00 : f32
    %jit3A_57 = arith.constant 0.000000e+00 : f32
    %broadcast_in_dim3A_58 = vector.broadcast %jit3A_56 : f32 to vector<256x1024xf32>
    %broadcast_in_dim3A_59 = vector.broadcast %jit3A_57 : f32 to vector<256x1024xf32>
    %select_n3A_60 = arith.select %le3A_55, %broadcast_in_dim3A_58, %broadcast_in_dim3A_59 : vector<256x1024xi1>, vector<256x1024xf32>
    %reduce_sum3A_61 = arith.constant dense<0.000000e+00> : vector<256xf32>
    %reduce_sum3A_62 = vector.multi_reduction <add>, %select_n3A_60, %reduce_sum3A_61 [1] : vector<256x1024xf32> to vector<256xf32>
    %broadcast_in_dim3A_63 = vector.shape_cast %reduce_sum3A_62 : vector<256xf32> to vector<256x1xf32>
    %convert_element_type3A_64 = arith.fptosi %broadcast_in_dim3A_63 : vector<256x1xf32> to vector<256x1xi32>
    %gt3A_65 = arith.constant 1 : i32
    %gt3A_66 = vector.broadcast %gt3A_65 : i32 to vector<256x1xi32>
    %gt3A_67 = arith.cmpi sgt, %slice3A_42, %gt3A_66 : vector<256x1xi32>
    %select_n3A_68 = arith.select %gt3A_67, %convert_element_type3A_64, %convert_element_type3A_52 : vector<256x1xi1>, vector<256x1xi32>
    %le3A_69 = arith.constant 2 : i32
    %le3A_70 = vector.broadcast %le3A_69 : i32 to vector<256x1024xi32>
    %le3A_71 = arith.cmpi sle, %convert_element_type3A_41, %le3A_70 : vector<256x1024xi32>
    %jit3A_72 = arith.constant 1.000000e+00 : f32
    %jit3A_73 = arith.constant 0.000000e+00 : f32
    %broadcast_in_dim3A_74 = vector.broadcast %jit3A_72 : f32 to vector<256x1024xf32>
    %broadcast_in_dim3A_75 = vector.broadcast %jit3A_73 : f32 to vector<256x1024xf32>
    %select_n3A_76 = arith.select %le3A_71, %broadcast_in_dim3A_74, %broadcast_in_dim3A_75 : vector<256x1024xi1>, vector<256x1024xf32>
    %reduce_sum3A_77 = arith.constant dense<0.000000e+00> : vector<256xf32>
    %reduce_sum3A_78 = vector.multi_reduction <add>, %select_n3A_76, %reduce_sum3A_77 [1] : vector<256x1024xf32> to vector<256xf32>
    %broadcast_in_dim3A_79 = vector.shape_cast %reduce_sum3A_78 : vector<256xf32> to vector<256x1xf32>
    %convert_element_type3A_80 = arith.fptosi %broadcast_in_dim3A_79 : vector<256x1xf32> to vector<256x1xi32>
    %gt3A_81 = arith.constant 2 : i32
    %gt3A_82 = vector.broadcast %gt3A_81 : i32 to vector<256x1xi32>
    %gt3A_83 = arith.cmpi sgt, %slice3A_42, %gt3A_82 : vector<256x1xi32>
    %select_n3A_84 = arith.select %gt3A_83, %convert_element_type3A_80, %convert_element_type3A_52 : vector<256x1xi1>, vector<256x1xi32>
    %le3A_85 = arith.constant 3 : i32
    %le3A_86 = vector.broadcast %le3A_85 : i32 to vector<256x1024xi32>
    %le3A_87 = arith.cmpi sle, %convert_element_type3A_41, %le3A_86 : vector<256x1024xi32>
    %jit3A_88 = arith.constant 1.000000e+00 : f32
    %jit3A_89 = arith.constant 0.000000e+00 : f32
    %broadcast_in_dim3A_90 = vector.broadcast %jit3A_88 : f32 to vector<256x1024xf32>
    %broadcast_in_dim3A_91 = vector.broadcast %jit3A_89 : f32 to vector<256x1024xf32>
    %select_n3A_92 = arith.select %le3A_87, %broadcast_in_dim3A_90, %broadcast_in_dim3A_91 : vector<256x1024xi1>, vector<256x1024xf32>
    %reduce_sum3A_93 = arith.constant dense<0.000000e+00> : vector<256xf32>
    %reduce_sum3A_94 = vector.multi_reduction <add>, %select_n3A_92, %reduce_sum3A_93 [1] : vector<256x1024xf32> to vector<256xf32>
    %broadcast_in_dim3A_95 = vector.shape_cast %reduce_sum3A_94 : vector<256xf32> to vector<256x1xf32>
    %convert_element_type3A_96 = arith.fptosi %broadcast_in_dim3A_95 : vector<256x1xf32> to vector<256x1xi32>
    %gt3A_97 = arith.constant 3 : i32
    %gt3A_98 = vector.broadcast %gt3A_97 : i32 to vector<256x1xi32>
    %gt3A_99 = arith.cmpi sgt, %slice3A_42, %gt3A_98 : vector<256x1xi32>
    %select_n3A_100 = arith.select %gt3A_99, %convert_element_type3A_96, %convert_element_type3A_52 : vector<256x1xi1>, vector<256x1xi32>
    %le3A_101 = arith.constant 4 : i32
    %le3A_102 = vector.broadcast %le3A_101 : i32 to vector<256x1024xi32>
    %le3A_103 = arith.cmpi sle, %convert_element_type3A_41, %le3A_102 : vector<256x1024xi32>
    %jit3A_104 = arith.constant 1.000000e+00 : f32
    %jit3A_105 = arith.constant 0.000000e+00 : f32
    %broadcast_in_dim3A_106 = vector.broadcast %jit3A_104 : f32 to vector<256x1024xf32>
    %broadcast_in_dim3A_107 = vector.broadcast %jit3A_105 : f32 to vector<256x1024xf32>
    %select_n3A_108 = arith.select %le3A_103, %broadcast_in_dim3A_106, %broadcast_in_dim3A_107 : vector<256x1024xi1>, vector<256x1024xf32>
    %reduce_sum3A_109 = arith.constant dense<0.000000e+00> : vector<256xf32>
    %reduce_sum3A_110 = vector.multi_reduction <add>, %select_n3A_108, %reduce_sum3A_109 [1] : vector<256x1024xf32> to vector<256xf32>
    %broadcast_in_dim3A_111 = vector.shape_cast %reduce_sum3A_110 : vector<256xf32> to vector<256x1xf32>
    %convert_element_type3A_112 = arith.fptosi %broadcast_in_dim3A_111 : vector<256x1xf32> to vector<256x1xi32>
    %gt3A_113 = arith.constant 4 : i32
    %gt3A_114 = vector.broadcast %gt3A_113 : i32 to vector<256x1xi32>
    %gt3A_115 = arith.cmpi sgt, %slice3A_42, %gt3A_114 : vector<256x1xi32>
    %select_n3A_116 = arith.select %gt3A_115, %convert_element_type3A_112, %convert_element_type3A_52 : vector<256x1xi1>, vector<256x1xi32>
    %le3A_117 = arith.constant 5 : i32
    %le3A_118 = vector.broadcast %le3A_117 : i32 to vector<256x1024xi32>
    %le3A_119 = arith.cmpi sle, %convert_element_type3A_41, %le3A_118 : vector<256x1024xi32>
    %jit3A_120 = arith.constant 1.000000e+00 : f32
    %jit3A_121 = arith.constant 0.000000e+00 : f32
    %broadcast_in_dim3A_122 = vector.broadcast %jit3A_120 : f32 to vector<256x1024xf32>
    %broadcast_in_dim3A_123 = vector.broadcast %jit3A_121 : f32 to vector<256x1024xf32>
    %select_n3A_124 = arith.select %le3A_119, %broadcast_in_dim3A_122, %broadcast_in_dim3A_123 : vector<256x1024xi1>, vector<256x1024xf32>
    %reduce_sum3A_125 = arith.constant dense<0.000000e+00> : vector<256xf32>
    %reduce_sum3A_126 = vector.multi_reduction <add>, %select_n3A_124, %reduce_sum3A_125 [1] : vector<256x1024xf32> to vector<256xf32>
    %broadcast_in_dim3A_127 = vector.shape_cast %reduce_sum3A_126 : vector<256xf32> to vector<256x1xf32>
    %convert_element_type3A_128 = arith.fptosi %broadcast_in_dim3A_127 : vector<256x1xf32> to vector<256x1xi32>
    %gt3A_129 = arith.constant 5 : i32
    %gt3A_130 = vector.broadcast %gt3A_129 : i32 to vector<256x1xi32>
    %gt3A_131 = arith.cmpi sgt, %slice3A_42, %gt3A_130 : vector<256x1xi32>
    %select_n3A_132 = arith.select %gt3A_131, %convert_element_type3A_128, %convert_element_type3A_52 : vector<256x1xi1>, vector<256x1xi32>
    %le3A_133 = arith.constant 6 : i32
    %le3A_134 = vector.broadcast %le3A_133 : i32 to vector<256x1024xi32>
    %le3A_135 = arith.cmpi sle, %convert_element_type3A_41, %le3A_134 : vector<256x1024xi32>
    %jit3A_136 = arith.constant 1.000000e+00 : f32
    %jit3A_137 = arith.constant 0.000000e+00 : f32
    %broadcast_in_dim3A_138 = vector.broadcast %jit3A_136 : f32 to vector<256x1024xf32>
    %broadcast_in_dim3A_139 = vector.broadcast %jit3A_137 : f32 to vector<256x1024xf32>
    %select_n3A_140 = arith.select %le3A_135, %broadcast_in_dim3A_138, %broadcast_in_dim3A_139 : vector<256x1024xi1>, vector<256x1024xf32>
    %reduce_sum3A_141 = arith.constant dense<0.000000e+00> : vector<256xf32>
    %reduce_sum3A_142 = vector.multi_reduction <add>, %select_n3A_140, %reduce_sum3A_141 [1] : vector<256x1024xf32> to vector<256xf32>
    %broadcast_in_dim3A_143 = vector.shape_cast %reduce_sum3A_142 : vector<256xf32> to vector<256x1xf32>
    %convert_element_type3A_144 = arith.fptosi %broadcast_in_dim3A_143 : vector<256x1xf32> to vector<256x1xi32>
    %gt3A_145 = arith.constant 6 : i32
    %gt3A_146 = vector.broadcast %gt3A_145 : i32 to vector<256x1xi32>
    %gt3A_147 = arith.cmpi sgt, %slice3A_42, %gt3A_146 : vector<256x1xi32>
    %select_n3A_148 = arith.select %gt3A_147, %convert_element_type3A_144, %convert_element_type3A_52 : vector<256x1xi1>, vector<256x1xi32>
    %le3A_149 = arith.constant 7 : i32
    %le3A_150 = vector.broadcast %le3A_149 : i32 to vector<256x1024xi32>
    %le3A_151 = arith.cmpi sle, %convert_element_type3A_41, %le3A_150 : vector<256x1024xi32>
    %jit3A_152 = arith.constant 1.000000e+00 : f32
    %jit3A_153 = arith.constant 0.000000e+00 : f32
    %broadcast_in_dim3A_154 = vector.broadcast %jit3A_152 : f32 to vector<256x1024xf32>
    %broadcast_in_dim3A_155 = vector.broadcast %jit3A_153 : f32 to vector<256x1024xf32>
    %select_n3A_156 = arith.select %le3A_151, %broadcast_in_dim3A_154, %broadcast_in_dim3A_155 : vector<256x1024xi1>, vector<256x1024xf32>
    %reduce_sum3A_157 = arith.constant dense<0.000000e+00> : vector<256xf32>
    %reduce_sum3A_158 = vector.multi_reduction <add>, %select_n3A_156, %reduce_sum3A_157 [1] : vector<256x1024xf32> to vector<256xf32>
    %broadcast_in_dim3A_159 = vector.shape_cast %reduce_sum3A_158 : vector<256xf32> to vector<256x1xf32>
    %convert_element_type3A_160 = arith.fptosi %broadcast_in_dim3A_159 : vector<256x1xf32> to vector<256x1xi32>
    %gt3A_161 = arith.constant 7 : i32
    %gt3A_162 = vector.broadcast %gt3A_161 : i32 to vector<256x1xi32>
    %gt3A_163 = arith.cmpi sgt, %slice3A_42, %gt3A_162 : vector<256x1xi32>
    %select_n3A_164 = arith.select %gt3A_163, %convert_element_type3A_160, %convert_element_type3A_52 : vector<256x1xi1>, vector<256x1xi32>
    %le3A_165 = arith.constant 8 : i32
    %le3A_166 = vector.broadcast %le3A_165 : i32 to vector<256x1024xi32>
    %le3A_167 = arith.cmpi sle, %convert_element_type3A_41, %le3A_166 : vector<256x1024xi32>
    %jit3A_168 = arith.constant 1.000000e+00 : f32
    %jit3A_169 = arith.constant 0.000000e+00 : f32
    %broadcast_in_dim3A_170 = vector.broadcast %jit3A_168 : f32 to vector<256x1024xf32>
    %broadcast_in_dim3A_171 = vector.broadcast %jit3A_169 : f32 to vector<256x1024xf32>
    %select_n3A_172 = arith.select %le3A_167, %broadcast_in_dim3A_170, %broadcast_in_dim3A_171 : vector<256x1024xi1>, vector<256x1024xf32>
    %reduce_sum3A_173 = arith.constant dense<0.000000e+00> : vector<256xf32>
    %reduce_sum3A_174 = vector.multi_reduction <add>, %select_n3A_172, %reduce_sum3A_173 [1] : vector<256x1024xf32> to vector<256xf32>
    %broadcast_in_dim3A_175 = vector.shape_cast %reduce_sum3A_174 : vector<256xf32> to vector<256x1xf32>
    %convert_element_type3A_176 = arith.fptosi %broadcast_in_dim3A_175 : vector<256x1xf32> to vector<256x1xi32>
    %gt3A_177 = arith.constant 8 : i32
    %gt3A_178 = vector.broadcast %gt3A_177 : i32 to vector<256x1xi32>
    %gt3A_179 = arith.cmpi sgt, %slice3A_42, %gt3A_178 : vector<256x1xi32>
    %select_n3A_180 = arith.select %gt3A_179, %convert_element_type3A_176, %convert_element_type3A_52 : vector<256x1xi1>, vector<256x1xi32>
    %le3A_181 = arith.constant 9 : i32
    %le3A_182 = vector.broadcast %le3A_181 : i32 to vector<256x1024xi32>
    %le3A_183 = arith.cmpi sle, %convert_element_type3A_41, %le3A_182 : vector<256x1024xi32>
    %jit3A_184 = arith.constant 1.000000e+00 : f32
    %jit3A_185 = arith.constant 0.000000e+00 : f32
    %broadcast_in_dim3A_186 = vector.broadcast %jit3A_184 : f32 to vector<256x1024xf32>
    %broadcast_in_dim3A_187 = vector.broadcast %jit3A_185 : f32 to vector<256x1024xf32>
    %select_n3A_188 = arith.select %le3A_183, %broadcast_in_dim3A_186, %broadcast_in_dim3A_187 : vector<256x1024xi1>, vector<256x1024xf32>
    %reduce_sum3A_189 = arith.constant dense<0.000000e+00> : vector<256xf32>
    %reduce_sum3A_190 = vector.multi_reduction <add>, %select_n3A_188, %reduce_sum3A_189 [1] : vector<256x1024xf32> to vector<256xf32>
    %broadcast_in_dim3A_191 = vector.shape_cast %reduce_sum3A_190 : vector<256xf32> to vector<256x1xf32>
    %convert_element_type3A_192 = arith.fptosi %broadcast_in_dim3A_191 : vector<256x1xf32> to vector<256x1xi32>
    %gt3A_193 = arith.constant 9 : i32
    %gt3A_194 = vector.broadcast %gt3A_193 : i32 to vector<256x1xi32>
    %gt3A_195 = arith.cmpi sgt, %slice3A_42, %gt3A_194 : vector<256x1xi32>
    %select_n3A_196 = arith.select %gt3A_195, %convert_element_type3A_192, %convert_element_type3A_52 : vector<256x1xi1>, vector<256x1xi32>
    %le3A_197 = arith.constant 10 : i32
    %le3A_198 = vector.broadcast %le3A_197 : i32 to vector<256x1024xi32>
    %le3A_199 = arith.cmpi sle, %convert_element_type3A_41, %le3A_198 : vector<256x1024xi32>
    %jit3A_200 = arith.constant 1.000000e+00 : f32
    %jit3A_201 = arith.constant 0.000000e+00 : f32
    %broadcast_in_dim3A_202 = vector.broadcast %jit3A_200 : f32 to vector<256x1024xf32>
    %broadcast_in_dim3A_203 = vector.broadcast %jit3A_201 : f32 to vector<256x1024xf32>
    %select_n3A_204 = arith.select %le3A_199, %broadcast_in_dim3A_202, %broadcast_in_dim3A_203 : vector<256x1024xi1>, vector<256x1024xf32>
    %reduce_sum3A_205 = arith.constant dense<0.000000e+00> : vector<256xf32>
    %reduce_sum3A_206 = vector.multi_reduction <add>, %select_n3A_204, %reduce_sum3A_205 [1] : vector<256x1024xf32> to vector<256xf32>
    %broadcast_in_dim3A_207 = vector.shape_cast %reduce_sum3A_206 : vector<256xf32> to vector<256x1xf32>
    %convert_element_type3A_208 = arith.fptosi %broadcast_in_dim3A_207 : vector<256x1xf32> to vector<256x1xi32>
    %gt3A_209 = arith.constant 10 : i32
    %gt3A_210 = vector.broadcast %gt3A_209 : i32 to vector<256x1xi32>
    %gt3A_211 = arith.cmpi sgt, %slice3A_42, %gt3A_210 : vector<256x1xi32>
    %select_n3A_212 = arith.select %gt3A_211, %convert_element_type3A_208, %convert_element_type3A_52 : vector<256x1xi1>, vector<256x1xi32>
    %le3A_213 = arith.constant 11 : i32
    %le3A_214 = vector.broadcast %le3A_213 : i32 to vector<256x1024xi32>
    %le3A_215 = arith.cmpi sle, %convert_element_type3A_41, %le3A_214 : vector<256x1024xi32>
    %jit3A_216 = arith.constant 1.000000e+00 : f32
    %jit3A_217 = arith.constant 0.000000e+00 : f32
    %broadcast_in_dim3A_218 = vector.broadcast %jit3A_216 : f32 to vector<256x1024xf32>
    %broadcast_in_dim3A_219 = vector.broadcast %jit3A_217 : f32 to vector<256x1024xf32>
    %select_n3A_220 = arith.select %le3A_215, %broadcast_in_dim3A_218, %broadcast_in_dim3A_219 : vector<256x1024xi1>, vector<256x1024xf32>
    %reduce_sum3A_221 = arith.constant dense<0.000000e+00> : vector<256xf32>
    %reduce_sum3A_222 = vector.multi_reduction <add>, %select_n3A_220, %reduce_sum3A_221 [1] : vector<256x1024xf32> to vector<256xf32>
    %broadcast_in_dim3A_223 = vector.shape_cast %reduce_sum3A_222 : vector<256xf32> to vector<256x1xf32>
    %convert_element_type3A_224 = arith.fptosi %broadcast_in_dim3A_223 : vector<256x1xf32> to vector<256x1xi32>
    %gt3A_225 = arith.constant 11 : i32
    %gt3A_226 = vector.broadcast %gt3A_225 : i32 to vector<256x1xi32>
    %gt3A_227 = arith.cmpi sgt, %slice3A_42, %gt3A_226 : vector<256x1xi32>
    %select_n3A_228 = arith.select %gt3A_227, %convert_element_type3A_224, %convert_element_type3A_52 : vector<256x1xi1>, vector<256x1xi32>
    %le3A_229 = arith.constant 12 : i32
    %le3A_230 = vector.broadcast %le3A_229 : i32 to vector<256x1024xi32>
    %le3A_231 = arith.cmpi sle, %convert_element_type3A_41, %le3A_230 : vector<256x1024xi32>
    %jit3A_232 = arith.constant 1.000000e+00 : f32
    %jit3A_233 = arith.constant 0.000000e+00 : f32
    %broadcast_in_dim3A_234 = vector.broadcast %jit3A_232 : f32 to vector<256x1024xf32>
    %broadcast_in_dim3A_235 = vector.broadcast %jit3A_233 : f32 to vector<256x1024xf32>
    %select_n3A_236 = arith.select %le3A_231, %broadcast_in_dim3A_234, %broadcast_in_dim3A_235 : vector<256x1024xi1>, vector<256x1024xf32>
    %reduce_sum3A_237 = arith.constant dense<0.000000e+00> : vector<256xf32>
    %reduce_sum3A_238 = vector.multi_reduction <add>, %select_n3A_236, %reduce_sum3A_237 [1] : vector<256x1024xf32> to vector<256xf32>
    %broadcast_in_dim3A_239 = vector.shape_cast %reduce_sum3A_238 : vector<256xf32> to vector<256x1xf32>
    %convert_element_type3A_240 = arith.fptosi %broadcast_in_dim3A_239 : vector<256x1xf32> to vector<256x1xi32>
    %gt3A_241 = arith.constant 12 : i32
    %gt3A_242 = vector.broadcast %gt3A_241 : i32 to vector<256x1xi32>
    %gt3A_243 = arith.cmpi sgt, %slice3A_42, %gt3A_242 : vector<256x1xi32>
    %select_n3A_244 = arith.select %gt3A_243, %convert_element_type3A_240, %convert_element_type3A_52 : vector<256x1xi1>, vector<256x1xi32>
    %le3A_245 = arith.constant 13 : i32
    %le3A_246 = vector.broadcast %le3A_245 : i32 to vector<256x1024xi32>
    %le3A_247 = arith.cmpi sle, %convert_element_type3A_41, %le3A_246 : vector<256x1024xi32>
    %jit3A_248 = arith.constant 1.000000e+00 : f32
    %jit3A_249 = arith.constant 0.000000e+00 : f32
    %broadcast_in_dim3A_250 = vector.broadcast %jit3A_248 : f32 to vector<256x1024xf32>
    %broadcast_in_dim3A_251 = vector.broadcast %jit3A_249 : f32 to vector<256x1024xf32>
    %select_n3A_252 = arith.select %le3A_247, %broadcast_in_dim3A_250, %broadcast_in_dim3A_251 : vector<256x1024xi1>, vector<256x1024xf32>
    %reduce_sum3A_253 = arith.constant dense<0.000000e+00> : vector<256xf32>
    %reduce_sum3A_254 = vector.multi_reduction <add>, %select_n3A_252, %reduce_sum3A_253 [1] : vector<256x1024xf32> to vector<256xf32>
    %broadcast_in_dim3A_255 = vector.shape_cast %reduce_sum3A_254 : vector<256xf32> to vector<256x1xf32>
    %convert_element_type3A_256 = arith.fptosi %broadcast_in_dim3A_255 : vector<256x1xf32> to vector<256x1xi32>
    %gt3A_257 = arith.constant 13 : i32
    %gt3A_258 = vector.broadcast %gt3A_257 : i32 to vector<256x1xi32>
    %gt3A_259 = arith.cmpi sgt, %slice3A_42, %gt3A_258 : vector<256x1xi32>
    %select_n3A_260 = arith.select %gt3A_259, %convert_element_type3A_256, %convert_element_type3A_52 : vector<256x1xi1>, vector<256x1xi32>
    %le3A_261 = arith.constant 14 : i32
    %le3A_262 = vector.broadcast %le3A_261 : i32 to vector<256x1024xi32>
    %le3A_263 = arith.cmpi sle, %convert_element_type3A_41, %le3A_262 : vector<256x1024xi32>
    %jit3A_264 = arith.constant 1.000000e+00 : f32
    %jit3A_265 = arith.constant 0.000000e+00 : f32
    %broadcast_in_dim3A_266 = vector.broadcast %jit3A_264 : f32 to vector<256x1024xf32>
    %broadcast_in_dim3A_267 = vector.broadcast %jit3A_265 : f32 to vector<256x1024xf32>
    %select_n3A_268 = arith.select %le3A_263, %broadcast_in_dim3A_266, %broadcast_in_dim3A_267 : vector<256x1024xi1>, vector<256x1024xf32>
    %reduce_sum3A_269 = arith.constant dense<0.000000e+00> : vector<256xf32>
    %reduce_sum3A_270 = vector.multi_reduction <add>, %select_n3A_268, %reduce_sum3A_269 [1] : vector<256x1024xf32> to vector<256xf32>
    %broadcast_in_dim3A_271 = vector.shape_cast %reduce_sum3A_270 : vector<256xf32> to vector<256x1xf32>
    %convert_element_type3A_272 = arith.fptosi %broadcast_in_dim3A_271 : vector<256x1xf32> to vector<256x1xi32>
    %gt3A_273 = arith.constant 14 : i32
    %gt3A_274 = vector.broadcast %gt3A_273 : i32 to vector<256x1xi32>
    %gt3A_275 = arith.cmpi sgt, %slice3A_42, %gt3A_274 : vector<256x1xi32>
    %select_n3A_276 = arith.select %gt3A_275, %convert_element_type3A_272, %convert_element_type3A_52 : vector<256x1xi1>, vector<256x1xi32>
    %le3A_277 = arith.constant 15 : i32
    %le3A_278 = vector.broadcast %le3A_277 : i32 to vector<256x1024xi32>
    %le3A_279 = arith.cmpi sle, %convert_element_type3A_41, %le3A_278 : vector<256x1024xi32>
    %jit3A_280 = arith.constant 1.000000e+00 : f32
    %jit3A_281 = arith.constant 0.000000e+00 : f32
    %broadcast_in_dim3A_282 = vector.broadcast %jit3A_280 : f32 to vector<256x1024xf32>
    %broadcast_in_dim3A_283 = vector.broadcast %jit3A_281 : f32 to vector<256x1024xf32>
    %select_n3A_284 = arith.select %le3A_279, %broadcast_in_dim3A_282, %broadcast_in_dim3A_283 : vector<256x1024xi1>, vector<256x1024xf32>
    %reduce_sum3A_285 = arith.constant dense<0.000000e+00> : vector<256xf32>
    %reduce_sum3A_286 = vector.multi_reduction <add>, %select_n3A_284, %reduce_sum3A_285 [1] : vector<256x1024xf32> to vector<256xf32>
    %broadcast_in_dim3A_287 = vector.shape_cast %reduce_sum3A_286 : vector<256xf32> to vector<256x1xf32>
    %convert_element_type3A_288 = arith.fptosi %broadcast_in_dim3A_287 : vector<256x1xf32> to vector<256x1xi32>
    %gt3A_289 = arith.constant 15 : i32
    %gt3A_290 = vector.broadcast %gt3A_289 : i32 to vector<256x1xi32>
    %gt3A_291 = arith.cmpi sgt, %slice3A_42, %gt3A_290 : vector<256x1xi32>
    %select_n3A_292 = arith.select %gt3A_291, %convert_element_type3A_288, %convert_element_type3A_52 : vector<256x1xi1>, vector<256x1xi32>
    %le3A_293 = arith.constant 16 : i32
    %le3A_294 = vector.broadcast %le3A_293 : i32 to vector<256x1024xi32>
    %le3A_295 = arith.cmpi sle, %convert_element_type3A_41, %le3A_294 : vector<256x1024xi32>
    %jit3A_296 = arith.constant 1.000000e+00 : f32
    %jit3A_297 = arith.constant 0.000000e+00 : f32
    %broadcast_in_dim3A_298 = vector.broadcast %jit3A_296 : f32 to vector<256x1024xf32>
    %broadcast_in_dim3A_299 = vector.broadcast %jit3A_297 : f32 to vector<256x1024xf32>
    %select_n3A_300 = arith.select %le3A_295, %broadcast_in_dim3A_298, %broadcast_in_dim3A_299 : vector<256x1024xi1>, vector<256x1024xf32>
    %reduce_sum3A_301 = arith.constant dense<0.000000e+00> : vector<256xf32>
    %reduce_sum3A_302 = vector.multi_reduction <add>, %select_n3A_300, %reduce_sum3A_301 [1] : vector<256x1024xf32> to vector<256xf32>
    %broadcast_in_dim3A_303 = vector.shape_cast %reduce_sum3A_302 : vector<256xf32> to vector<256x1xf32>
    %convert_element_type3A_304 = arith.fptosi %broadcast_in_dim3A_303 : vector<256x1xf32> to vector<256x1xi32>
    %gt3A_305 = arith.constant 16 : i32
    %gt3A_306 = vector.broadcast %gt3A_305 : i32 to vector<256x1xi32>
    %gt3A_307 = arith.cmpi sgt, %slice3A_42, %gt3A_306 : vector<256x1xi32>
    %select_n3A_308 = arith.select %gt3A_307, %convert_element_type3A_304, %convert_element_type3A_52 : vector<256x1xi1>, vector<256x1xi32>
    %le3A_309 = arith.constant 17 : i32
    %le3A_310 = vector.broadcast %le3A_309 : i32 to vector<256x1024xi32>
    %le3A_311 = arith.cmpi sle, %convert_element_type3A_41, %le3A_310 : vector<256x1024xi32>
    %jit3A_312 = arith.constant 1.000000e+00 : f32
    %jit3A_313 = arith.constant 0.000000e+00 : f32
    %broadcast_in_dim3A_314 = vector.broadcast %jit3A_312 : f32 to vector<256x1024xf32>
    %broadcast_in_dim3A_315 = vector.broadcast %jit3A_313 : f32 to vector<256x1024xf32>
    %select_n3A_316 = arith.select %le3A_311, %broadcast_in_dim3A_314, %broadcast_in_dim3A_315 : vector<256x1024xi1>, vector<256x1024xf32>
    %reduce_sum3A_317 = arith.constant dense<0.000000e+00> : vector<256xf32>
    %reduce_sum3A_318 = vector.multi_reduction <add>, %select_n3A_316, %reduce_sum3A_317 [1] : vector<256x1024xf32> to vector<256xf32>
    %broadcast_in_dim3A_319 = vector.shape_cast %reduce_sum3A_318 : vector<256xf32> to vector<256x1xf32>
    %convert_element_type3A_320 = arith.fptosi %broadcast_in_dim3A_319 : vector<256x1xf32> to vector<256x1xi32>
    %gt3A_321 = arith.constant 17 : i32
    %gt3A_322 = vector.broadcast %gt3A_321 : i32 to vector<256x1xi32>
    %gt3A_323 = arith.cmpi sgt, %slice3A_42, %gt3A_322 : vector<256x1xi32>
    %select_n3A_324 = arith.select %gt3A_323, %convert_element_type3A_320, %convert_element_type3A_52 : vector<256x1xi1>, vector<256x1xi32>
    %le3A_325 = arith.constant 18 : i32
    %le3A_326 = vector.broadcast %le3A_325 : i32 to vector<256x1024xi32>
    %le3A_327 = arith.cmpi sle, %convert_element_type3A_41, %le3A_326 : vector<256x1024xi32>
    %jit3A_328 = arith.constant 1.000000e+00 : f32
    %jit3A_329 = arith.constant 0.000000e+00 : f32
    %broadcast_in_dim3A_330 = vector.broadcast %jit3A_328 : f32 to vector<256x1024xf32>
    %broadcast_in_dim3A_331 = vector.broadcast %jit3A_329 : f32 to vector<256x1024xf32>
    %select_n3A_332 = arith.select %le3A_327, %broadcast_in_dim3A_330, %broadcast_in_dim3A_331 : vector<256x1024xi1>, vector<256x1024xf32>
    %reduce_sum3A_333 = arith.constant dense<0.000000e+00> : vector<256xf32>
    %reduce_sum3A_334 = vector.multi_reduction <add>, %select_n3A_332, %reduce_sum3A_333 [1] : vector<256x1024xf32> to vector<256xf32>
    %broadcast_in_dim3A_335 = vector.shape_cast %reduce_sum3A_334 : vector<256xf32> to vector<256x1xf32>
    %convert_element_type3A_336 = arith.fptosi %broadcast_in_dim3A_335 : vector<256x1xf32> to vector<256x1xi32>
    %gt3A_337 = arith.constant 18 : i32
    %gt3A_338 = vector.broadcast %gt3A_337 : i32 to vector<256x1xi32>
    %gt3A_339 = arith.cmpi sgt, %slice3A_42, %gt3A_338 : vector<256x1xi32>
    %select_n3A_340 = arith.select %gt3A_339, %convert_element_type3A_336, %convert_element_type3A_52 : vector<256x1xi1>, vector<256x1xi32>
    %le3A_341 = arith.constant 19 : i32
    %le3A_342 = vector.broadcast %le3A_341 : i32 to vector<256x1024xi32>
    %le3A_343 = arith.cmpi sle, %convert_element_type3A_41, %le3A_342 : vector<256x1024xi32>
    %jit3A_344 = arith.constant 1.000000e+00 : f32
    %jit3A_345 = arith.constant 0.000000e+00 : f32
    %broadcast_in_dim3A_346 = vector.broadcast %jit3A_344 : f32 to vector<256x1024xf32>
    %broadcast_in_dim3A_347 = vector.broadcast %jit3A_345 : f32 to vector<256x1024xf32>
    %select_n3A_348 = arith.select %le3A_343, %broadcast_in_dim3A_346, %broadcast_in_dim3A_347 : vector<256x1024xi1>, vector<256x1024xf32>
    %reduce_sum3A_349 = arith.constant dense<0.000000e+00> : vector<256xf32>
    %reduce_sum3A_350 = vector.multi_reduction <add>, %select_n3A_348, %reduce_sum3A_349 [1] : vector<256x1024xf32> to vector<256xf32>
    %broadcast_in_dim3A_351 = vector.shape_cast %reduce_sum3A_350 : vector<256xf32> to vector<256x1xf32>
    %convert_element_type3A_352 = arith.fptosi %broadcast_in_dim3A_351 : vector<256x1xf32> to vector<256x1xi32>
    %gt3A_353 = arith.constant 19 : i32
    %gt3A_354 = vector.broadcast %gt3A_353 : i32 to vector<256x1xi32>
    %gt3A_355 = arith.cmpi sgt, %slice3A_42, %gt3A_354 : vector<256x1xi32>
    %select_n3A_356 = arith.select %gt3A_355, %convert_element_type3A_352, %convert_element_type3A_52 : vector<256x1xi1>, vector<256x1xi32>
    %le3A_357 = arith.constant 20 : i32
    %le3A_358 = vector.broadcast %le3A_357 : i32 to vector<256x1024xi32>
    %le3A_359 = arith.cmpi sle, %convert_element_type3A_41, %le3A_358 : vector<256x1024xi32>
    %jit3A_360 = arith.constant 1.000000e+00 : f32
    %jit3A_361 = arith.constant 0.000000e+00 : f32
    %broadcast_in_dim3A_362 = vector.broadcast %jit3A_360 : f32 to vector<256x1024xf32>
    %broadcast_in_dim3A_363 = vector.broadcast %jit3A_361 : f32 to vector<256x1024xf32>
    %select_n3A_364 = arith.select %le3A_359, %broadcast_in_dim3A_362, %broadcast_in_dim3A_363 : vector<256x1024xi1>, vector<256x1024xf32>
    %reduce_sum3A_365 = arith.constant dense<0.000000e+00> : vector<256xf32>
    %reduce_sum3A_366 = vector.multi_reduction <add>, %select_n3A_364, %reduce_sum3A_365 [1] : vector<256x1024xf32> to vector<256xf32>
    %broadcast_in_dim3A_367 = vector.shape_cast %reduce_sum3A_366 : vector<256xf32> to vector<256x1xf32>
    %convert_element_type3A_368 = arith.fptosi %broadcast_in_dim3A_367 : vector<256x1xf32> to vector<256x1xi32>
    %gt3A_369 = arith.constant 20 : i32
    %gt3A_370 = vector.broadcast %gt3A_369 : i32 to vector<256x1xi32>
    %gt3A_371 = arith.cmpi sgt, %slice3A_42, %gt3A_370 : vector<256x1xi32>
    %select_n3A_372 = arith.select %gt3A_371, %convert_element_type3A_368, %convert_element_type3A_52 : vector<256x1xi1>, vector<256x1xi32>
    %le3A_373 = arith.constant 21 : i32
    %le3A_374 = vector.broadcast %le3A_373 : i32 to vector<256x1024xi32>
    %le3A_375 = arith.cmpi sle, %convert_element_type3A_41, %le3A_374 : vector<256x1024xi32>
    %jit3A_376 = arith.constant 1.000000e+00 : f32
    %jit3A_377 = arith.constant 0.000000e+00 : f32
    %broadcast_in_dim3A_378 = vector.broadcast %jit3A_376 : f32 to vector<256x1024xf32>
    %broadcast_in_dim3A_379 = vector.broadcast %jit3A_377 : f32 to vector<256x1024xf32>
    %select_n3A_380 = arith.select %le3A_375, %broadcast_in_dim3A_378, %broadcast_in_dim3A_379 : vector<256x1024xi1>, vector<256x1024xf32>
    %reduce_sum3A_381 = arith.constant dense<0.000000e+00> : vector<256xf32>
    %reduce_sum3A_382 = vector.multi_reduction <add>, %select_n3A_380, %reduce_sum3A_381 [1] : vector<256x1024xf32> to vector<256xf32>
    %broadcast_in_dim3A_383 = vector.shape_cast %reduce_sum3A_382 : vector<256xf32> to vector<256x1xf32>
    %convert_element_type3A_384 = arith.fptosi %broadcast_in_dim3A_383 : vector<256x1xf32> to vector<256x1xi32>
    %gt3A_385 = arith.constant 21 : i32
    %gt3A_386 = vector.broadcast %gt3A_385 : i32 to vector<256x1xi32>
    %gt3A_387 = arith.cmpi sgt, %slice3A_42, %gt3A_386 : vector<256x1xi32>
    %select_n3A_388 = arith.select %gt3A_387, %convert_element_type3A_384, %convert_element_type3A_52 : vector<256x1xi1>, vector<256x1xi32>
    %le3A_389 = arith.constant 22 : i32
    %le3A_390 = vector.broadcast %le3A_389 : i32 to vector<256x1024xi32>
    %le3A_391 = arith.cmpi sle, %convert_element_type3A_41, %le3A_390 : vector<256x1024xi32>
    %jit3A_392 = arith.constant 1.000000e+00 : f32
    %jit3A_393 = arith.constant 0.000000e+00 : f32
    %broadcast_in_dim3A_394 = vector.broadcast %jit3A_392 : f32 to vector<256x1024xf32>
    %broadcast_in_dim3A_395 = vector.broadcast %jit3A_393 : f32 to vector<256x1024xf32>
    %select_n3A_396 = arith.select %le3A_391, %broadcast_in_dim3A_394, %broadcast_in_dim3A_395 : vector<256x1024xi1>, vector<256x1024xf32>
    %reduce_sum3A_397 = arith.constant dense<0.000000e+00> : vector<256xf32>
    %reduce_sum3A_398 = vector.multi_reduction <add>, %select_n3A_396, %reduce_sum3A_397 [1] : vector<256x1024xf32> to vector<256xf32>
    %broadcast_in_dim3A_399 = vector.shape_cast %reduce_sum3A_398 : vector<256xf32> to vector<256x1xf32>
    %convert_element_type3A_400 = arith.fptosi %broadcast_in_dim3A_399 : vector<256x1xf32> to vector<256x1xi32>
    %gt3A_401 = arith.constant 22 : i32
    %gt3A_402 = vector.broadcast %gt3A_401 : i32 to vector<256x1xi32>
    %gt3A_403 = arith.cmpi sgt, %slice3A_42, %gt3A_402 : vector<256x1xi32>
    %select_n3A_404 = arith.select %gt3A_403, %convert_element_type3A_400, %convert_element_type3A_52 : vector<256x1xi1>, vector<256x1xi32>
    %le3A_405 = arith.constant 23 : i32
    %le3A_406 = vector.broadcast %le3A_405 : i32 to vector<256x1024xi32>
    %le3A_407 = arith.cmpi sle, %convert_element_type3A_41, %le3A_406 : vector<256x1024xi32>
    %jit3A_408 = arith.constant 1.000000e+00 : f32
    %jit3A_409 = arith.constant 0.000000e+00 : f32
    %broadcast_in_dim3A_410 = vector.broadcast %jit3A_408 : f32 to vector<256x1024xf32>
    %broadcast_in_dim3A_411 = vector.broadcast %jit3A_409 : f32 to vector<256x1024xf32>
    %select_n3A_412 = arith.select %le3A_407, %broadcast_in_dim3A_410, %broadcast_in_dim3A_411 : vector<256x1024xi1>, vector<256x1024xf32>
    %reduce_sum3A_413 = arith.constant dense<0.000000e+00> : vector<256xf32>
    %reduce_sum3A_414 = vector.multi_reduction <add>, %select_n3A_412, %reduce_sum3A_413 [1] : vector<256x1024xf32> to vector<256xf32>
    %broadcast_in_dim3A_415 = vector.shape_cast %reduce_sum3A_414 : vector<256xf32> to vector<256x1xf32>
    %convert_element_type3A_416 = arith.fptosi %broadcast_in_dim3A_415 : vector<256x1xf32> to vector<256x1xi32>
    %gt3A_417 = arith.constant 23 : i32
    %gt3A_418 = vector.broadcast %gt3A_417 : i32 to vector<256x1xi32>
    %gt3A_419 = arith.cmpi sgt, %slice3A_42, %gt3A_418 : vector<256x1xi32>
    %select_n3A_420 = arith.select %gt3A_419, %convert_element_type3A_416, %convert_element_type3A_52 : vector<256x1xi1>, vector<256x1xi32>
    %le3A_421 = arith.constant 24 : i32
    %le3A_422 = vector.broadcast %le3A_421 : i32 to vector<256x1024xi32>
    %le3A_423 = arith.cmpi sle, %convert_element_type3A_41, %le3A_422 : vector<256x1024xi32>
    %jit3A_424 = arith.constant 1.000000e+00 : f32
    %jit3A_425 = arith.constant 0.000000e+00 : f32
    %broadcast_in_dim3A_426 = vector.broadcast %jit3A_424 : f32 to vector<256x1024xf32>
    %broadcast_in_dim3A_427 = vector.broadcast %jit3A_425 : f32 to vector<256x1024xf32>
    %select_n3A_428 = arith.select %le3A_423, %broadcast_in_dim3A_426, %broadcast_in_dim3A_427 : vector<256x1024xi1>, vector<256x1024xf32>
    %reduce_sum3A_429 = arith.constant dense<0.000000e+00> : vector<256xf32>
    %reduce_sum3A_430 = vector.multi_reduction <add>, %select_n3A_428, %reduce_sum3A_429 [1] : vector<256x1024xf32> to vector<256xf32>
    %broadcast_in_dim3A_431 = vector.shape_cast %reduce_sum3A_430 : vector<256xf32> to vector<256x1xf32>
    %convert_element_type3A_432 = arith.fptosi %broadcast_in_dim3A_431 : vector<256x1xf32> to vector<256x1xi32>
    %gt3A_433 = arith.constant 24 : i32
    %gt3A_434 = vector.broadcast %gt3A_433 : i32 to vector<256x1xi32>
    %gt3A_435 = arith.cmpi sgt, %slice3A_42, %gt3A_434 : vector<256x1xi32>
    %select_n3A_436 = arith.select %gt3A_435, %convert_element_type3A_432, %convert_element_type3A_52 : vector<256x1xi1>, vector<256x1xi32>
    %le3A_437 = arith.constant 25 : i32
    %le3A_438 = vector.broadcast %le3A_437 : i32 to vector<256x1024xi32>
    %le3A_439 = arith.cmpi sle, %convert_element_type3A_41, %le3A_438 : vector<256x1024xi32>
    %jit3A_440 = arith.constant 1.000000e+00 : f32
    %jit3A_441 = arith.constant 0.000000e+00 : f32
    %broadcast_in_dim3A_442 = vector.broadcast %jit3A_440 : f32 to vector<256x1024xf32>
    %broadcast_in_dim3A_443 = vector.broadcast %jit3A_441 : f32 to vector<256x1024xf32>
    %select_n3A_444 = arith.select %le3A_439, %broadcast_in_dim3A_442, %broadcast_in_dim3A_443 : vector<256x1024xi1>, vector<256x1024xf32>
    %reduce_sum3A_445 = arith.constant dense<0.000000e+00> : vector<256xf32>
    %reduce_sum3A_446 = vector.multi_reduction <add>, %select_n3A_444, %reduce_sum3A_445 [1] : vector<256x1024xf32> to vector<256xf32>
    %broadcast_in_dim3A_447 = vector.shape_cast %reduce_sum3A_446 : vector<256xf32> to vector<256x1xf32>
    %convert_element_type3A_448 = arith.fptosi %broadcast_in_dim3A_447 : vector<256x1xf32> to vector<256x1xi32>
    %gt3A_449 = arith.constant 25 : i32
    %gt3A_450 = vector.broadcast %gt3A_449 : i32 to vector<256x1xi32>
    %gt3A_451 = arith.cmpi sgt, %slice3A_42, %gt3A_450 : vector<256x1xi32>
    %select_n3A_452 = arith.select %gt3A_451, %convert_element_type3A_448, %convert_element_type3A_52 : vector<256x1xi1>, vector<256x1xi32>
    %le3A_453 = arith.constant 26 : i32
    %le3A_454 = vector.broadcast %le3A_453 : i32 to vector<256x1024xi32>
    %le3A_455 = arith.cmpi sle, %convert_element_type3A_41, %le3A_454 : vector<256x1024xi32>
    %jit3A_456 = arith.constant 1.000000e+00 : f32
    %jit3A_457 = arith.constant 0.000000e+00 : f32
    %broadcast_in_dim3A_458 = vector.broadcast %jit3A_456 : f32 to vector<256x1024xf32>
    %broadcast_in_dim3A_459 = vector.broadcast %jit3A_457 : f32 to vector<256x1024xf32>
    %select_n3A_460 = arith.select %le3A_455, %broadcast_in_dim3A_458, %broadcast_in_dim3A_459 : vector<256x1024xi1>, vector<256x1024xf32>
    %reduce_sum3A_461 = arith.constant dense<0.000000e+00> : vector<256xf32>
    %reduce_sum3A_462 = vector.multi_reduction <add>, %select_n3A_460, %reduce_sum3A_461 [1] : vector<256x1024xf32> to vector<256xf32>
    %broadcast_in_dim3A_463 = vector.shape_cast %reduce_sum3A_462 : vector<256xf32> to vector<256x1xf32>
    %convert_element_type3A_464 = arith.fptosi %broadcast_in_dim3A_463 : vector<256x1xf32> to vector<256x1xi32>
    %gt3A_465 = arith.constant 26 : i32
    %gt3A_466 = vector.broadcast %gt3A_465 : i32 to vector<256x1xi32>
    %gt3A_467 = arith.cmpi sgt, %slice3A_42, %gt3A_466 : vector<256x1xi32>
    %select_n3A_468 = arith.select %gt3A_467, %convert_element_type3A_464, %convert_element_type3A_52 : vector<256x1xi1>, vector<256x1xi32>
    %le3A_469 = arith.constant 27 : i32
    %le3A_470 = vector.broadcast %le3A_469 : i32 to vector<256x1024xi32>
    %le3A_471 = arith.cmpi sle, %convert_element_type3A_41, %le3A_470 : vector<256x1024xi32>
    %jit3A_472 = arith.constant 1.000000e+00 : f32
    %jit3A_473 = arith.constant 0.000000e+00 : f32
    %broadcast_in_dim3A_474 = vector.broadcast %jit3A_472 : f32 to vector<256x1024xf32>
    %broadcast_in_dim3A_475 = vector.broadcast %jit3A_473 : f32 to vector<256x1024xf32>
    %select_n3A_476 = arith.select %le3A_471, %broadcast_in_dim3A_474, %broadcast_in_dim3A_475 : vector<256x1024xi1>, vector<256x1024xf32>
    %reduce_sum3A_477 = arith.constant dense<0.000000e+00> : vector<256xf32>
    %reduce_sum3A_478 = vector.multi_reduction <add>, %select_n3A_476, %reduce_sum3A_477 [1] : vector<256x1024xf32> to vector<256xf32>
    %broadcast_in_dim3A_479 = vector.shape_cast %reduce_sum3A_478 : vector<256xf32> to vector<256x1xf32>
    %convert_element_type3A_480 = arith.fptosi %broadcast_in_dim3A_479 : vector<256x1xf32> to vector<256x1xi32>
    %gt3A_481 = arith.constant 27 : i32
    %gt3A_482 = vector.broadcast %gt3A_481 : i32 to vector<256x1xi32>
    %gt3A_483 = arith.cmpi sgt, %slice3A_42, %gt3A_482 : vector<256x1xi32>
    %select_n3A_484 = arith.select %gt3A_483, %convert_element_type3A_480, %convert_element_type3A_52 : vector<256x1xi1>, vector<256x1xi32>
    %le3A_485 = arith.constant 28 : i32
    %le3A_486 = vector.broadcast %le3A_485 : i32 to vector<256x1024xi32>
    %le3A_487 = arith.cmpi sle, %convert_element_type3A_41, %le3A_486 : vector<256x1024xi32>
    %jit3A_488 = arith.constant 1.000000e+00 : f32
    %jit3A_489 = arith.constant 0.000000e+00 : f32
    %broadcast_in_dim3A_490 = vector.broadcast %jit3A_488 : f32 to vector<256x1024xf32>
    %broadcast_in_dim3A_491 = vector.broadcast %jit3A_489 : f32 to vector<256x1024xf32>
    %select_n3A_492 = arith.select %le3A_487, %broadcast_in_dim3A_490, %broadcast_in_dim3A_491 : vector<256x1024xi1>, vector<256x1024xf32>
    %reduce_sum3A_493 = arith.constant dense<0.000000e+00> : vector<256xf32>
    %reduce_sum3A_494 = vector.multi_reduction <add>, %select_n3A_492, %reduce_sum3A_493 [1] : vector<256x1024xf32> to vector<256xf32>
    %broadcast_in_dim3A_495 = vector.shape_cast %reduce_sum3A_494 : vector<256xf32> to vector<256x1xf32>
    %convert_element_type3A_496 = arith.fptosi %broadcast_in_dim3A_495 : vector<256x1xf32> to vector<256x1xi32>
    %gt3A_497 = arith.constant 28 : i32
    %gt3A_498 = vector.broadcast %gt3A_497 : i32 to vector<256x1xi32>
    %gt3A_499 = arith.cmpi sgt, %slice3A_42, %gt3A_498 : vector<256x1xi32>
    %select_n3A_500 = arith.select %gt3A_499, %convert_element_type3A_496, %convert_element_type3A_52 : vector<256x1xi1>, vector<256x1xi32>
    %le3A_501 = arith.constant 29 : i32
    %le3A_502 = vector.broadcast %le3A_501 : i32 to vector<256x1024xi32>
    %le3A_503 = arith.cmpi sle, %convert_element_type3A_41, %le3A_502 : vector<256x1024xi32>
    %jit3A_504 = arith.constant 1.000000e+00 : f32
    %jit3A_505 = arith.constant 0.000000e+00 : f32
    %broadcast_in_dim3A_506 = vector.broadcast %jit3A_504 : f32 to vector<256x1024xf32>
    %broadcast_in_dim3A_507 = vector.broadcast %jit3A_505 : f32 to vector<256x1024xf32>
    %select_n3A_508 = arith.select %le3A_503, %broadcast_in_dim3A_506, %broadcast_in_dim3A_507 : vector<256x1024xi1>, vector<256x1024xf32>
    %reduce_sum3A_509 = arith.constant dense<0.000000e+00> : vector<256xf32>
    %reduce_sum3A_510 = vector.multi_reduction <add>, %select_n3A_508, %reduce_sum3A_509 [1] : vector<256x1024xf32> to vector<256xf32>
    %broadcast_in_dim3A_511 = vector.shape_cast %reduce_sum3A_510 : vector<256xf32> to vector<256x1xf32>
    %convert_element_type3A_512 = arith.fptosi %broadcast_in_dim3A_511 : vector<256x1xf32> to vector<256x1xi32>
    %gt3A_513 = arith.constant 29 : i32
    %gt3A_514 = vector.broadcast %gt3A_513 : i32 to vector<256x1xi32>
    %gt3A_515 = arith.cmpi sgt, %slice3A_42, %gt3A_514 : vector<256x1xi32>
    %select_n3A_516 = arith.select %gt3A_515, %convert_element_type3A_512, %convert_element_type3A_52 : vector<256x1xi1>, vector<256x1xi32>
    %le3A_517 = arith.constant 30 : i32
    %le3A_518 = vector.broadcast %le3A_517 : i32 to vector<256x1024xi32>
    %le3A_519 = arith.cmpi sle, %convert_element_type3A_41, %le3A_518 : vector<256x1024xi32>
    %jit3A_520 = arith.constant 1.000000e+00 : f32
    %jit3A_521 = arith.constant 0.000000e+00 : f32
    %broadcast_in_dim3A_522 = vector.broadcast %jit3A_520 : f32 to vector<256x1024xf32>
    %broadcast_in_dim3A_523 = vector.broadcast %jit3A_521 : f32 to vector<256x1024xf32>
    %select_n3A_524 = arith.select %le3A_519, %broadcast_in_dim3A_522, %broadcast_in_dim3A_523 : vector<256x1024xi1>, vector<256x1024xf32>
    %reduce_sum3A_525 = arith.constant dense<0.000000e+00> : vector<256xf32>
    %reduce_sum3A_526 = vector.multi_reduction <add>, %select_n3A_524, %reduce_sum3A_525 [1] : vector<256x1024xf32> to vector<256xf32>
    %broadcast_in_dim3A_527 = vector.shape_cast %reduce_sum3A_526 : vector<256xf32> to vector<256x1xf32>
    %convert_element_type3A_528 = arith.fptosi %broadcast_in_dim3A_527 : vector<256x1xf32> to vector<256x1xi32>
    %gt3A_529 = arith.constant 30 : i32
    %gt3A_530 = vector.broadcast %gt3A_529 : i32 to vector<256x1xi32>
    %gt3A_531 = arith.cmpi sgt, %slice3A_42, %gt3A_530 : vector<256x1xi32>
    %select_n3A_532 = arith.select %gt3A_531, %convert_element_type3A_528, %convert_element_type3A_52 : vector<256x1xi1>, vector<256x1xi32>
    %le3A_533 = arith.constant 31 : i32
    %le3A_534 = vector.broadcast %le3A_533 : i32 to vector<256x1024xi32>
    %le3A_535 = arith.cmpi sle, %convert_element_type3A_41, %le3A_534 : vector<256x1024xi32>
    %jit3A_536 = arith.constant 1.000000e+00 : f32
    %jit3A_537 = arith.constant 0.000000e+00 : f32
    %broadcast_in_dim3A_538 = vector.broadcast %jit3A_536 : f32 to vector<256x1024xf32>
    %broadcast_in_dim3A_539 = vector.broadcast %jit3A_537 : f32 to vector<256x1024xf32>
    %select_n3A_540 = arith.select %le3A_535, %broadcast_in_dim3A_538, %broadcast_in_dim3A_539 : vector<256x1024xi1>, vector<256x1024xf32>
    %reduce_sum3A_541 = arith.constant dense<0.000000e+00> : vector<256xf32>
    %reduce_sum3A_542 = vector.multi_reduction <add>, %select_n3A_540, %reduce_sum3A_541 [1] : vector<256x1024xf32> to vector<256xf32>
    %broadcast_in_dim3A_543 = vector.shape_cast %reduce_sum3A_542 : vector<256xf32> to vector<256x1xf32>
    %convert_element_type3A_544 = arith.fptosi %broadcast_in_dim3A_543 : vector<256x1xf32> to vector<256x1xi32>
    %gt3A_545 = arith.constant 31 : i32
    %gt3A_546 = vector.broadcast %gt3A_545 : i32 to vector<256x1xi32>
    %gt3A_547 = arith.cmpi sgt, %slice3A_42, %gt3A_546 : vector<256x1xi32>
    %select_n3A_548 = arith.select %gt3A_547, %convert_element_type3A_544, %convert_element_type3A_52 : vector<256x1xi1>, vector<256x1xi32>
    %concatenate3A = tpu.concatenate %convert_element_type3A_52, %select_n3A_68, %select_n3A_84, %select_n3A_100, %select_n3A_116, %select_n3A_132, %select_n3A_148, %select_n3A_164, %select_n3A_180, %select_n3A_196, %select_n3A_212, %select_n3A_228, %select_n3A_244, %select_n3A_260, %select_n3A_276, %select_n3A_292, %select_n3A_308, %select_n3A_324, %select_n3A_340, %select_n3A_356, %select_n3A_372, %select_n3A_388, %select_n3A_404, %select_n3A_420, %select_n3A_436, %select_n3A_452, %select_n3A_468, %select_n3A_484, %select_n3A_500, %select_n3A_516, %select_n3A_532, %select_n3A_548 in 1 : vector<256x1xi32>, vector<256x1xi32>, vector<256x1xi32>, vector<256x1xi32>, vector<256x1xi32>, vector<256x1xi32>, vector<256x1xi32>, vector<256x1xi32>, vector<256x1xi32>, vector<256x1xi32>, vector<256x1xi32>, vector<256x1xi32>, vector<256x1xi32>, vector<256x1xi32>, vector<256x1xi32>, vector<256x1xi32>, vector<256x1xi32>, vector<256x1xi32>, vector<256x1xi32>, vector<256x1xi32>, vector<256x1xi32>, vector<256x1xi32>, vector<256x1xi32>, vector<256x1xi32>, vector<256x1xi32>, vector<256x1xi32>, vector<256x1xi32>, vector<256x1xi32>, vector<256x1xi32>, vector<256x1xi32>, vector<256x1xi32>, vector<256x1xi32> -> vector<256x32xi32>
    %swap3A = arith.constant 0 : index
    %swap3A_549 = arith.constant 0 : index
    %swap3A_550 = arith.constant 0 : index
    %swap3A_551 = vector.load %arg4[%swap3A, %swap3A_549, %swap3A_550] : memref<1x256x32xi32, #tpu.memory_space<vmem>>, vector<1x256x32xi32>
    %swap3A_552 = vector.shape_cast %swap3A_551 : vector<1x256x32xi32> to vector<256x32xi32>
    %swap3A_553 = vector.shape_cast %concatenate3A : vector<256x32xi32> to vector<1x256x32xi32>
    tpu.vector_store %arg4[%swap3A, %swap3A_549, %swap3A_550], %swap3A_553 {strides = array<i32>} : memref<1x256x32xi32, #tpu.memory_space<vmem>>, vector<1x256x32xi32>,
    return
  }
  func.func @transform_0(%arg0: i32, %arg1: i32) -> (i32, i32, i32) {
    %c0_i32 = arith.constant 0 : i32
    %c0_i32_0 = arith.constant 0 : i32
    return %arg0, %arg1, %c0_i32 : i32, i32, i32
  }
  func.func @transform_1(%arg0: i32, %arg1: i32) -> (i32, i32, i32) {
    %c0_i32 = arith.constant 0 : i32
    %c0_i32_0 = arith.constant 0 : i32
    %c0_i32_1 = arith.constant 0 : i32
    return %arg0, %c0_i32, %c0_i32_0 : i32, i32, i32
  }
  func.func @transform_2(%arg0: i32, %arg1: i32) -> (i32, i32, i32) {
    %c0_i32 = arith.constant 0 : i32
    %c0_i32_0 = arith.constant 0 : i32
    return %arg0, %arg1, %c0_i32 : i32, i32, i32
  }
}

module attributes {stable_mosaic.version = 14 : i64} {
  func.func @_sa_body(%arg0: i32, %arg1: memref<2048x16xf32, #tpu.memory_space<vmem>>, %arg2: memref<64x3xf32, #tpu.memory_space<vmem>>, %arg3: memref<16x32xf32, #tpu.memory_space<vmem>>, %arg4: memref<1x32xf32, #tpu.memory_space<vmem>>, %arg5: memref<1x32xf32, #tpu.memory_space<vmem>>, %arg6: memref<1x32xf32, #tpu.memory_space<vmem>>, %arg7: memref<32x32xf32, #tpu.memory_space<vmem>>, %arg8: memref<1x32xf32, #tpu.memory_space<vmem>>, %arg9: memref<1x32xf32, #tpu.memory_space<vmem>>, %arg10: memref<1x32xf32, #tpu.memory_space<vmem>>, %arg11: memref<32x64xf32, #tpu.memory_space<vmem>>, %arg12: memref<1x64xf32, #tpu.memory_space<vmem>>, %arg13: memref<1x64xf32, #tpu.memory_space<vmem>>, %arg14: memref<1x64xf32, #tpu.memory_space<vmem>>, %arg15: memref<64x64xf32, #tpu.memory_space<vmem>>) attributes {dimension_semantics = [#tpu.dimension_semantics<arbitrary>], iteration_bounds = array<i64: 128>, scalar_prefetch = 0 : i64, scratch_operands = 0 : i64, tpu.core_type = #tpu.core_type<tc>, window_params = [{transform_indices = @transform_0, window_bounds = array<i64: 2048, 16>}, {transform_indices = @transform_1, window_bounds = array<i64: 64, 3>}, {pipeline_mode = #tpu.pipeline_mode<synchronous>, transform_indices = @transform_2, window_bounds = array<i64: 16, 32>}, {pipeline_mode = #tpu.pipeline_mode<synchronous>, transform_indices = @transform_3, window_bounds = array<i64: 1, 32>}, {pipeline_mode = #tpu.pipeline_mode<synchronous>, transform_indices = @transform_4, window_bounds = array<i64: 1, 32>}, {pipeline_mode = #tpu.pipeline_mode<synchronous>, transform_indices = @transform_5, window_bounds = array<i64: 1, 32>}, {pipeline_mode = #tpu.pipeline_mode<synchronous>, transform_indices = @transform_6, window_bounds = array<i64: 32, 32>}, {pipeline_mode = #tpu.pipeline_mode<synchronous>, transform_indices = @transform_7, window_bounds = array<i64: 1, 32>}, {pipeline_mode = #tpu.pipeline_mode<synchronous>, transform_indices = @transform_8, window_bounds = array<i64: 1, 32>}, {pipeline_mode = #tpu.pipeline_mode<synchronous>, transform_indices = @transform_9, window_bounds = array<i64: 1, 32>}, {pipeline_mode = #tpu.pipeline_mode<synchronous>, transform_indices = @transform_10, window_bounds = array<i64: 32, 64>}, {pipeline_mode = #tpu.pipeline_mode<synchronous>, transform_indices = @transform_11, window_bounds = array<i64: 1, 64>}, {pipeline_mode = #tpu.pipeline_mode<synchronous>, transform_indices = @transform_12, window_bounds = array<i64: 1, 64>}, {pipeline_mode = #tpu.pipeline_mode<synchronous>, transform_indices = @transform_13, window_bounds = array<i64: 1, 64>}, {transform_indices = @transform_14, window_bounds = array<i64: 64, 64>}]} {
    %get3A = arith.constant 0 : index
    %get3A_0 = arith.constant 0 : index
    %get3A_1 = vector.load %arg1[%get3A, %get3A_0] : memref<2048x16xf32, #tpu.memory_space<vmem>>, vector<2048x16xf32>
    %get3A_2 = arith.constant 0 : index
    %get3A_3 = arith.constant 0 : index
    %get3A_4 = vector.load %arg2[%get3A_2, %get3A_3] : memref<64x3xf32, #tpu.memory_space<vmem>>, vector<64x3xf32>
    %broadcast_in_dim3A = arith.constant 0.000000e+00 : f32
    %broadcast_in_dim3A_5 = vector.broadcast %broadcast_in_dim3A : f32 to vector<64x13xf32>
    %concatenate3A = tpu.concatenate %get3A_4, %broadcast_in_dim3A_5 in 1 : vector<64x3xf32>, vector<64x13xf32> -> vector<64x16xf32>
    %broadcast_in_dim3A_6 = vector.shape_cast %concatenate3A : vector<64x16xf32> to vector<64x1x16xf32>
    %broadcast_in_dim3A_7 = vector.shape_cast %broadcast_in_dim3A_6 : vector<64x1x16xf32> to vector<64x1x16xf32>
    %broadcast_in_dim3A_8 = vector.broadcast %broadcast_in_dim3A_7 : vector<64x1x16xf32> to vector<64x32x16xf32>
    %reshape3A = vector.shape_cast %broadcast_in_dim3A_8 : vector<64x32x16xf32> to vector<2048x16xf32>
    %sub3A = arith.subf %get3A_1, %reshape3A : vector<2048x16xf32>
    %get3A_9 = arith.constant 0 : index
    %get3A_10 = arith.constant 0 : index
    %get3A_11 = vector.load %arg3[%get3A_9, %get3A_10] : memref<16x32xf32, #tpu.memory_space<vmem>>, vector<16x32xf32>
    %get3A_12 = arith.constant 0 : index
    %get3A_13 = arith.constant 0 : index
    %get3A_14 = vector.load %arg4[%get3A_12, %get3A_13] : memref<1x32xf32, #tpu.memory_space<vmem>>, vector<1x32xf32>
    %get3A_15 = arith.constant 0 : index
    %get3A_16 = arith.constant 0 : index
    %get3A_17 = vector.load %arg5[%get3A_15, %get3A_16] : memref<1x32xf32, #tpu.memory_space<vmem>>, vector<1x32xf32>
    %get3A_18 = arith.constant 0 : index
    %get3A_19 = arith.constant 0 : index
    %get3A_20 = vector.load %arg6[%get3A_18, %get3A_19] : memref<1x32xf32, #tpu.memory_space<vmem>>, vector<1x32xf32>
    %dot_general3A = arith.constant dense<0.000000e+00> : vector<2048x32xf32>
    %dot_general3A_21 = tpu.matmul %sub3A, %get3A_11, %dot_general3A {dimension_numbers = #tpu.dot_dimension_numbers<[1], [0], [0], [1], [0, 0, 1, 1], [], []>, transpose_lhs_hint = false} : vector<2048x16xf32>, vector<16x32xf32>, vector<2048x32xf32> -> vector<2048x32xf32>
    %add3A = vector.broadcast %get3A_14 : vector<1x32xf32> to vector<2048x32xf32>
    %add3A_22 = arith.addf %dot_general3A_21, %add3A : vector<2048x32xf32>
    %div3A = arith.constant 1.00000501 : f32
    %div3A_23 = vector.broadcast %div3A : f32 to vector<2048x32xf32>
    %div3A_24 = arith.divf %add3A_22, %div3A_23 : vector<2048x32xf32>
    %mul3A = vector.broadcast %get3A_17 : vector<1x32xf32> to vector<2048x32xf32>
    %mul3A_25 = arith.mulf %div3A_24, %mul3A : vector<2048x32xf32>
    %add3A_26 = vector.broadcast %get3A_20 : vector<1x32xf32> to vector<2048x32xf32>
    %add3A_27 = arith.addf %mul3A_25, %add3A_26 : vector<2048x32xf32>
    %max3A = arith.constant 0.000000e+00 : f32
    %max3A_28 = vector.broadcast %max3A : f32 to vector<2048x32xf32>
    %max3A_29 = arith.maximumf %add3A_27, %max3A_28 : vector<2048x32xf32>
    %get3A_30 = arith.constant 0 : index
    %get3A_31 = arith.constant 0 : index
    %get3A_32 = vector.load %arg7[%get3A_30, %get3A_31] : memref<32x32xf32, #tpu.memory_space<vmem>>, vector<32x32xf32>
    %get3A_33 = arith.constant 0 : index
    %get3A_34 = arith.constant 0 : index
    %get3A_35 = vector.load %arg8[%get3A_33, %get3A_34] : memref<1x32xf32, #tpu.memory_space<vmem>>, vector<1x32xf32>
    %get3A_36 = arith.constant 0 : index
    %get3A_37 = arith.constant 0 : index
    %get3A_38 = vector.load %arg9[%get3A_36, %get3A_37] : memref<1x32xf32, #tpu.memory_space<vmem>>, vector<1x32xf32>
    %get3A_39 = arith.constant 0 : index
    %get3A_40 = arith.constant 0 : index
    %get3A_41 = vector.load %arg10[%get3A_39, %get3A_40] : memref<1x32xf32, #tpu.memory_space<vmem>>, vector<1x32xf32>
    %dot_general3A_42 = arith.constant dense<0.000000e+00> : vector<2048x32xf32>
    %dot_general3A_43 = tpu.matmul %max3A_29, %get3A_32, %dot_general3A_42 {dimension_numbers = #tpu.dot_dimension_numbers<[1], [0], [0], [1], [0, 0, 1, 1], [], []>, transpose_lhs_hint = false} : vector<2048x32xf32>, vector<32x32xf32>, vector<2048x32xf32> -> vector<2048x32xf32>
    %add3A_44 = vector.broadcast %get3A_35 : vector<1x32xf32> to vector<2048x32xf32>
    %add3A_45 = arith.addf %dot_general3A_43, %add3A_44 : vector<2048x32xf32>
    %div3A_46 = arith.constant 1.00000501 : f32
    %div3A_47 = vector.broadcast %div3A_46 : f32 to vector<2048x32xf32>
    %div3A_48 = arith.divf %add3A_45, %div3A_47 : vector<2048x32xf32>
    %mul3A_49 = vector.broadcast %get3A_38 : vector<1x32xf32> to vector<2048x32xf32>
    %mul3A_50 = arith.mulf %div3A_48, %mul3A_49 : vector<2048x32xf32>
    %add3A_51 = vector.broadcast %get3A_41 : vector<1x32xf32> to vector<2048x32xf32>
    %add3A_52 = arith.addf %mul3A_50, %add3A_51 : vector<2048x32xf32>
    %max3A_53 = arith.constant 0.000000e+00 : f32
    %max3A_54 = vector.broadcast %max3A_53 : f32 to vector<2048x32xf32>
    %max3A_55 = arith.maximumf %add3A_52, %max3A_54 : vector<2048x32xf32>
    %get3A_56 = arith.constant 0 : index
    %get3A_57 = arith.constant 0 : index
    %get3A_58 = vector.load %arg11[%get3A_56, %get3A_57] : memref<32x64xf32, #tpu.memory_space<vmem>>, vector<32x64xf32>
    %get3A_59 = arith.constant 0 : index
    %get3A_60 = arith.constant 0 : index
    %get3A_61 = vector.load %arg12[%get3A_59, %get3A_60] : memref<1x64xf32, #tpu.memory_space<vmem>>, vector<1x64xf32>
    %get3A_62 = arith.constant 0 : index
    %get3A_63 = arith.constant 0 : index
    %get3A_64 = vector.load %arg13[%get3A_62, %get3A_63] : memref<1x64xf32, #tpu.memory_space<vmem>>, vector<1x64xf32>
    %get3A_65 = arith.constant 0 : index
    %get3A_66 = arith.constant 0 : index
    %get3A_67 = vector.load %arg14[%get3A_65, %get3A_66] : memref<1x64xf32, #tpu.memory_space<vmem>>, vector<1x64xf32>
    %dot_general3A_68 = arith.constant dense<0.000000e+00> : vector<2048x64xf32>
    %dot_general3A_69 = tpu.matmul %max3A_55, %get3A_58, %dot_general3A_68 {dimension_numbers = #tpu.dot_dimension_numbers<[1], [0], [0], [1], [0, 0, 1, 1], [], []>, transpose_lhs_hint = false} : vector<2048x32xf32>, vector<32x64xf32>, vector<2048x64xf32> -> vector<2048x64xf32>
    %add3A_70 = vector.broadcast %get3A_61 : vector<1x64xf32> to vector<2048x64xf32>
    %add3A_71 = arith.addf %dot_general3A_69, %add3A_70 : vector<2048x64xf32>
    %div3A_72 = arith.constant 1.00000501 : f32
    %div3A_73 = vector.broadcast %div3A_72 : f32 to vector<2048x64xf32>
    %div3A_74 = arith.divf %add3A_71, %div3A_73 : vector<2048x64xf32>
    %mul3A_75 = vector.broadcast %get3A_64 : vector<1x64xf32> to vector<2048x64xf32>
    %mul3A_76 = arith.mulf %div3A_74, %mul3A_75 : vector<2048x64xf32>
    %add3A_77 = vector.broadcast %get3A_67 : vector<1x64xf32> to vector<2048x64xf32>
    %add3A_78 = arith.addf %mul3A_76, %add3A_77 : vector<2048x64xf32>
    %max3A_79 = arith.constant 0.000000e+00 : f32
    %max3A_80 = vector.broadcast %max3A_79 : f32 to vector<2048x64xf32>
    %max3A_81 = arith.maximumf %add3A_78, %max3A_80 : vector<2048x64xf32>
    %reshape3A_82 = vector.shape_cast %max3A_81 : vector<2048x64xf32> to vector<64x32x64xf32>
    %reduce_max3A = arith.constant dense<0xFF800000> : vector<64x64xf32>
    %reduce_max3A_83 = vector.multi_reduction <maximumf>, %reshape3A_82, %reduce_max3A [1] : vector<64x32x64xf32> to vector<64x64xf32>
    %swap3A = arith.constant 0 : index
    %swap3A_84 = arith.constant 0 : index
    %swap3A_85 = vector.load %arg15[%swap3A, %swap3A_84] : memref<64x64xf32, #tpu.memory_space<vmem>>, vector<64x64xf32>
    tpu.vector_store %arg15[%swap3A, %swap3A_84], %reduce_max3A_83 {strides = array<i32>} : memref<64x64xf32, #tpu.memory_space<vmem>>, vector<64x64xf32>,
    return
  }
  func.func @transform_0(%arg0: i32) -> (i32, i32) {
    %c0_i32 = arith.constant 0 : i32
    %c0_i32_0 = arith.constant 0 : i32
    return %arg0, %c0_i32 : i32, i32
  }
  func.func @transform_1(%arg0: i32) -> (i32, i32) {
    %c0_i32 = arith.constant 0 : i32
    %c0_i32_0 = arith.constant 0 : i32
    return %arg0, %c0_i32 : i32, i32
  }
  func.func @transform_2(%arg0: i32) -> (i32, i32) {
    %c0_i32 = arith.constant 0 : i32
    %c0_i32_0 = arith.constant 0 : i32
    %c0_i32_1 = arith.constant 0 : i32
    return %c0_i32, %c0_i32_0 : i32, i32
  }
  func.func @transform_3(%arg0: i32) -> (i32, i32) {
    %c0_i32 = arith.constant 0 : i32
    %c0_i32_0 = arith.constant 0 : i32
    %c0_i32_1 = arith.constant 0 : i32
    return %c0_i32, %c0_i32_0 : i32, i32
  }
  func.func @transform_4(%arg0: i32) -> (i32, i32) {
    %c0_i32 = arith.constant 0 : i32
    %c0_i32_0 = arith.constant 0 : i32
    %c0_i32_1 = arith.constant 0 : i32
    return %c0_i32, %c0_i32_0 : i32, i32
  }
  func.func @transform_5(%arg0: i32) -> (i32, i32) {
    %c0_i32 = arith.constant 0 : i32
    %c0_i32_0 = arith.constant 0 : i32
    %c0_i32_1 = arith.constant 0 : i32
    return %c0_i32, %c0_i32_0 : i32, i32
  }
  func.func @transform_6(%arg0: i32) -> (i32, i32) {
    %c0_i32 = arith.constant 0 : i32
    %c0_i32_0 = arith.constant 0 : i32
    %c0_i32_1 = arith.constant 0 : i32
    return %c0_i32, %c0_i32_0 : i32, i32
  }
  func.func @transform_7(%arg0: i32) -> (i32, i32) {
    %c0_i32 = arith.constant 0 : i32
    %c0_i32_0 = arith.constant 0 : i32
    %c0_i32_1 = arith.constant 0 : i32
    return %c0_i32, %c0_i32_0 : i32, i32
  }
  func.func @transform_8(%arg0: i32) -> (i32, i32) {
    %c0_i32 = arith.constant 0 : i32
    %c0_i32_0 = arith.constant 0 : i32
    %c0_i32_1 = arith.constant 0 : i32
    return %c0_i32, %c0_i32_0 : i32, i32
  }
  func.func @transform_9(%arg0: i32) -> (i32, i32) {
    %c0_i32 = arith.constant 0 : i32
    %c0_i32_0 = arith.constant 0 : i32
    %c0_i32_1 = arith.constant 0 : i32
    return %c0_i32, %c0_i32_0 : i32, i32
  }
  func.func @transform_10(%arg0: i32) -> (i32, i32) {
    %c0_i32 = arith.constant 0 : i32
    %c0_i32_0 = arith.constant 0 : i32
    %c0_i32_1 = arith.constant 0 : i32
    return %c0_i32, %c0_i32_0 : i32, i32
  }
  func.func @transform_11(%arg0: i32) -> (i32, i32) {
    %c0_i32 = arith.constant 0 : i32
    %c0_i32_0 = arith.constant 0 : i32
    %c0_i32_1 = arith.constant 0 : i32
    return %c0_i32, %c0_i32_0 : i32, i32
  }
  func.func @transform_12(%arg0: i32) -> (i32, i32) {
    %c0_i32 = arith.constant 0 : i32
    %c0_i32_0 = arith.constant 0 : i32
    %c0_i32_1 = arith.constant 0 : i32
    return %c0_i32, %c0_i32_0 : i32, i32
  }
  func.func @transform_13(%arg0: i32) -> (i32, i32) {
    %c0_i32 = arith.constant 0 : i32
    %c0_i32_0 = arith.constant 0 : i32
    %c0_i32_1 = arith.constant 0 : i32
    return %c0_i32, %c0_i32_0 : i32, i32
  }
  func.func @transform_14(%arg0: i32) -> (i32, i32) {
    %c0_i32 = arith.constant 0 : i32
    %c0_i32_0 = arith.constant 0 : i32
    return %arg0, %c0_i32 : i32, i32
  }
}

module attributes {stable_mosaic.version = 14 : i64} {
  func.func @_sa_body(%arg0: i32, %arg1: memref<2048x80xf32, #tpu.memory_space<vmem>>, %arg2: memref<64x3xf32, #tpu.memory_space<vmem>>, %arg3: memref<80x64xf32, #tpu.memory_space<vmem>>, %arg4: memref<1x64xf32, #tpu.memory_space<vmem>>, %arg5: memref<1x64xf32, #tpu.memory_space<vmem>>, %arg6: memref<1x64xf32, #tpu.memory_space<vmem>>, %arg7: memref<64x64xf32, #tpu.memory_space<vmem>>, %arg8: memref<1x64xf32, #tpu.memory_space<vmem>>, %arg9: memref<1x64xf32, #tpu.memory_space<vmem>>, %arg10: memref<1x64xf32, #tpu.memory_space<vmem>>, %arg11: memref<64x128xf32, #tpu.memory_space<vmem>>, %arg12: memref<1x128xf32, #tpu.memory_space<vmem>>, %arg13: memref<1x128xf32, #tpu.memory_space<vmem>>, %arg14: memref<1x128xf32, #tpu.memory_space<vmem>>, %arg15: memref<64x128xf32, #tpu.memory_space<vmem>>) attributes {dimension_semantics = [#tpu.dimension_semantics<arbitrary>], iteration_bounds = array<i64: 32>, scalar_prefetch = 0 : i64, scratch_operands = 0 : i64, tpu.core_type = #tpu.core_type<tc>, window_params = [{transform_indices = @transform_0, window_bounds = array<i64: 2048, 80>}, {transform_indices = @transform_1, window_bounds = array<i64: 64, 3>}, {pipeline_mode = #tpu.pipeline_mode<synchronous>, transform_indices = @transform_2, window_bounds = array<i64: 80, 64>}, {pipeline_mode = #tpu.pipeline_mode<synchronous>, transform_indices = @transform_3, window_bounds = array<i64: 1, 64>}, {pipeline_mode = #tpu.pipeline_mode<synchronous>, transform_indices = @transform_4, window_bounds = array<i64: 1, 64>}, {pipeline_mode = #tpu.pipeline_mode<synchronous>, transform_indices = @transform_5, window_bounds = array<i64: 1, 64>}, {pipeline_mode = #tpu.pipeline_mode<synchronous>, transform_indices = @transform_6, window_bounds = array<i64: 64, 64>}, {pipeline_mode = #tpu.pipeline_mode<synchronous>, transform_indices = @transform_7, window_bounds = array<i64: 1, 64>}, {pipeline_mode = #tpu.pipeline_mode<synchronous>, transform_indices = @transform_8, window_bounds = array<i64: 1, 64>}, {pipeline_mode = #tpu.pipeline_mode<synchronous>, transform_indices = @transform_9, window_bounds = array<i64: 1, 64>}, {pipeline_mode = #tpu.pipeline_mode<synchronous>, transform_indices = @transform_10, window_bounds = array<i64: 64, 128>}, {pipeline_mode = #tpu.pipeline_mode<synchronous>, transform_indices = @transform_11, window_bounds = array<i64: 1, 128>}, {pipeline_mode = #tpu.pipeline_mode<synchronous>, transform_indices = @transform_12, window_bounds = array<i64: 1, 128>}, {pipeline_mode = #tpu.pipeline_mode<synchronous>, transform_indices = @transform_13, window_bounds = array<i64: 1, 128>}, {transform_indices = @transform_14, window_bounds = array<i64: 64, 128>}]} {
    %get3A = arith.constant 0 : index
    %get3A_0 = arith.constant 0 : index
    %get3A_1 = vector.load %arg1[%get3A, %get3A_0] : memref<2048x80xf32, #tpu.memory_space<vmem>>, vector<2048x80xf32>
    %get3A_2 = arith.constant 0 : index
    %get3A_3 = arith.constant 0 : index
    %get3A_4 = vector.load %arg2[%get3A_2, %get3A_3] : memref<64x3xf32, #tpu.memory_space<vmem>>, vector<64x3xf32>
    %broadcast_in_dim3A = arith.constant 0.000000e+00 : f32
    %broadcast_in_dim3A_5 = vector.broadcast %broadcast_in_dim3A : f32 to vector<64x77xf32>
    %concatenate3A = tpu.concatenate %get3A_4, %broadcast_in_dim3A_5 in 1 : vector<64x3xf32>, vector<64x77xf32> -> vector<64x80xf32>
    %broadcast_in_dim3A_6 = vector.shape_cast %concatenate3A : vector<64x80xf32> to vector<64x1x80xf32>
    %broadcast_in_dim3A_7 = vector.shape_cast %broadcast_in_dim3A_6 : vector<64x1x80xf32> to vector<64x1x80xf32>
    %broadcast_in_dim3A_8 = vector.broadcast %broadcast_in_dim3A_7 : vector<64x1x80xf32> to vector<64x32x80xf32>
    %reshape3A = vector.shape_cast %broadcast_in_dim3A_8 : vector<64x32x80xf32> to vector<2048x80xf32>
    %sub3A = arith.subf %get3A_1, %reshape3A : vector<2048x80xf32>
    %get3A_9 = arith.constant 0 : index
    %get3A_10 = arith.constant 0 : index
    %get3A_11 = vector.load %arg3[%get3A_9, %get3A_10] : memref<80x64xf32, #tpu.memory_space<vmem>>, vector<80x64xf32>
    %get3A_12 = arith.constant 0 : index
    %get3A_13 = arith.constant 0 : index
    %get3A_14 = vector.load %arg4[%get3A_12, %get3A_13] : memref<1x64xf32, #tpu.memory_space<vmem>>, vector<1x64xf32>
    %get3A_15 = arith.constant 0 : index
    %get3A_16 = arith.constant 0 : index
    %get3A_17 = vector.load %arg5[%get3A_15, %get3A_16] : memref<1x64xf32, #tpu.memory_space<vmem>>, vector<1x64xf32>
    %get3A_18 = arith.constant 0 : index
    %get3A_19 = arith.constant 0 : index
    %get3A_20 = vector.load %arg6[%get3A_18, %get3A_19] : memref<1x64xf32, #tpu.memory_space<vmem>>, vector<1x64xf32>
    %dot_general3A = arith.constant dense<0.000000e+00> : vector<2048x64xf32>
    %dot_general3A_21 = tpu.matmul %sub3A, %get3A_11, %dot_general3A {dimension_numbers = #tpu.dot_dimension_numbers<[1], [0], [0], [1], [0, 0, 1, 1], [], []>, transpose_lhs_hint = false} : vector<2048x80xf32>, vector<80x64xf32>, vector<2048x64xf32> -> vector<2048x64xf32>
    %add3A = vector.broadcast %get3A_14 : vector<1x64xf32> to vector<2048x64xf32>
    %add3A_22 = arith.addf %dot_general3A_21, %add3A : vector<2048x64xf32>
    %div3A = arith.constant 1.00000501 : f32
    %div3A_23 = vector.broadcast %div3A : f32 to vector<2048x64xf32>
    %div3A_24 = arith.divf %add3A_22, %div3A_23 : vector<2048x64xf32>
    %mul3A = vector.broadcast %get3A_17 : vector<1x64xf32> to vector<2048x64xf32>
    %mul3A_25 = arith.mulf %div3A_24, %mul3A : vector<2048x64xf32>
    %add3A_26 = vector.broadcast %get3A_20 : vector<1x64xf32> to vector<2048x64xf32>
    %add3A_27 = arith.addf %mul3A_25, %add3A_26 : vector<2048x64xf32>
    %max3A = arith.constant 0.000000e+00 : f32
    %max3A_28 = vector.broadcast %max3A : f32 to vector<2048x64xf32>
    %max3A_29 = arith.maximumf %add3A_27, %max3A_28 : vector<2048x64xf32>
    %get3A_30 = arith.constant 0 : index
    %get3A_31 = arith.constant 0 : index
    %get3A_32 = vector.load %arg7[%get3A_30, %get3A_31] : memref<64x64xf32, #tpu.memory_space<vmem>>, vector<64x64xf32>
    %get3A_33 = arith.constant 0 : index
    %get3A_34 = arith.constant 0 : index
    %get3A_35 = vector.load %arg8[%get3A_33, %get3A_34] : memref<1x64xf32, #tpu.memory_space<vmem>>, vector<1x64xf32>
    %get3A_36 = arith.constant 0 : index
    %get3A_37 = arith.constant 0 : index
    %get3A_38 = vector.load %arg9[%get3A_36, %get3A_37] : memref<1x64xf32, #tpu.memory_space<vmem>>, vector<1x64xf32>
    %get3A_39 = arith.constant 0 : index
    %get3A_40 = arith.constant 0 : index
    %get3A_41 = vector.load %arg10[%get3A_39, %get3A_40] : memref<1x64xf32, #tpu.memory_space<vmem>>, vector<1x64xf32>
    %dot_general3A_42 = arith.constant dense<0.000000e+00> : vector<2048x64xf32>
    %dot_general3A_43 = tpu.matmul %max3A_29, %get3A_32, %dot_general3A_42 {dimension_numbers = #tpu.dot_dimension_numbers<[1], [0], [0], [1], [0, 0, 1, 1], [], []>, transpose_lhs_hint = false} : vector<2048x64xf32>, vector<64x64xf32>, vector<2048x64xf32> -> vector<2048x64xf32>
    %add3A_44 = vector.broadcast %get3A_35 : vector<1x64xf32> to vector<2048x64xf32>
    %add3A_45 = arith.addf %dot_general3A_43, %add3A_44 : vector<2048x64xf32>
    %div3A_46 = arith.constant 1.00000501 : f32
    %div3A_47 = vector.broadcast %div3A_46 : f32 to vector<2048x64xf32>
    %div3A_48 = arith.divf %add3A_45, %div3A_47 : vector<2048x64xf32>
    %mul3A_49 = vector.broadcast %get3A_38 : vector<1x64xf32> to vector<2048x64xf32>
    %mul3A_50 = arith.mulf %div3A_48, %mul3A_49 : vector<2048x64xf32>
    %add3A_51 = vector.broadcast %get3A_41 : vector<1x64xf32> to vector<2048x64xf32>
    %add3A_52 = arith.addf %mul3A_50, %add3A_51 : vector<2048x64xf32>
    %max3A_53 = arith.constant 0.000000e+00 : f32
    %max3A_54 = vector.broadcast %max3A_53 : f32 to vector<2048x64xf32>
    %max3A_55 = arith.maximumf %add3A_52, %max3A_54 : vector<2048x64xf32>
    %get3A_56 = arith.constant 0 : index
    %get3A_57 = arith.constant 0 : index
    %get3A_58 = vector.load %arg11[%get3A_56, %get3A_57] : memref<64x128xf32, #tpu.memory_space<vmem>>, vector<64x128xf32>
    %get3A_59 = arith.constant 0 : index
    %get3A_60 = arith.constant 0 : index
    %get3A_61 = vector.load %arg12[%get3A_59, %get3A_60] : memref<1x128xf32, #tpu.memory_space<vmem>>, vector<1x128xf32>
    %get3A_62 = arith.constant 0 : index
    %get3A_63 = arith.constant 0 : index
    %get3A_64 = vector.load %arg13[%get3A_62, %get3A_63] : memref<1x128xf32, #tpu.memory_space<vmem>>, vector<1x128xf32>
    %get3A_65 = arith.constant 0 : index
    %get3A_66 = arith.constant 0 : index
    %get3A_67 = vector.load %arg14[%get3A_65, %get3A_66] : memref<1x128xf32, #tpu.memory_space<vmem>>, vector<1x128xf32>
    %dot_general3A_68 = arith.constant dense<0.000000e+00> : vector<2048x128xf32>
    %dot_general3A_69 = tpu.matmul %max3A_55, %get3A_58, %dot_general3A_68 {dimension_numbers = #tpu.dot_dimension_numbers<[1], [0], [0], [1], [0, 0, 1, 1], [], []>, transpose_lhs_hint = false} : vector<2048x64xf32>, vector<64x128xf32>, vector<2048x128xf32> -> vector<2048x128xf32>
    %add3A_70 = vector.broadcast %get3A_61 : vector<1x128xf32> to vector<2048x128xf32>
    %add3A_71 = arith.addf %dot_general3A_69, %add3A_70 : vector<2048x128xf32>
    %div3A_72 = arith.constant 1.00000501 : f32
    %div3A_73 = vector.broadcast %div3A_72 : f32 to vector<2048x128xf32>
    %div3A_74 = arith.divf %add3A_71, %div3A_73 : vector<2048x128xf32>
    %mul3A_75 = vector.broadcast %get3A_64 : vector<1x128xf32> to vector<2048x128xf32>
    %mul3A_76 = arith.mulf %div3A_74, %mul3A_75 : vector<2048x128xf32>
    %add3A_77 = vector.broadcast %get3A_67 : vector<1x128xf32> to vector<2048x128xf32>
    %add3A_78 = arith.addf %mul3A_76, %add3A_77 : vector<2048x128xf32>
    %max3A_79 = arith.constant 0.000000e+00 : f32
    %max3A_80 = vector.broadcast %max3A_79 : f32 to vector<2048x128xf32>
    %max3A_81 = arith.maximumf %add3A_78, %max3A_80 : vector<2048x128xf32>
    %reshape3A_82 = vector.shape_cast %max3A_81 : vector<2048x128xf32> to vector<64x32x128xf32>
    %reduce_max3A = arith.constant dense<0xFF800000> : vector<64x128xf32>
    %reduce_max3A_83 = vector.multi_reduction <maximumf>, %reshape3A_82, %reduce_max3A [1] : vector<64x32x128xf32> to vector<64x128xf32>
    %swap3A = arith.constant 0 : index
    %swap3A_84 = arith.constant 0 : index
    %swap3A_85 = vector.load %arg15[%swap3A, %swap3A_84] : memref<64x128xf32, #tpu.memory_space<vmem>>, vector<64x128xf32>
    tpu.vector_store %arg15[%swap3A, %swap3A_84], %reduce_max3A_83 {strides = array<i32>} : memref<64x128xf32, #tpu.memory_space<vmem>>, vector<64x128xf32>,
    return
  }
  func.func @transform_0(%arg0: i32) -> (i32, i32) {
    %c0_i32 = arith.constant 0 : i32
    %c0_i32_0 = arith.constant 0 : i32
    return %arg0, %c0_i32 : i32, i32
  }
  func.func @transform_1(%arg0: i32) -> (i32, i32) {
    %c0_i32 = arith.constant 0 : i32
    %c0_i32_0 = arith.constant 0 : i32
    return %arg0, %c0_i32 : i32, i32
  }
  func.func @transform_2(%arg0: i32) -> (i32, i32) {
    %c0_i32 = arith.constant 0 : i32
    %c0_i32_0 = arith.constant 0 : i32
    %c0_i32_1 = arith.constant 0 : i32
    return %c0_i32, %c0_i32_0 : i32, i32
  }
  func.func @transform_3(%arg0: i32) -> (i32, i32) {
    %c0_i32 = arith.constant 0 : i32
    %c0_i32_0 = arith.constant 0 : i32
    %c0_i32_1 = arith.constant 0 : i32
    return %c0_i32, %c0_i32_0 : i32, i32
  }
  func.func @transform_4(%arg0: i32) -> (i32, i32) {
    %c0_i32 = arith.constant 0 : i32
    %c0_i32_0 = arith.constant 0 : i32
    %c0_i32_1 = arith.constant 0 : i32
    return %c0_i32, %c0_i32_0 : i32, i32
  }
  func.func @transform_5(%arg0: i32) -> (i32, i32) {
    %c0_i32 = arith.constant 0 : i32
    %c0_i32_0 = arith.constant 0 : i32
    %c0_i32_1 = arith.constant 0 : i32
    return %c0_i32, %c0_i32_0 : i32, i32
  }
  func.func @transform_6(%arg0: i32) -> (i32, i32) {
    %c0_i32 = arith.constant 0 : i32
    %c0_i32_0 = arith.constant 0 : i32
    %c0_i32_1 = arith.constant 0 : i32
    return %c0_i32, %c0_i32_0 : i32, i32
  }
  func.func @transform_7(%arg0: i32) -> (i32, i32) {
    %c0_i32 = arith.constant 0 : i32
    %c0_i32_0 = arith.constant 0 : i32
    %c0_i32_1 = arith.constant 0 : i32
    return %c0_i32, %c0_i32_0 : i32, i32
  }
  func.func @transform_8(%arg0: i32) -> (i32, i32) {
    %c0_i32 = arith.constant 0 : i32
    %c0_i32_0 = arith.constant 0 : i32
    %c0_i32_1 = arith.constant 0 : i32
    return %c0_i32, %c0_i32_0 : i32, i32
  }
  func.func @transform_9(%arg0: i32) -> (i32, i32) {
    %c0_i32 = arith.constant 0 : i32
    %c0_i32_0 = arith.constant 0 : i32
    %c0_i32_1 = arith.constant 0 : i32
    return %c0_i32, %c0_i32_0 : i32, i32
  }
  func.func @transform_10(%arg0: i32) -> (i32, i32) {
    %c0_i32 = arith.constant 0 : i32
    %c0_i32_0 = arith.constant 0 : i32
    %c0_i32_1 = arith.constant 0 : i32
    return %c0_i32, %c0_i32_0 : i32, i32
  }
  func.func @transform_11(%arg0: i32) -> (i32, i32) {
    %c0_i32 = arith.constant 0 : i32
    %c0_i32_0 = arith.constant 0 : i32
    %c0_i32_1 = arith.constant 0 : i32
    return %c0_i32, %c0_i32_0 : i32, i32
  }
  func.func @transform_12(%arg0: i32) -> (i32, i32) {
    %c0_i32 = arith.constant 0 : i32
    %c0_i32_0 = arith.constant 0 : i32
    %c0_i32_1 = arith.constant 0 : i32
    return %c0_i32, %c0_i32_0 : i32, i32
  }
  func.func @transform_13(%arg0: i32) -> (i32, i32) {
    %c0_i32 = arith.constant 0 : i32
    %c0_i32_0 = arith.constant 0 : i32
    %c0_i32_1 = arith.constant 0 : i32
    return %c0_i32, %c0_i32_0 : i32, i32
  }
  func.func @transform_14(%arg0: i32) -> (i32, i32) {
    %c0_i32 = arith.constant 0 : i32
    %c0_i32_0 = arith.constant 0 : i32
    return %arg0, %c0_i32 : i32, i32
  }
}

module attributes {stable_mosaic.version = 14 : i64} {
  func.func @_fp_body(%arg0: i32, %arg1: i32, %arg2: memref<1x512x3xf32, #tpu.memory_space<vmem>>, %arg3: memref<1x3x256xf32, #tpu.memory_space<vmem>>, %arg4: memref<1x512x64xf32, #tpu.memory_space<vmem>>, %arg5: memref<1x256x128xf32, #tpu.memory_space<vmem>>, %arg6: memref<192x128xf32, #tpu.memory_space<vmem>>, %arg7: memref<1x128xf32, #tpu.memory_space<vmem>>, %arg8: memref<1x128xf32, #tpu.memory_space<vmem>>, %arg9: memref<1x128xf32, #tpu.memory_space<vmem>>, %arg10: memref<128x128xf32, #tpu.memory_space<vmem>>, %arg11: memref<1x128xf32, #tpu.memory_space<vmem>>, %arg12: memref<1x128xf32, #tpu.memory_space<vmem>>, %arg13: memref<1x128xf32, #tpu.memory_space<vmem>>, %arg14: memref<1x512x128xf32, #tpu.memory_space<vmem>>) attributes {dimension_semantics = [#tpu.dimension_semantics<arbitrary>, #tpu.dimension_semantics<arbitrary>], iteration_bounds = array<i64: 8, 2>, scalar_prefetch = 0 : i64, scratch_operands = 0 : i64, tpu.core_type = #tpu.core_type<tc>, window_params = [{transform_indices = @transform_0, window_bounds = array<i64: 1, 512, 3>}, {transform_indices = @transform_1, window_bounds = array<i64: 1, 3, 256>}, {transform_indices = @transform_2, window_bounds = array<i64: 1, 512, 64>}, {transform_indices = @transform_3, window_bounds = array<i64: 1, 256, 128>}, {pipeline_mode = #tpu.pipeline_mode<synchronous>, transform_indices = @transform_4, window_bounds = array<i64: 192, 128>}, {pipeline_mode = #tpu.pipeline_mode<synchronous>, transform_indices = @transform_5, window_bounds = array<i64: 1, 128>}, {pipeline_mode = #tpu.pipeline_mode<synchronous>, transform_indices = @transform_6, window_bounds = array<i64: 1, 128>}, {pipeline_mode = #tpu.pipeline_mode<synchronous>, transform_indices = @transform_7, window_bounds = array<i64: 1, 128>}, {pipeline_mode = #tpu.pipeline_mode<synchronous>, transform_indices = @transform_8, window_bounds = array<i64: 128, 128>}, {pipeline_mode = #tpu.pipeline_mode<synchronous>, transform_indices = @transform_9, window_bounds = array<i64: 1, 128>}, {pipeline_mode = #tpu.pipeline_mode<synchronous>, transform_indices = @transform_10, window_bounds = array<i64: 1, 128>}, {pipeline_mode = #tpu.pipeline_mode<synchronous>, transform_indices = @transform_11, window_bounds = array<i64: 1, 128>}, {transform_indices = @transform_12, window_bounds = array<i64: 1, 512, 128>}]} {
    %get3A = arith.constant 0 : index
    %get3A_0 = arith.constant 0 : index
    %get3A_1 = arith.constant 0 : index
    %get3A_2 = vector.load %arg2[%get3A, %get3A_0, %get3A_1] : memref<1x512x3xf32, #tpu.memory_space<vmem>>, vector<1x512x3xf32>
    %get3A_3 = vector.shape_cast %get3A_2 : vector<1x512x3xf32> to vector<512x3xf32>
    %get3A_4 = arith.constant 0 : index
    %get3A_5 = arith.constant 0 : index
    %get3A_6 = arith.constant 0 : index
    %get3A_7 = vector.load %arg3[%get3A_4, %get3A_5, %get3A_6] : memref<1x3x256xf32, #tpu.memory_space<vmem>>, vector<1x3x256xf32>
    %get3A_8 = vector.shape_cast %get3A_7 : vector<1x3x256xf32> to vector<3x256xf32>
    %get3A_9 = arith.constant 0 : index
    %get3A_10 = arith.constant 0 : index
    %get3A_11 = arith.constant 0 : index
    %get3A_12 = vector.load %arg4[%get3A_9, %get3A_10, %get3A_11] : memref<1x512x64xf32, #tpu.memory_space<vmem>>, vector<1x512x64xf32>
    %get3A_13 = vector.shape_cast %get3A_12 : vector<1x512x64xf32> to vector<512x64xf32>
    %get3A_14 = arith.constant 0 : index
    %get3A_15 = arith.constant 0 : index
    %get3A_16 = arith.constant 0 : index
    %get3A_17 = vector.load %arg5[%get3A_14, %get3A_15, %get3A_16] : memref<1x256x128xf32, #tpu.memory_space<vmem>>, vector<1x256x128xf32>
    %get3A_18 = vector.shape_cast %get3A_17 : vector<1x256x128xf32> to vector<256x128xf32>
    %dot_general3A = arith.constant dense<0.000000e+00> : vector<512x256xf32>
    %dot_general3A_19 = tpu.matmul %get3A_3, %get3A_8, %dot_general3A {dimension_numbers = #tpu.dot_dimension_numbers<[1], [0], [0], [1], [0, 0, 1, 1], [], []>, transpose_lhs_hint = false} : vector<512x3xf32>, vector<3x256xf32>, vector<512x256xf32> -> vector<512x256xf32>
    %mul3A = arith.mulf %get3A_3, %get3A_3 : vector<512x3xf32>
    %reduce_sum3A = arith.constant dense<0.000000e+00> : vector<512xf32>
    %reduce_sum3A_20 = vector.multi_reduction <add>, %mul3A, %reduce_sum3A [1] : vector<512x3xf32> to vector<512xf32>
    %broadcast_in_dim3A = vector.shape_cast %reduce_sum3A_20 : vector<512xf32> to vector<512x1xf32>
    %mul3A_21 = arith.mulf %get3A_8, %get3A_8 : vector<3x256xf32>
    %reduce_sum3A_22 = arith.constant dense<0.000000e+00> : vector<256xf32>
    %reduce_sum3A_23 = vector.multi_reduction <add>, %mul3A_21, %reduce_sum3A_22 [0] : vector<3x256xf32> to vector<256xf32>
    %broadcast_in_dim3A_24 = vector.shape_cast %reduce_sum3A_23 : vector<256xf32> to vector<1x256xf32>
    %add3A = vector.broadcast %broadcast_in_dim3A : vector<512x1xf32> to vector<512x256xf32>
    %add3A_25 = vector.broadcast %broadcast_in_dim3A_24 : vector<1x256xf32> to vector<512x256xf32>
    %add3A_26 = arith.addf %add3A, %add3A_25 : vector<512x256xf32>
    %mul3A_27 = arith.constant 2.000000e+00 : f32
    %mul3A_28 = vector.broadcast %mul3A_27 : f32 to vector<512x256xf32>
    %mul3A_29 = arith.mulf %mul3A_28, %dot_general3A_19 : vector<512x256xf32>
    %sub3A = arith.subf %add3A_26, %mul3A_29 : vector<512x256xf32>
    %iota3A = tpu.iota {dimensions = array<i32: 1>} : vector<512x256xi32>
    %reduce_min3A = arith.constant dense<0x7F800000> : vector<512xf32>
    %reduce_min3A_30 = vector.multi_reduction <minimumf>, %sub3A, %reduce_min3A [1] : vector<512x256xf32> to vector<512xf32>
    %broadcast_in_dim3A_31 = vector.shape_cast %reduce_min3A_30 : vector<512xf32> to vector<512x1xf32>
    %eq3A = vector.broadcast %broadcast_in_dim3A_31 : vector<512x1xf32> to vector<512x256xf32>
    %eq3A_32 = arith.cmpf oeq, %sub3A, %eq3A : vector<512x256xf32>
    %jit3A = arith.constant 256 : i32
    %broadcast_in_dim3A_33 = vector.broadcast %jit3A : i32 to vector<512x256xi32>
    %select_n3A = arith.select %eq3A_32, %iota3A, %broadcast_in_dim3A_33 : vector<512x256xi1>, vector<512x256xi32>
    %reduce_min3A_34 = arith.constant dense<2147483647> : vector<512xi32>
    %reduce_min3A_35 = vector.multi_reduction <minsi>, %select_n3A, %reduce_min3A_34 [1] : vector<512x256xi32> to vector<512xi32>
    %broadcast_in_dim3A_36 = vector.shape_cast %reduce_min3A_35 : vector<512xi32> to vector<512x1xi32>
    %eq3A_37 = vector.broadcast %broadcast_in_dim3A_36 : vector<512x1xi32> to vector<512x256xi32>
    %eq3A_38 = arith.cmpi eq, %iota3A, %eq3A_37 : vector<512x256xi32>
    %jit3A_39 = arith.constant 3.400000e+38 : f32
    %broadcast_in_dim3A_40 = vector.broadcast %jit3A_39 : f32 to vector<512x256xf32>
    %select_n3A_41 = arith.select %eq3A_38, %broadcast_in_dim3A_40, %sub3A : vector<512x256xi1>, vector<512x256xf32>
    %reduce_min3A_42 = arith.constant dense<0x7F800000> : vector<512xf32>
    %reduce_min3A_43 = vector.multi_reduction <minimumf>, %select_n3A_41, %reduce_min3A_42 [1] : vector<512x256xf32> to vector<512xf32>
    %broadcast_in_dim3A_44 = vector.shape_cast %reduce_min3A_43 : vector<512xf32> to vector<512x1xf32>
    %eq3A_45 = vector.broadcast %broadcast_in_dim3A_44 : vector<512x1xf32> to vector<512x256xf32>
    %eq3A_46 = arith.cmpf oeq, %select_n3A_41, %eq3A_45 : vector<512x256xf32>
    %jit3A_47 = arith.constant 256 : i32
    %broadcast_in_dim3A_48 = vector.broadcast %jit3A_47 : i32 to vector<512x256xi32>
    %select_n3A_49 = arith.select %eq3A_46, %iota3A, %broadcast_in_dim3A_48 : vector<512x256xi1>, vector<512x256xi32>
    %reduce_min3A_50 = arith.constant dense<2147483647> : vector<512xi32>
    %reduce_min3A_51 = vector.multi_reduction <minsi>, %select_n3A_49, %reduce_min3A_50 [1] : vector<512x256xi32> to vector<512xi32>
    %broadcast_in_dim3A_52 = vector.shape_cast %reduce_min3A_51 : vector<512xi32> to vector<512x1xi32>
    %eq3A_53 = vector.broadcast %broadcast_in_dim3A_52 : vector<512x1xi32> to vector<512x256xi32>
    %eq3A_54 = arith.cmpi eq, %iota3A, %eq3A_53 : vector<512x256xi32>
    %jit3A_55 = arith.constant 3.400000e+38 : f32
    %broadcast_in_dim3A_56 = vector.broadcast %jit3A_55 : f32 to vector<512x256xf32>
    %select_n3A_57 = arith.select %eq3A_54, %broadcast_in_dim3A_56, %select_n3A_41 : vector<512x256xi1>, vector<512x256xf32>
    %reduce_min3A_58 = arith.constant dense<0x7F800000> : vector<512xf32>
    %reduce_min3A_59 = vector.multi_reduction <minimumf>, %select_n3A_57, %reduce_min3A_58 [1] : vector<512x256xf32> to vector<512xf32>
    %broadcast_in_dim3A_60 = vector.shape_cast %reduce_min3A_59 : vector<512xf32> to vector<512x1xf32>
    %eq3A_61 = vector.broadcast %broadcast_in_dim3A_60 : vector<512x1xf32> to vector<512x256xf32>
    %eq3A_62 = arith.cmpf oeq, %select_n3A_57, %eq3A_61 : vector<512x256xf32>
    %jit3A_63 = arith.constant 256 : i32
    %broadcast_in_dim3A_64 = vector.broadcast %jit3A_63 : i32 to vector<512x256xi32>
    %select_n3A_65 = arith.select %eq3A_62, %iota3A, %broadcast_in_dim3A_64 : vector<512x256xi1>, vector<512x256xi32>
    %reduce_min3A_66 = arith.constant dense<2147483647> : vector<512xi32>
    %reduce_min3A_67 = vector.multi_reduction <minsi>, %select_n3A_65, %reduce_min3A_66 [1] : vector<512x256xi32> to vector<512xi32>
    %broadcast_in_dim3A_68 = vector.shape_cast %reduce_min3A_67 : vector<512xi32> to vector<512x1xi32>
    %add3A_69 = arith.constant 9.99999993E-9 : f32
    %add3A_70 = vector.broadcast %add3A_69 : f32 to vector<512x1xf32>
    %add3A_71 = arith.addf %broadcast_in_dim3A_31, %add3A_70 : vector<512x1xf32>
    %div3A = arith.constant 1.000000e+00 : f32
    %div3A_72 = vector.broadcast %div3A : f32 to vector<512x1xf32>
    %div3A_73 = arith.divf %div3A_72, %add3A_71 : vector<512x1xf32>
    %add3A_74 = arith.constant 9.99999993E-9 : f32
    %add3A_75 = vector.broadcast %add3A_74 : f32 to vector<512x1xf32>
    %add3A_76 = arith.addf %broadcast_in_dim3A_44, %add3A_75 : vector<512x1xf32>
    %div3A_77 = arith.constant 1.000000e+00 : f32
    %div3A_78 = vector.broadcast %div3A_77 : f32 to vector<512x1xf32>
    %div3A_79 = arith.divf %div3A_78, %add3A_76 : vector<512x1xf32>
    %add3A_80 = arith.constant 9.99999993E-9 : f32
    %add3A_81 = vector.broadcast %add3A_80 : f32 to vector<512x1xf32>
    %add3A_82 = arith.addf %broadcast_in_dim3A_60, %add3A_81 : vector<512x1xf32>
    %div3A_83 = arith.constant 1.000000e+00 : f32
    %div3A_84 = vector.broadcast %div3A_83 : f32 to vector<512x1xf32>
    %div3A_85 = arith.divf %div3A_84, %add3A_82 : vector<512x1xf32>
    %add3A_86 = arith.addf %div3A_73, %div3A_79 : vector<512x1xf32>
    %add3A_87 = arith.addf %add3A_86, %div3A_85 : vector<512x1xf32>
    %broadcast_in_dim3A_88 = arith.constant 0.000000e+00 : f32
    %broadcast_in_dim3A_89 = vector.broadcast %broadcast_in_dim3A_88 : f32 to vector<512x256xf32>
    %eq3A_90 = vector.broadcast %broadcast_in_dim3A_36 : vector<512x1xi32> to vector<512x256xi32>
    %eq3A_91 = arith.cmpi eq, %iota3A, %eq3A_90 : vector<512x256xi32>
    %div3A_92 = arith.divf %div3A_73, %add3A_87 : vector<512x1xf32>
    %jit3A_93 = arith.constant 0.000000e+00 : f32
    %broadcast_in_dim3A_94 = vector.shape_cast %div3A_92 : vector<512x1xf32> to vector<512x1xf32>
    %broadcast_in_dim3A_95 = vector.broadcast %broadcast_in_dim3A_94 : vector<512x1xf32> to vector<512x256xf32>
    %broadcast_in_dim3A_96 = vector.broadcast %jit3A_93 : f32 to vector<512x256xf32>
    %select_n3A_97 = arith.select %eq3A_91, %broadcast_in_dim3A_95, %broadcast_in_dim3A_96 : vector<512x256xi1>, vector<512x256xf32>
    %add3A_98 = arith.addf %broadcast_in_dim3A_89, %select_n3A_97 : vector<512x256xf32>
    %eq3A_99 = vector.broadcast %broadcast_in_dim3A_52 : vector<512x1xi32> to vector<512x256xi32>
    %eq3A_100 = arith.cmpi eq, %iota3A, %eq3A_99 : vector<512x256xi32>
    %div3A_101 = arith.divf %div3A_79, %add3A_87 : vector<512x1xf32>
    %jit3A_102 = arith.constant 0.000000e+00 : f32
    %broadcast_in_dim3A_103 = vector.shape_cast %div3A_101 : vector<512x1xf32> to vector<512x1xf32>
    %broadcast_in_dim3A_104 = vector.broadcast %broadcast_in_dim3A_103 : vector<512x1xf32> to vector<512x256xf32>
    %broadcast_in_dim3A_105 = vector.broadcast %jit3A_102 : f32 to vector<512x256xf32>
    %select_n3A_106 = arith.select %eq3A_100, %broadcast_in_dim3A_104, %broadcast_in_dim3A_105 : vector<512x256xi1>, vector<512x256xf32>
    %add3A_107 = arith.addf %add3A_98, %select_n3A_106 : vector<512x256xf32>
    %eq3A_108 = vector.broadcast %broadcast_in_dim3A_68 : vector<512x1xi32> to vector<512x256xi32>
    %eq3A_109 = arith.cmpi eq, %iota3A, %eq3A_108 : vector<512x256xi32>
    %div3A_110 = arith.divf %div3A_85, %add3A_87 : vector<512x1xf32>
    %jit3A_111 = arith.constant 0.000000e+00 : f32
    %broadcast_in_dim3A_112 = vector.shape_cast %div3A_110 : vector<512x1xf32> to vector<512x1xf32>
    %broadcast_in_dim3A_113 = vector.broadcast %broadcast_in_dim3A_112 : vector<512x1xf32> to vector<512x256xf32>
    %broadcast_in_dim3A_114 = vector.broadcast %jit3A_111 : f32 to vector<512x256xf32>
    %select_n3A_115 = arith.select %eq3A_109, %broadcast_in_dim3A_113, %broadcast_in_dim3A_114 : vector<512x256xi1>, vector<512x256xf32>
    %add3A_116 = arith.addf %add3A_107, %select_n3A_115 : vector<512x256xf32>
    %dot_general3A_117 = arith.constant dense<0.000000e+00> : vector<512x128xf32>
    %dot_general3A_118 = tpu.matmul %add3A_116, %get3A_18, %dot_general3A_117 {dimension_numbers = #tpu.dot_dimension_numbers<[1], [0], [0], [1], [0, 0, 1, 1], [], []>, transpose_lhs_hint = false} : vector<512x256xf32>, vector<256x128xf32>, vector<512x128xf32> -> vector<512x128xf32>
    %concatenate3A = tpu.concatenate %get3A_13, %dot_general3A_118 in 1 : vector<512x64xf32>, vector<512x128xf32> -> vector<512x192xf32>
    %get3A_119 = arith.constant 0 : index
    %get3A_120 = arith.constant 0 : index
    %get3A_121 = vector.load %arg6[%get3A_119, %get3A_120] : memref<192x128xf32, #tpu.memory_space<vmem>>, vector<192x128xf32>
    %get3A_122 = arith.constant 0 : index
    %get3A_123 = arith.constant 0 : index
    %get3A_124 = vector.load %arg7[%get3A_122, %get3A_123] : memref<1x128xf32, #tpu.memory_space<vmem>>, vector<1x128xf32>
    %get3A_125 = arith.constant 0 : index
    %get3A_126 = arith.constant 0 : index
    %get3A_127 = vector.load %arg8[%get3A_125, %get3A_126] : memref<1x128xf32, #tpu.memory_space<vmem>>, vector<1x128xf32>
    %get3A_128 = arith.constant 0 : index
    %get3A_129 = arith.constant 0 : index
    %get3A_130 = vector.load %arg9[%get3A_128, %get3A_129] : memref<1x128xf32, #tpu.memory_space<vmem>>, vector<1x128xf32>
    %dot_general3A_131 = arith.constant dense<0.000000e+00> : vector<512x128xf32>
    %dot_general3A_132 = tpu.matmul %concatenate3A, %get3A_121, %dot_general3A_131 {dimension_numbers = #tpu.dot_dimension_numbers<[1], [0], [0], [1], [0, 0, 1, 1], [], []>, transpose_lhs_hint = false} : vector<512x192xf32>, vector<192x128xf32>, vector<512x128xf32> -> vector<512x128xf32>
    %add3A_133 = vector.broadcast %get3A_124 : vector<1x128xf32> to vector<512x128xf32>
    %add3A_134 = arith.addf %dot_general3A_132, %add3A_133 : vector<512x128xf32>
    %div3A_135 = arith.constant 1.00000501 : f32
    %div3A_136 = vector.broadcast %div3A_135 : f32 to vector<512x128xf32>
    %div3A_137 = arith.divf %add3A_134, %div3A_136 : vector<512x128xf32>
    %mul3A_138 = vector.broadcast %get3A_127 : vector<1x128xf32> to vector<512x128xf32>
    %mul3A_139 = arith.mulf %div3A_137, %mul3A_138 : vector<512x128xf32>
    %add3A_140 = vector.broadcast %get3A_130 : vector<1x128xf32> to vector<512x128xf32>
    %add3A_141 = arith.addf %mul3A_139, %add3A_140 : vector<512x128xf32>
    %max3A = arith.constant 0.000000e+00 : f32
    %max3A_142 = vector.broadcast %max3A : f32 to vector<512x128xf32>
    %max3A_143 = arith.maximumf %add3A_141, %max3A_142 : vector<512x128xf32>
    %get3A_144 = arith.constant 0 : index
    %get3A_145 = arith.constant 0 : index
    %get3A_146 = vector.load %arg10[%get3A_144, %get3A_145] : memref<128x128xf32, #tpu.memory_space<vmem>>, vector<128x128xf32>
    %get3A_147 = arith.constant 0 : index
    %get3A_148 = arith.constant 0 : index
    %get3A_149 = vector.load %arg11[%get3A_147, %get3A_148] : memref<1x128xf32, #tpu.memory_space<vmem>>, vector<1x128xf32>
    %get3A_150 = arith.constant 0 : index
    %get3A_151 = arith.constant 0 : index
    %get3A_152 = vector.load %arg12[%get3A_150, %get3A_151] : memref<1x128xf32, #tpu.memory_space<vmem>>, vector<1x128xf32>
    %get3A_153 = arith.constant 0 : index
    %get3A_154 = arith.constant 0 : index
    %get3A_155 = vector.load %arg13[%get3A_153, %get3A_154] : memref<1x128xf32, #tpu.memory_space<vmem>>, vector<1x128xf32>
    %dot_general3A_156 = arith.constant dense<0.000000e+00> : vector<512x128xf32>
    %dot_general3A_157 = tpu.matmul %max3A_143, %get3A_146, %dot_general3A_156 {dimension_numbers = #tpu.dot_dimension_numbers<[1], [0], [0], [1], [0, 0, 1, 1], [], []>, transpose_lhs_hint = false} : vector<512x128xf32>, vector<128x128xf32>, vector<512x128xf32> -> vector<512x128xf32>
    %add3A_158 = vector.broadcast %get3A_149 : vector<1x128xf32> to vector<512x128xf32>
    %add3A_159 = arith.addf %dot_general3A_157, %add3A_158 : vector<512x128xf32>
    %div3A_160 = arith.constant 1.00000501 : f32
    %div3A_161 = vector.broadcast %div3A_160 : f32 to vector<512x128xf32>
    %div3A_162 = arith.divf %add3A_159, %div3A_161 : vector<512x128xf32>
    %mul3A_163 = vector.broadcast %get3A_152 : vector<1x128xf32> to vector<512x128xf32>
    %mul3A_164 = arith.mulf %div3A_162, %mul3A_163 : vector<512x128xf32>
    %add3A_165 = vector.broadcast %get3A_155 : vector<1x128xf32> to vector<512x128xf32>
    %add3A_166 = arith.addf %mul3A_164, %add3A_165 : vector<512x128xf32>
    %max3A_167 = arith.constant 0.000000e+00 : f32
    %max3A_168 = vector.broadcast %max3A_167 : f32 to vector<512x128xf32>
    %max3A_169 = arith.maximumf %add3A_166, %max3A_168 : vector<512x128xf32>
    %swap3A = arith.constant 0 : index
    %swap3A_170 = arith.constant 0 : index
    %swap3A_171 = arith.constant 0 : index
    %swap3A_172 = vector.load %arg14[%swap3A, %swap3A_170, %swap3A_171] : memref<1x512x128xf32, #tpu.memory_space<vmem>>, vector<1x512x128xf32>
    %swap3A_173 = vector.shape_cast %swap3A_172 : vector<1x512x128xf32> to vector<512x128xf32>
    %swap3A_174 = vector.shape_cast %max3A_169 : vector<512x128xf32> to vector<1x512x128xf32>
    tpu.vector_store %arg14[%swap3A, %swap3A_170, %swap3A_171], %swap3A_174 {strides = array<i32>} : memref<1x512x128xf32, #tpu.memory_space<vmem>>, vector<1x512x128xf32>,
    return
  }
  func.func @transform_0(%arg0: i32, %arg1: i32) -> (i32, i32, i32) {
    %c0_i32 = arith.constant 0 : i32
    %c0_i32_0 = arith.constant 0 : i32
    return %arg0, %arg1, %c0_i32 : i32, i32, i32
  }
  func.func @transform_1(%arg0: i32, %arg1: i32) -> (i32, i32, i32) {
    %c0_i32 = arith.constant 0 : i32
    %c0_i32_0 = arith.constant 0 : i32
    %c0_i32_1 = arith.constant 0 : i32
    return %arg0, %c0_i32, %c0_i32_0 : i32, i32, i32
  }
  func.func @transform_2(%arg0: i32, %arg1: i32) -> (i32, i32, i32) {
    %c0_i32 = arith.constant 0 : i32
    %c0_i32_0 = arith.constant 0 : i32
    return %arg0, %arg1, %c0_i32 : i32, i32, i32
  }
  func.func @transform_3(%arg0: i32, %arg1: i32) -> (i32, i32, i32) {
    %c0_i32 = arith.constant 0 : i32
    %c0_i32_0 = arith.constant 0 : i32
    %c0_i32_1 = arith.constant 0 : i32
    return %arg0, %c0_i32, %c0_i32_0 : i32, i32, i32
  }
  func.func @transform_4(%arg0: i32, %arg1: i32) -> (i32, i32) {
    %c0_i32 = arith.constant 0 : i32
    %c0_i32_0 = arith.constant 0 : i32
    %c0_i32_1 = arith.constant 0 : i32
    return %c0_i32, %c0_i32_0 : i32, i32
  }
  func.func @transform_5(%arg0: i32, %arg1: i32) -> (i32, i32) {
    %c0_i32 = arith.constant 0 : i32
    %c0_i32_0 = arith.constant 0 : i32
    %c0_i32_1 = arith.constant 0 : i32
    return %c0_i32, %c0_i32_0 : i32, i32
  }
  func.func @transform_6(%arg0: i32, %arg1: i32) -> (i32, i32) {
    %c0_i32 = arith.constant 0 : i32
    %c0_i32_0 = arith.constant 0 : i32
    %c0_i32_1 = arith.constant 0 : i32
    return %c0_i32, %c0_i32_0 : i32, i32
  }
  func.func @transform_7(%arg0: i32, %arg1: i32) -> (i32, i32) {
    %c0_i32 = arith.constant 0 : i32
    %c0_i32_0 = arith.constant 0 : i32
    %c0_i32_1 = arith.constant 0 : i32
    return %c0_i32, %c0_i32_0 : i32, i32
  }
  func.func @transform_8(%arg0: i32, %arg1: i32) -> (i32, i32) {
    %c0_i32 = arith.constant 0 : i32
    %c0_i32_0 = arith.constant 0 : i32
    %c0_i32_1 = arith.constant 0 : i32
    return %c0_i32, %c0_i32_0 : i32, i32
  }
  func.func @transform_9(%arg0: i32, %arg1: i32) -> (i32, i32) {
    %c0_i32 = arith.constant 0 : i32
    %c0_i32_0 = arith.constant 0 : i32
    %c0_i32_1 = arith.constant 0 : i32
    return %c0_i32, %c0_i32_0 : i32, i32
  }
  func.func @transform_10(%arg0: i32, %arg1: i32) -> (i32, i32) {
    %c0_i32 = arith.constant 0 : i32
    %c0_i32_0 = arith.constant 0 : i32
    %c0_i32_1 = arith.constant 0 : i32
    return %c0_i32, %c0_i32_0 : i32, i32
  }
  func.func @transform_11(%arg0: i32, %arg1: i32) -> (i32, i32) {
    %c0_i32 = arith.constant 0 : i32
    %c0_i32_0 = arith.constant 0 : i32
    %c0_i32_1 = arith.constant 0 : i32
    return %c0_i32, %c0_i32_0 : i32, i32
  }
  func.func @transform_12(%arg0: i32, %arg1: i32) -> (i32, i32, i32) {
    %c0_i32 = arith.constant 0 : i32
    %c0_i32_0 = arith.constant 0 : i32
    return %arg0, %arg1, %c0_i32 : i32, i32, i32
  }
}

module attributes {stable_mosaic.version = 14 : i64} {
  func.func @_fp_body(%arg0: i32, %arg1: i32, %arg2: memref<1x512x3xf32, #tpu.memory_space<vmem>>, %arg3: memref<1x3x1024xf32, #tpu.memory_space<vmem>>, %arg4: memref<1x512x4xf32, #tpu.memory_space<vmem>>, %arg5: memref<1x1024x128xf32, #tpu.memory_space<vmem>>, %arg6: memref<132x128xf32, #tpu.memory_space<vmem>>, %arg7: memref<1x128xf32, #tpu.memory_space<vmem>>, %arg8: memref<1x128xf32, #tpu.memory_space<vmem>>, %arg9: memref<1x128xf32, #tpu.memory_space<vmem>>, %arg10: memref<128x128xf32, #tpu.memory_space<vmem>>, %arg11: memref<1x128xf32, #tpu.memory_space<vmem>>, %arg12: memref<1x128xf32, #tpu.memory_space<vmem>>, %arg13: memref<1x128xf32, #tpu.memory_space<vmem>>, %arg14: memref<128x64xf32, #tpu.memory_space<vmem>>, %arg15: memref<1x64xf32, #tpu.memory_space<vmem>>, %arg16: memref<1x64xf32, #tpu.memory_space<vmem>>, %arg17: memref<1x64xf32, #tpu.memory_space<vmem>>, %arg18: memref<1x512x64xf32, #tpu.memory_space<vmem>>) attributes {dimension_semantics = [#tpu.dimension_semantics<arbitrary>, #tpu.dimension_semantics<arbitrary>], iteration_bounds = array<i64: 8, 8>, scalar_prefetch = 0 : i64, scratch_operands = 0 : i64, tpu.core_type = #tpu.core_type<tc>, window_params = [{transform_indices = @transform_0, window_bounds = array<i64: 1, 512, 3>}, {transform_indices = @transform_1, window_bounds = array<i64: 1, 3, 1024>}, {transform_indices = @transform_2, window_bounds = array<i64: 1, 512, 4>}, {transform_indices = @transform_3, window_bounds = array<i64: 1, 1024, 128>}, {pipeline_mode = #tpu.pipeline_mode<synchronous>, transform_indices = @transform_4, window_bounds = array<i64: 132, 128>}, {pipeline_mode = #tpu.pipeline_mode<synchronous>, transform_indices = @transform_5, window_bounds = array<i64: 1, 128>}, {pipeline_mode = #tpu.pipeline_mode<synchronous>, transform_indices = @transform_6, window_bounds = array<i64: 1, 128>}, {pipeline_mode = #tpu.pipeline_mode<synchronous>, transform_indices = @transform_7, window_bounds = array<i64: 1, 128>}, {pipeline_mode = #tpu.pipeline_mode<synchronous>, transform_indices = @transform_8, window_bounds = array<i64: 128, 128>}, {pipeline_mode = #tpu.pipeline_mode<synchronous>, transform_indices = @transform_9, window_bounds = array<i64: 1, 128>}, {pipeline_mode = #tpu.pipeline_mode<synchronous>, transform_indices = @transform_10, window_bounds = array<i64: 1, 128>}, {pipeline_mode = #tpu.pipeline_mode<synchronous>, transform_indices = @transform_11, window_bounds = array<i64: 1, 128>}, {pipeline_mode = #tpu.pipeline_mode<synchronous>, transform_indices = @transform_12, window_bounds = array<i64: 128, 64>}, {pipeline_mode = #tpu.pipeline_mode<synchronous>, transform_indices = @transform_13, window_bounds = array<i64: 1, 64>}, {pipeline_mode = #tpu.pipeline_mode<synchronous>, transform_indices = @transform_14, window_bounds = array<i64: 1, 64>}, {pipeline_mode = #tpu.pipeline_mode<synchronous>, transform_indices = @transform_15, window_bounds = array<i64: 1, 64>}, {transform_indices = @transform_16, window_bounds = array<i64: 1, 512, 64>}]} {
    %get3A = arith.constant 0 : index
    %get3A_0 = arith.constant 0 : index
    %get3A_1 = arith.constant 0 : index
    %get3A_2 = vector.load %arg2[%get3A, %get3A_0, %get3A_1] : memref<1x512x3xf32, #tpu.memory_space<vmem>>, vector<1x512x3xf32>
    %get3A_3 = vector.shape_cast %get3A_2 : vector<1x512x3xf32> to vector<512x3xf32>
    %get3A_4 = arith.constant 0 : index
    %get3A_5 = arith.constant 0 : index
    %get3A_6 = arith.constant 0 : index
    %get3A_7 = vector.load %arg3[%get3A_4, %get3A_5, %get3A_6] : memref<1x3x1024xf32, #tpu.memory_space<vmem>>, vector<1x3x1024xf32>
    %get3A_8 = vector.shape_cast %get3A_7 : vector<1x3x1024xf32> to vector<3x1024xf32>
    %get3A_9 = arith.constant 0 : index
    %get3A_10 = arith.constant 0 : index
    %get3A_11 = arith.constant 0 : index
    %get3A_12 = vector.load %arg4[%get3A_9, %get3A_10, %get3A_11] : memref<1x512x4xf32, #tpu.memory_space<vmem>>, vector<1x512x4xf32>
    %get3A_13 = vector.shape_cast %get3A_12 : vector<1x512x4xf32> to vector<512x4xf32>
    %get3A_14 = arith.constant 0 : index
    %get3A_15 = arith.constant 0 : index
    %get3A_16 = arith.constant 0 : index
    %get3A_17 = vector.load %arg5[%get3A_14, %get3A_15, %get3A_16] : memref<1x1024x128xf32, #tpu.memory_space<vmem>>, vector<1x1024x128xf32>
    %get3A_18 = vector.shape_cast %get3A_17 : vector<1x1024x128xf32> to vector<1024x128xf32>
    %dot_general3A = arith.constant dense<0.000000e+00> : vector<512x1024xf32>
    %dot_general3A_19 = tpu.matmul %get3A_3, %get3A_8, %dot_general3A {dimension_numbers = #tpu.dot_dimension_numbers<[1], [0], [0], [1], [0, 0, 1, 1], [], []>, transpose_lhs_hint = false} : vector<512x3xf32>, vector<3x1024xf32>, vector<512x1024xf32> -> vector<512x1024xf32>
    %mul3A = arith.mulf %get3A_3, %get3A_3 : vector<512x3xf32>
    %reduce_sum3A = arith.constant dense<0.000000e+00> : vector<512xf32>
    %reduce_sum3A_20 = vector.multi_reduction <add>, %mul3A, %reduce_sum3A [1] : vector<512x3xf32> to vector<512xf32>
    %broadcast_in_dim3A = vector.shape_cast %reduce_sum3A_20 : vector<512xf32> to vector<512x1xf32>
    %mul3A_21 = arith.mulf %get3A_8, %get3A_8 : vector<3x1024xf32>
    %reduce_sum3A_22 = arith.constant dense<0.000000e+00> : vector<1024xf32>
    %reduce_sum3A_23 = vector.multi_reduction <add>, %mul3A_21, %reduce_sum3A_22 [0] : vector<3x1024xf32> to vector<1024xf32>
    %broadcast_in_dim3A_24 = vector.shape_cast %reduce_sum3A_23 : vector<1024xf32> to vector<1x1024xf32>
    %add3A = vector.broadcast %broadcast_in_dim3A : vector<512x1xf32> to vector<512x1024xf32>
    %add3A_25 = vector.broadcast %broadcast_in_dim3A_24 : vector<1x1024xf32> to vector<512x1024xf32>
    %add3A_26 = arith.addf %add3A, %add3A_25 : vector<512x1024xf32>
    %mul3A_27 = arith.constant 2.000000e+00 : f32
    %mul3A_28 = vector.broadcast %mul3A_27 : f32 to vector<512x1024xf32>
    %mul3A_29 = arith.mulf %mul3A_28, %dot_general3A_19 : vector<512x1024xf32>
    %sub3A = arith.subf %add3A_26, %mul3A_29 : vector<512x1024xf32>
    %iota3A = tpu.iota {dimensions = array<i32: 1>} : vector<512x1024xi32>
    %reduce_min3A = arith.constant dense<0x7F800000> : vector<512xf32>
    %reduce_min3A_30 = vector.multi_reduction <minimumf>, %sub3A, %reduce_min3A [1] : vector<512x1024xf32> to vector<512xf32>
    %broadcast_in_dim3A_31 = vector.shape_cast %reduce_min3A_30 : vector<512xf32> to vector<512x1xf32>
    %eq3A = vector.broadcast %broadcast_in_dim3A_31 : vector<512x1xf32> to vector<512x1024xf32>
    %eq3A_32 = arith.cmpf oeq, %sub3A, %eq3A : vector<512x1024xf32>
    %jit3A = arith.constant 1024 : i32
    %broadcast_in_dim3A_33 = vector.broadcast %jit3A : i32 to vector<512x1024xi32>
    %select_n3A = arith.select %eq3A_32, %iota3A, %broadcast_in_dim3A_33 : vector<512x1024xi1>, vector<512x1024xi32>
    %reduce_min3A_34 = arith.constant dense<2147483647> : vector<512xi32>
    %reduce_min3A_35 = vector.multi_reduction <minsi>, %select_n3A, %reduce_min3A_34 [1] : vector<512x1024xi32> to vector<512xi32>
    %broadcast_in_dim3A_36 = vector.shape_cast %reduce_min3A_35 : vector<512xi32> to vector<512x1xi32>
    %eq3A_37 = vector.broadcast %broadcast_in_dim3A_36 : vector<512x1xi32> to vector<512x1024xi32>
    %eq3A_38 = arith.cmpi eq, %iota3A, %eq3A_37 : vector<512x1024xi32>
    %jit3A_39 = arith.constant 3.400000e+38 : f32
    %broadcast_in_dim3A_40 = vector.broadcast %jit3A_39 : f32 to vector<512x1024xf32>
    %select_n3A_41 = arith.select %eq3A_38, %broadcast_in_dim3A_40, %sub3A : vector<512x1024xi1>, vector<512x1024xf32>
    %reduce_min3A_42 = arith.constant dense<0x7F800000> : vector<512xf32>
    %reduce_min3A_43 = vector.multi_reduction <minimumf>, %select_n3A_41, %reduce_min3A_42 [1] : vector<512x1024xf32> to vector<512xf32>
    %broadcast_in_dim3A_44 = vector.shape_cast %reduce_min3A_43 : vector<512xf32> to vector<512x1xf32>
    %eq3A_45 = vector.broadcast %broadcast_in_dim3A_44 : vector<512x1xf32> to vector<512x1024xf32>
    %eq3A_46 = arith.cmpf oeq, %select_n3A_41, %eq3A_45 : vector<512x1024xf32>
    %jit3A_47 = arith.constant 1024 : i32
    %broadcast_in_dim3A_48 = vector.broadcast %jit3A_47 : i32 to vector<512x1024xi32>
    %select_n3A_49 = arith.select %eq3A_46, %iota3A, %broadcast_in_dim3A_48 : vector<512x1024xi1>, vector<512x1024xi32>
    %reduce_min3A_50 = arith.constant dense<2147483647> : vector<512xi32>
    %reduce_min3A_51 = vector.multi_reduction <minsi>, %select_n3A_49, %reduce_min3A_50 [1] : vector<512x1024xi32> to vector<512xi32>
    %broadcast_in_dim3A_52 = vector.shape_cast %reduce_min3A_51 : vector<512xi32> to vector<512x1xi32>
    %eq3A_53 = vector.broadcast %broadcast_in_dim3A_52 : vector<512x1xi32> to vector<512x1024xi32>
    %eq3A_54 = arith.cmpi eq, %iota3A, %eq3A_53 : vector<512x1024xi32>
    %jit3A_55 = arith.constant 3.400000e+38 : f32
    %broadcast_in_dim3A_56 = vector.broadcast %jit3A_55 : f32 to vector<512x1024xf32>
    %select_n3A_57 = arith.select %eq3A_54, %broadcast_in_dim3A_56, %select_n3A_41 : vector<512x1024xi1>, vector<512x1024xf32>
    %reduce_min3A_58 = arith.constant dense<0x7F800000> : vector<512xf32>
    %reduce_min3A_59 = vector.multi_reduction <minimumf>, %select_n3A_57, %reduce_min3A_58 [1] : vector<512x1024xf32> to vector<512xf32>
    %broadcast_in_dim3A_60 = vector.shape_cast %reduce_min3A_59 : vector<512xf32> to vector<512x1xf32>
    %eq3A_61 = vector.broadcast %broadcast_in_dim3A_60 : vector<512x1xf32> to vector<512x1024xf32>
    %eq3A_62 = arith.cmpf oeq, %select_n3A_57, %eq3A_61 : vector<512x1024xf32>
    %jit3A_63 = arith.constant 1024 : i32
    %broadcast_in_dim3A_64 = vector.broadcast %jit3A_63 : i32 to vector<512x1024xi32>
    %select_n3A_65 = arith.select %eq3A_62, %iota3A, %broadcast_in_dim3A_64 : vector<512x1024xi1>, vector<512x1024xi32>
    %reduce_min3A_66 = arith.constant dense<2147483647> : vector<512xi32>
    %reduce_min3A_67 = vector.multi_reduction <minsi>, %select_n3A_65, %reduce_min3A_66 [1] : vector<512x1024xi32> to vector<512xi32>
    %broadcast_in_dim3A_68 = vector.shape_cast %reduce_min3A_67 : vector<512xi32> to vector<512x1xi32>
    %add3A_69 = arith.constant 9.99999993E-9 : f32
    %add3A_70 = vector.broadcast %add3A_69 : f32 to vector<512x1xf32>
    %add3A_71 = arith.addf %broadcast_in_dim3A_31, %add3A_70 : vector<512x1xf32>
    %div3A = arith.constant 1.000000e+00 : f32
    %div3A_72 = vector.broadcast %div3A : f32 to vector<512x1xf32>
    %div3A_73 = arith.divf %div3A_72, %add3A_71 : vector<512x1xf32>
    %add3A_74 = arith.constant 9.99999993E-9 : f32
    %add3A_75 = vector.broadcast %add3A_74 : f32 to vector<512x1xf32>
    %add3A_76 = arith.addf %broadcast_in_dim3A_44, %add3A_75 : vector<512x1xf32>
    %div3A_77 = arith.constant 1.000000e+00 : f32
    %div3A_78 = vector.broadcast %div3A_77 : f32 to vector<512x1xf32>
    %div3A_79 = arith.divf %div3A_78, %add3A_76 : vector<512x1xf32>
    %add3A_80 = arith.constant 9.99999993E-9 : f32
    %add3A_81 = vector.broadcast %add3A_80 : f32 to vector<512x1xf32>
    %add3A_82 = arith.addf %broadcast_in_dim3A_60, %add3A_81 : vector<512x1xf32>
    %div3A_83 = arith.constant 1.000000e+00 : f32
    %div3A_84 = vector.broadcast %div3A_83 : f32 to vector<512x1xf32>
    %div3A_85 = arith.divf %div3A_84, %add3A_82 : vector<512x1xf32>
    %add3A_86 = arith.addf %div3A_73, %div3A_79 : vector<512x1xf32>
    %add3A_87 = arith.addf %add3A_86, %div3A_85 : vector<512x1xf32>
    %broadcast_in_dim3A_88 = arith.constant 0.000000e+00 : f32
    %broadcast_in_dim3A_89 = vector.broadcast %broadcast_in_dim3A_88 : f32 to vector<512x1024xf32>
    %eq3A_90 = vector.broadcast %broadcast_in_dim3A_36 : vector<512x1xi32> to vector<512x1024xi32>
    %eq3A_91 = arith.cmpi eq, %iota3A, %eq3A_90 : vector<512x1024xi32>
    %div3A_92 = arith.divf %div3A_73, %add3A_87 : vector<512x1xf32>
    %jit3A_93 = arith.constant 0.000000e+00 : f32
    %broadcast_in_dim3A_94 = vector.shape_cast %div3A_92 : vector<512x1xf32> to vector<512x1xf32>
    %broadcast_in_dim3A_95 = vector.broadcast %broadcast_in_dim3A_94 : vector<512x1xf32> to vector<512x1024xf32>
    %broadcast_in_dim3A_96 = vector.broadcast %jit3A_93 : f32 to vector<512x1024xf32>
    %select_n3A_97 = arith.select %eq3A_91, %broadcast_in_dim3A_95, %broadcast_in_dim3A_96 : vector<512x1024xi1>, vector<512x1024xf32>
    %add3A_98 = arith.addf %broadcast_in_dim3A_89, %select_n3A_97 : vector<512x1024xf32>
    %eq3A_99 = vector.broadcast %broadcast_in_dim3A_52 : vector<512x1xi32> to vector<512x1024xi32>
    %eq3A_100 = arith.cmpi eq, %iota3A, %eq3A_99 : vector<512x1024xi32>
    %div3A_101 = arith.divf %div3A_79, %add3A_87 : vector<512x1xf32>
    %jit3A_102 = arith.constant 0.000000e+00 : f32
    %broadcast_in_dim3A_103 = vector.shape_cast %div3A_101 : vector<512x1xf32> to vector<512x1xf32>
    %broadcast_in_dim3A_104 = vector.broadcast %broadcast_in_dim3A_103 : vector<512x1xf32> to vector<512x1024xf32>
    %broadcast_in_dim3A_105 = vector.broadcast %jit3A_102 : f32 to vector<512x1024xf32>
    %select_n3A_106 = arith.select %eq3A_100, %broadcast_in_dim3A_104, %broadcast_in_dim3A_105 : vector<512x1024xi1>, vector<512x1024xf32>
    %add3A_107 = arith.addf %add3A_98, %select_n3A_106 : vector<512x1024xf32>
    %eq3A_108 = vector.broadcast %broadcast_in_dim3A_68 : vector<512x1xi32> to vector<512x1024xi32>
    %eq3A_109 = arith.cmpi eq, %iota3A, %eq3A_108 : vector<512x1024xi32>
    %div3A_110 = arith.divf %div3A_85, %add3A_87 : vector<512x1xf32>
    %jit3A_111 = arith.constant 0.000000e+00 : f32
    %broadcast_in_dim3A_112 = vector.shape_cast %div3A_110 : vector<512x1xf32> to vector<512x1xf32>
    %broadcast_in_dim3A_113 = vector.broadcast %broadcast_in_dim3A_112 : vector<512x1xf32> to vector<512x1024xf32>
    %broadcast_in_dim3A_114 = vector.broadcast %jit3A_111 : f32 to vector<512x1024xf32>
    %select_n3A_115 = arith.select %eq3A_109, %broadcast_in_dim3A_113, %broadcast_in_dim3A_114 : vector<512x1024xi1>, vector<512x1024xf32>
    %add3A_116 = arith.addf %add3A_107, %select_n3A_115 : vector<512x1024xf32>
    %dot_general3A_117 = arith.constant dense<0.000000e+00> : vector<512x128xf32>
    %dot_general3A_118 = tpu.matmul %add3A_116, %get3A_18, %dot_general3A_117 {dimension_numbers = #tpu.dot_dimension_numbers<[1], [0], [0], [1], [0, 0, 1, 1], [], []>, transpose_lhs_hint = false} : vector<512x1024xf32>, vector<1024x128xf32>, vector<512x128xf32> -> vector<512x128xf32>
    %concatenate3A = tpu.concatenate %get3A_13, %dot_general3A_118 in 1 : vector<512x4xf32>, vector<512x128xf32> -> vector<512x132xf32>
    %get3A_119 = arith.constant 0 : index
    %get3A_120 = arith.constant 0 : index
    %get3A_121 = vector.load %arg6[%get3A_119, %get3A_120] : memref<132x128xf32, #tpu.memory_space<vmem>>, vector<132x128xf32>
    %get3A_122 = arith.constant 0 : index
    %get3A_123 = arith.constant 0 : index
    %get3A_124 = vector.load %arg7[%get3A_122, %get3A_123] : memref<1x128xf32, #tpu.memory_space<vmem>>, vector<1x128xf32>
    %get3A_125 = arith.constant 0 : index
    %get3A_126 = arith.constant 0 : index
    %get3A_127 = vector.load %arg8[%get3A_125, %get3A_126] : memref<1x128xf32, #tpu.memory_space<vmem>>, vector<1x128xf32>
    %get3A_128 = arith.constant 0 : index
    %get3A_129 = arith.constant 0 : index
    %get3A_130 = vector.load %arg9[%get3A_128, %get3A_129] : memref<1x128xf32, #tpu.memory_space<vmem>>, vector<1x128xf32>
    %dot_general3A_131 = arith.constant dense<0.000000e+00> : vector<512x128xf32>
    %dot_general3A_132 = tpu.matmul %concatenate3A, %get3A_121, %dot_general3A_131 {dimension_numbers = #tpu.dot_dimension_numbers<[1], [0], [0], [1], [0, 0, 1, 1], [], []>, transpose_lhs_hint = false} : vector<512x132xf32>, vector<132x128xf32>, vector<512x128xf32> -> vector<512x128xf32>
    %add3A_133 = vector.broadcast %get3A_124 : vector<1x128xf32> to vector<512x128xf32>
    %add3A_134 = arith.addf %dot_general3A_132, %add3A_133 : vector<512x128xf32>
    %div3A_135 = arith.constant 1.00000501 : f32
    %div3A_136 = vector.broadcast %div3A_135 : f32 to vector<512x128xf32>
    %div3A_137 = arith.divf %add3A_134, %div3A_136 : vector<512x128xf32>
    %mul3A_138 = vector.broadcast %get3A_127 : vector<1x128xf32> to vector<512x128xf32>
    %mul3A_139 = arith.mulf %div3A_137, %mul3A_138 : vector<512x128xf32>
    %add3A_140 = vector.broadcast %get3A_130 : vector<1x128xf32> to vector<512x128xf32>
    %add3A_141 = arith.addf %mul3A_139, %add3A_140 : vector<512x128xf32>
    %max3A = arith.constant 0.000000e+00 : f32
    %max3A_142 = vector.broadcast %max3A : f32 to vector<512x128xf32>
    %max3A_143 = arith.maximumf %add3A_141, %max3A_142 : vector<512x128xf32>
    %get3A_144 = arith.constant 0 : index
    %get3A_145 = arith.constant 0 : index
    %get3A_146 = vector.load %arg10[%get3A_144, %get3A_145] : memref<128x128xf32, #tpu.memory_space<vmem>>, vector<128x128xf32>
    %get3A_147 = arith.constant 0 : index
    %get3A_148 = arith.constant 0 : index
    %get3A_149 = vector.load %arg11[%get3A_147, %get3A_148] : memref<1x128xf32, #tpu.memory_space<vmem>>, vector<1x128xf32>
    %get3A_150 = arith.constant 0 : index
    %get3A_151 = arith.constant 0 : index
    %get3A_152 = vector.load %arg12[%get3A_150, %get3A_151] : memref<1x128xf32, #tpu.memory_space<vmem>>, vector<1x128xf32>
    %get3A_153 = arith.constant 0 : index
    %get3A_154 = arith.constant 0 : index
    %get3A_155 = vector.load %arg13[%get3A_153, %get3A_154] : memref<1x128xf32, #tpu.memory_space<vmem>>, vector<1x128xf32>
    %dot_general3A_156 = arith.constant dense<0.000000e+00> : vector<512x128xf32>
    %dot_general3A_157 = tpu.matmul %max3A_143, %get3A_146, %dot_general3A_156 {dimension_numbers = #tpu.dot_dimension_numbers<[1], [0], [0], [1], [0, 0, 1, 1], [], []>, transpose_lhs_hint = false} : vector<512x128xf32>, vector<128x128xf32>, vector<512x128xf32> -> vector<512x128xf32>
    %add3A_158 = vector.broadcast %get3A_149 : vector<1x128xf32> to vector<512x128xf32>
    %add3A_159 = arith.addf %dot_general3A_157, %add3A_158 : vector<512x128xf32>
    %div3A_160 = arith.constant 1.00000501 : f32
    %div3A_161 = vector.broadcast %div3A_160 : f32 to vector<512x128xf32>
    %div3A_162 = arith.divf %add3A_159, %div3A_161 : vector<512x128xf32>
    %mul3A_163 = vector.broadcast %get3A_152 : vector<1x128xf32> to vector<512x128xf32>
    %mul3A_164 = arith.mulf %div3A_162, %mul3A_163 : vector<512x128xf32>
    %add3A_165 = vector.broadcast %get3A_155 : vector<1x128xf32> to vector<512x128xf32>
    %add3A_166 = arith.addf %mul3A_164, %add3A_165 : vector<512x128xf32>
    %max3A_167 = arith.constant 0.000000e+00 : f32
    %max3A_168 = vector.broadcast %max3A_167 : f32 to vector<512x128xf32>
    %max3A_169 = arith.maximumf %add3A_166, %max3A_168 : vector<512x128xf32>
    %get3A_170 = arith.constant 0 : index
    %get3A_171 = arith.constant 0 : index
    %get3A_172 = vector.load %arg14[%get3A_170, %get3A_171] : memref<128x64xf32, #tpu.memory_space<vmem>>, vector<128x64xf32>
    %get3A_173 = arith.constant 0 : index
    %get3A_174 = arith.constant 0 : index
    %get3A_175 = vector.load %arg15[%get3A_173, %get3A_174] : memref<1x64xf32, #tpu.memory_space<vmem>>, vector<1x64xf32>
    %get3A_176 = arith.constant 0 : index
    %get3A_177 = arith.constant 0 : index
    %get3A_178 = vector.load %arg16[%get3A_176, %get3A_177] : memref<1x64xf32, #tpu.memory_space<vmem>>, vector<1x64xf32>
    %get3A_179 = arith.constant 0 : index
    %get3A_180 = arith.constant 0 : index
    %get3A_181 = vector.load %arg17[%get3A_179, %get3A_180] : memref<1x64xf32, #tpu.memory_space<vmem>>, vector<1x64xf32>
    %dot_general3A_182 = arith.constant dense<0.000000e+00> : vector<512x64xf32>
    %dot_general3A_183 = tpu.matmul %max3A_169, %get3A_172, %dot_general3A_182 {dimension_numbers = #tpu.dot_dimension_numbers<[1], [0], [0], [1], [0, 0, 1, 1], [], []>, transpose_lhs_hint = false} : vector<512x128xf32>, vector<128x64xf32>, vector<512x64xf32> -> vector<512x64xf32>
    %add3A_184 = vector.broadcast %get3A_175 : vector<1x64xf32> to vector<512x64xf32>
    %add3A_185 = arith.addf %dot_general3A_183, %add3A_184 : vector<512x64xf32>
    %div3A_186 = arith.constant 1.00000501 : f32
    %div3A_187 = vector.broadcast %div3A_186 : f32 to vector<512x64xf32>
    %div3A_188 = arith.divf %add3A_185, %div3A_187 : vector<512x64xf32>
    %mul3A_189 = vector.broadcast %get3A_178 : vector<1x64xf32> to vector<512x64xf32>
    %mul3A_190 = arith.mulf %div3A_188, %mul3A_189 : vector<512x64xf32>
    %add3A_191 = vector.broadcast %get3A_181 : vector<1x64xf32> to vector<512x64xf32>
    %add3A_192 = arith.addf %mul3A_190, %add3A_191 : vector<512x64xf32>
    %max3A_193 = arith.constant 0.000000e+00 : f32
    %max3A_194 = vector.broadcast %max3A_193 : f32 to vector<512x64xf32>
    %max3A_195 = arith.maximumf %add3A_192, %max3A_194 : vector<512x64xf32>
    %swap3A = arith.constant 0 : index
    %swap3A_196 = arith.constant 0 : index
    %swap3A_197 = arith.constant 0 : index
    %swap3A_198 = vector.load %arg18[%swap3A, %swap3A_196, %swap3A_197] : memref<1x512x64xf32, #tpu.memory_space<vmem>>, vector<1x512x64xf32>
    %swap3A_199 = vector.shape_cast %swap3A_198 : vector<1x512x64xf32> to vector<512x64xf32>
    %swap3A_200 = vector.shape_cast %max3A_195 : vector<512x64xf32> to vector<1x512x64xf32>
    tpu.vector_store %arg18[%swap3A, %swap3A_196, %swap3A_197], %swap3A_200 {strides = array<i32>} : memref<1x512x64xf32, #tpu.memory_space<vmem>>, vector<1x512x64xf32>,
    return
  }
  func.func @transform_0(%arg0: i32, %arg1: i32) -> (i32, i32, i32) {
    %c0_i32 = arith.constant 0 : i32
    %c0_i32_0 = arith.constant 0 : i32
    return %arg0, %arg1, %c0_i32 : i32, i32, i32
  }
  func.func @transform_1(%arg0: i32, %arg1: i32) -> (i32, i32, i32) {
    %c0_i32 = arith.constant 0 : i32
    %c0_i32_0 = arith.constant 0 : i32
    %c0_i32_1 = arith.constant 0 : i32
    return %arg0, %c0_i32, %c0_i32_0 : i32, i32, i32
  }
  func.func @transform_2(%arg0: i32, %arg1: i32) -> (i32, i32, i32) {
    %c0_i32 = arith.constant 0 : i32
    %c0_i32_0 = arith.constant 0 : i32
    return %arg0, %arg1, %c0_i32 : i32, i32, i32
  }
  func.func @transform_3(%arg0: i32, %arg1: i32) -> (i32, i32, i32) {
    %c0_i32 = arith.constant 0 : i32
    %c0_i32_0 = arith.constant 0 : i32
    %c0_i32_1 = arith.constant 0 : i32
    return %arg0, %c0_i32, %c0_i32_0 : i32, i32, i32
  }
  func.func @transform_4(%arg0: i32, %arg1: i32) -> (i32, i32) {
    %c0_i32 = arith.constant 0 : i32
    %c0_i32_0 = arith.constant 0 : i32
    %c0_i32_1 = arith.constant 0 : i32
    return %c0_i32, %c0_i32_0 : i32, i32
  }
  func.func @transform_5(%arg0: i32, %arg1: i32) -> (i32, i32) {
    %c0_i32 = arith.constant 0 : i32
    %c0_i32_0 = arith.constant 0 : i32
    %c0_i32_1 = arith.constant 0 : i32
    return %c0_i32, %c0_i32_0 : i32, i32
  }
  func.func @transform_6(%arg0: i32, %arg1: i32) -> (i32, i32) {
    %c0_i32 = arith.constant 0 : i32
    %c0_i32_0 = arith.constant 0 : i32
    %c0_i32_1 = arith.constant 0 : i32
    return %c0_i32, %c0_i32_0 : i32, i32
  }
  func.func @transform_7(%arg0: i32, %arg1: i32) -> (i32, i32) {
    %c0_i32 = arith.constant 0 : i32
    %c0_i32_0 = arith.constant 0 : i32
    %c0_i32_1 = arith.constant 0 : i32
    return %c0_i32, %c0_i32_0 : i32, i32
  }
  func.func @transform_8(%arg0: i32, %arg1: i32) -> (i32, i32) {
    %c0_i32 = arith.constant 0 : i32
    %c0_i32_0 = arith.constant 0 : i32
    %c0_i32_1 = arith.constant 0 : i32
    return %c0_i32, %c0_i32_0 : i32, i32
  }
  func.func @transform_9(%arg0: i32, %arg1: i32) -> (i32, i32) {
    %c0_i32 = arith.constant 0 : i32
    %c0_i32_0 = arith.constant 0 : i32
    %c0_i32_1 = arith.constant 0 : i32
    return %c0_i32, %c0_i32_0 : i32, i32
  }
  func.func @transform_10(%arg0: i32, %arg1: i32) -> (i32, i32) {
    %c0_i32 = arith.constant 0 : i32
    %c0_i32_0 = arith.constant 0 : i32
    %c0_i32_1 = arith.constant 0 : i32
    return %c0_i32, %c0_i32_0 : i32, i32
  }
  func.func @transform_11(%arg0: i32, %arg1: i32) -> (i32, i32) {
    %c0_i32 = arith.constant 0 : i32
    %c0_i32_0 = arith.constant 0 : i32
    %c0_i32_1 = arith.constant 0 : i32
    return %c0_i32, %c0_i32_0 : i32, i32
  }
  func.func @transform_12(%arg0: i32, %arg1: i32) -> (i32, i32) {
    %c0_i32 = arith.constant 0 : i32
    %c0_i32_0 = arith.constant 0 : i32
    %c0_i32_1 = arith.constant 0 : i32
    return %c0_i32, %c0_i32_0 : i32, i32
  }
  func.func @transform_13(%arg0: i32, %arg1: i32) -> (i32, i32) {
    %c0_i32 = arith.constant 0 : i32
    %c0_i32_0 = arith.constant 0 : i32
    %c0_i32_1 = arith.constant 0 : i32
    return %c0_i32, %c0_i32_0 : i32, i32
  }
  func.func @transform_14(%arg0: i32, %arg1: i32) -> (i32, i32) {
    %c0_i32 = arith.constant 0 : i32
    %c0_i32_0 = arith.constant 0 : i32
    %c0_i32_1 = arith.constant 0 : i32
    return %c0_i32, %c0_i32_0 : i32, i32
  }
  func.func @transform_15(%arg0: i32, %arg1: i32) -> (i32, i32) {
    %c0_i32 = arith.constant 0 : i32
    %c0_i32_0 = arith.constant 0 : i32
    %c0_i32_1 = arith.constant 0 : i32
    return %c0_i32, %c0_i32_0 : i32, i32
  }
  func.func @transform_16(%arg0: i32, %arg1: i32) -> (i32, i32, i32) {
    %c0_i32 = arith.constant 0 : i32
    %c0_i32_0 = arith.constant 0 : i32
    return %arg0, %arg1, %c0_i32 : i32, i32, i32
  }
}

module attributes {stable_mosaic.version = 14 : i64} {
  func.func @_head_body(%arg0: i32, %arg1: memref<1x4096x64xf32, #tpu.memory_space<vmem>>, %arg2: memref<1x4096x3xf32, #tpu.memory_space<vmem>>, %arg3: memref<128x64xf32, #tpu.memory_space<vmem>>, %arg4: memref<1x64xf32, #tpu.memory_space<vmem>>, %arg5: memref<1x64xf32, #tpu.memory_space<vmem>>, %arg6: memref<1x64xf32, #tpu.memory_space<vmem>>, %arg7: memref<64x1xf32, #tpu.memory_space<vmem>>, %arg8: memref<1x1xf32, #tpu.memory_space<vmem>>, %arg9: memref<1x4096x4xf32, #tpu.memory_space<vmem>>) attributes {dimension_semantics = [#tpu.dimension_semantics<arbitrary>], iteration_bounds = array<i64: 8>, scalar_prefetch = 0 : i64, scratch_operands = 0 : i64, tpu.core_type = #tpu.core_type<tc>, window_params = [{transform_indices = @transform_0, window_bounds = array<i64: 1, 4096, 64>}, {transform_indices = @transform_1, window_bounds = array<i64: 1, 4096, 3>}, {pipeline_mode = #tpu.pipeline_mode<synchronous>, transform_indices = @transform_2, window_bounds = array<i64: 128, 64>}, {pipeline_mode = #tpu.pipeline_mode<synchronous>, transform_indices = @transform_3, window_bounds = array<i64: 1, 64>}, {pipeline_mode = #tpu.pipeline_mode<synchronous>, transform_indices = @transform_4, window_bounds = array<i64: 1, 64>}, {pipeline_mode = #tpu.pipeline_mode<synchronous>, transform_indices = @transform_5, window_bounds = array<i64: 1, 64>}, {pipeline_mode = #tpu.pipeline_mode<synchronous>, transform_indices = @transform_6, window_bounds = array<i64: 64, 1>}, {pipeline_mode = #tpu.pipeline_mode<synchronous>, transform_indices = @transform_7, window_bounds = array<i64: 1, 1>}, {transform_indices = @transform_8, window_bounds = array<i64: 1, 4096, 4>}]} {
    %get3A = arith.constant 0 : index
    %get3A_0 = arith.constant 0 : index
    %get3A_1 = arith.constant 0 : index
    %get3A_2 = vector.load %arg1[%get3A, %get3A_0, %get3A_1] : memref<1x4096x64xf32, #tpu.memory_space<vmem>>, vector<1x4096x64xf32>
    %get3A_3 = vector.shape_cast %get3A_2 : vector<1x4096x64xf32> to vector<4096x64xf32>
    %reduce_sum3A = arith.constant dense<0.000000e+00> : vector<64xf32>
    %reduce_sum3A_4 = vector.multi_reduction <add>, %get3A_3, %reduce_sum3A [0] : vector<4096x64xf32> to vector<64xf32>
    %broadcast_in_dim3A = vector.shape_cast %reduce_sum3A_4 : vector<64xf32> to vector<1x64xf32>
    %div3A = arith.constant 4.096000e+03 : f32
    %div3A_5 = vector.broadcast %div3A : f32 to vector<1x64xf32>
    %div3A_6 = arith.divf %broadcast_in_dim3A, %div3A_5 : vector<1x64xf32>
    %broadcast_in_dim3A_7 = vector.shape_cast %div3A_6 : vector<1x64xf32> to vector<1x64xf32>
    %broadcast_in_dim3A_8 = vector.broadcast %broadcast_in_dim3A_7 : vector<1x64xf32> to vector<4096x64xf32>
    %concatenate3A = tpu.concatenate %get3A_3, %broadcast_in_dim3A_8 in 1 : vector<4096x64xf32>, vector<4096x64xf32> -> vector<4096x128xf32>
    %get3A_9 = arith.constant 0 : index
    %get3A_10 = arith.constant 0 : index
    %get3A_11 = vector.load %arg3[%get3A_9, %get3A_10] : memref<128x64xf32, #tpu.memory_space<vmem>>, vector<128x64xf32>
    %dot_general3A = arith.constant dense<0.000000e+00> : vector<4096x64xf32>
    %dot_general3A_12 = tpu.matmul %concatenate3A, %get3A_11, %dot_general3A {dimension_numbers = #tpu.dot_dimension_numbers<[1], [0], [0], [1], [0, 0, 1, 1], [], []>, transpose_lhs_hint = false} : vector<4096x128xf32>, vector<128x64xf32>, vector<4096x64xf32> -> vector<4096x64xf32>
    %get3A_13 = arith.constant 0 : index
    %get3A_14 = arith.constant 0 : index
    %get3A_15 = vector.load %arg4[%get3A_13, %get3A_14] : memref<1x64xf32, #tpu.memory_space<vmem>>, vector<1x64xf32>
    %add3A = vector.broadcast %get3A_15 : vector<1x64xf32> to vector<4096x64xf32>
    %add3A_16 = arith.addf %dot_general3A_12, %add3A : vector<4096x64xf32>
    %div3A_17 = arith.constant 1.00000501 : f32
    %div3A_18 = vector.broadcast %div3A_17 : f32 to vector<4096x64xf32>
    %div3A_19 = arith.divf %add3A_16, %div3A_18 : vector<4096x64xf32>
    %get3A_20 = arith.constant 0 : index
    %get3A_21 = arith.constant 0 : index
    %get3A_22 = vector.load %arg5[%get3A_20, %get3A_21] : memref<1x64xf32, #tpu.memory_space<vmem>>, vector<1x64xf32>
    %mul3A = vector.broadcast %get3A_22 : vector<1x64xf32> to vector<4096x64xf32>
    %mul3A_23 = arith.mulf %div3A_19, %mul3A : vector<4096x64xf32>
    %get3A_24 = arith.constant 0 : index
    %get3A_25 = arith.constant 0 : index
    %get3A_26 = vector.load %arg6[%get3A_24, %get3A_25] : memref<1x64xf32, #tpu.memory_space<vmem>>, vector<1x64xf32>
    %add3A_27 = vector.broadcast %get3A_26 : vector<1x64xf32> to vector<4096x64xf32>
    %add3A_28 = arith.addf %mul3A_23, %add3A_27 : vector<4096x64xf32>
    %max3A = arith.constant 0.000000e+00 : f32
    %max3A_29 = vector.broadcast %max3A : f32 to vector<4096x64xf32>
    %max3A_30 = arith.maximumf %add3A_28, %max3A_29 : vector<4096x64xf32>
    %get3A_31 = arith.constant 0 : index
    %get3A_32 = arith.constant 0 : index
    %get3A_33 = vector.load %arg7[%get3A_31, %get3A_32] : memref<64x1xf32, #tpu.memory_space<vmem>>, vector<64x1xf32>
    %dot_general3A_34 = arith.constant dense<0.000000e+00> : vector<4096x1xf32>
    %dot_general3A_35 = tpu.matmul %max3A_30, %get3A_33, %dot_general3A_34 {dimension_numbers = #tpu.dot_dimension_numbers<[1], [0], [0], [1], [0, 0, 1, 1], [], []>, transpose_lhs_hint = false} : vector<4096x64xf32>, vector<64x1xf32>, vector<4096x1xf32> -> vector<4096x1xf32>
    %get3A_36 = arith.constant 0 : index
    %get3A_37 = arith.constant 0 : index
    %get3A_38 = vector.load %arg8[%get3A_36, %get3A_37] : memref<1x1xf32, #tpu.memory_space<vmem>>, vector<1x1xf32>
    %add3A_39 = vector.broadcast %get3A_38 : vector<1x1xf32> to vector<4096x1xf32>
    %add3A_40 = arith.addf %dot_general3A_35, %add3A_39 : vector<4096x1xf32>
    %get3A_41 = arith.constant 0 : index
    %get3A_42 = arith.constant 0 : index
    %get3A_43 = arith.constant 0 : index
    %get3A_44 = vector.load %arg2[%get3A_41, %get3A_42, %get3A_43] : memref<1x4096x3xf32, #tpu.memory_space<vmem>>, vector<1x4096x3xf32>
    %get3A_45 = vector.shape_cast %get3A_44 : vector<1x4096x3xf32> to vector<4096x3xf32>
    %concatenate3A_46 = tpu.concatenate %get3A_45, %add3A_40 in 1 : vector<4096x3xf32>, vector<4096x1xf32> -> vector<4096x4xf32>
    %swap3A = arith.constant 0 : index
    %swap3A_47 = arith.constant 0 : index
    %swap3A_48 = arith.constant 0 : index
    %swap3A_49 = vector.load %arg9[%swap3A, %swap3A_47, %swap3A_48] : memref<1x4096x4xf32, #tpu.memory_space<vmem>>, vector<1x4096x4xf32>
    %swap3A_50 = vector.shape_cast %swap3A_49 : vector<1x4096x4xf32> to vector<4096x4xf32>
    %swap3A_51 = vector.shape_cast %concatenate3A_46 : vector<4096x4xf32> to vector<1x4096x4xf32>
    tpu.vector_store %arg9[%swap3A, %swap3A_47, %swap3A_48], %swap3A_51 {strides = array<i32>} : memref<1x4096x4xf32, #tpu.memory_space<vmem>>, vector<1x4096x4xf32>,
    return
  }
  func.func @transform_0(%arg0: i32) -> (i32, i32, i32) {
    %c0_i32 = arith.constant 0 : i32
    %c0_i32_0 = arith.constant 0 : i32
    %c0_i32_1 = arith.constant 0 : i32
    return %arg0, %c0_i32, %c0_i32_0 : i32, i32, i32
  }
  func.func @transform_1(%arg0: i32) -> (i32, i32, i32) {
    %c0_i32 = arith.constant 0 : i32
    %c0_i32_0 = arith.constant 0 : i32
    %c0_i32_1 = arith.constant 0 : i32
    return %arg0, %c0_i32, %c0_i32_0 : i32, i32, i32
  }
  func.func @transform_2(%arg0: i32) -> (i32, i32) {
    %c0_i32 = arith.constant 0 : i32
    %c0_i32_0 = arith.constant 0 : i32
    %c0_i32_1 = arith.constant 0 : i32
    return %c0_i32, %c0_i32_0 : i32, i32
  }
  func.func @transform_3(%arg0: i32) -> (i32, i32) {
    %c0_i32 = arith.constant 0 : i32
    %c0_i32_0 = arith.constant 0 : i32
    %c0_i32_1 = arith.constant 0 : i32
    return %c0_i32, %c0_i32_0 : i32, i32
  }
  func.func @transform_4(%arg0: i32) -> (i32, i32) {
    %c0_i32 = arith.constant 0 : i32
    %c0_i32_0 = arith.constant 0 : i32
    %c0_i32_1 = arith.constant 0 : i32
    return %c0_i32, %c0_i32_0 : i32, i32
  }
  func.func @transform_5(%arg0: i32) -> (i32, i32) {
    %c0_i32 = arith.constant 0 : i32
    %c0_i32_0 = arith.constant 0 : i32
    %c0_i32_1 = arith.constant 0 : i32
    return %c0_i32, %c0_i32_0 : i32, i32
  }
  func.func @transform_6(%arg0: i32) -> (i32, i32) {
    %c0_i32 = arith.constant 0 : i32
    %c0_i32_0 = arith.constant 0 : i32
    %c0_i32_1 = arith.constant 0 : i32
    return %c0_i32, %c0_i32_0 : i32, i32
  }
  func.func @transform_7(%arg0: i32) -> (i32, i32) {
    %c0_i32 = arith.constant 0 : i32
    %c0_i32_0 = arith.constant 0 : i32
    %c0_i32_1 = arith.constant 0 : i32
    return %c0_i32, %c0_i32_0 : i32, i32
  }
  func.func @transform_8(%arg0: i32) -> (i32, i32, i32) {
    %c0_i32 = arith.constant 0 : i32
    %c0_i32_0 = arith.constant 0 : i32
    %c0_i32_1 = arith.constant 0 : i32
    return %arg0, %c0_i32, %c0_i32_0 : i32, i32, i32
  }
}

</mosaic_0001>

<sc_bundles>
// kernel: kernel.13.cloned.1.call-start
scs
__scs_entry_jumppad:
0x0: {  	(pc) =	sbr.rel $0x88, $3  }
0x1: {  	(tag) =	ssettag $0x0;
	lr =	simm.s32 $0x1  }
0x2: {  	[smem:$0x3F6D] =	sst lr;
	_ =	strace $0xD0000000  }
0x3: {  	_ = 	snop  }
0x4: {  	_ = 	snop  }
0x5: {  	_ = 	snop  }
0x6: {  	_ = 	snop  }
0x7: {  	_ = 	snop  }
__scs_overlays_trampoline_lowered:
0x8: {  	[smem:$0x3F7C] =	sst s0  }
0x9: {  	[smem:$0x3F7D] =	sst s1  }
0xa: {  	[smem:$0x3F7E] =	sst s2  }
0xb: {  	[smem:$0x3F7F] =	sst s3  }
0xc: {  	[smem:$0x3F80] =	sst s4  }
0xd: {  	[smem:$0x3F81] =	sst s5  }
0xe: {  	[smem:$0x3F82] =	sst s6  }
0xf: {  	[smem:$0x3F83] =	sst s7  }
0x10: {  	[smem:$0x3F84] =	sst s8  }
0x11: {  	[smem:$0x3F85] =	sst s9;
	s0 =	simm.s32 @!p0 $0x0  }
0x12: {  	s1 =	sld [smem:$0x3F6B];
	s0 =	simm.s32 @p0 $0x1  }
0x13: {  	[smem:$0x3F86] =	sst s0;
	s0 =	simm.s32 @!p1 $0x0  }
0x14: {  	s2 =	sld [smem:$0x3F6A];
	s0 =	simm.s32 @p1 $0x1  }
0x15: {  	[smem:$0x3F87] =	sst s0;
	s0 =	simm.s32 @!p2 $0x0  }
0x16: {  	s3 =	sld [smem:$0x3FDB];
	s0 =	simm.s32 @p2 $0x1  }
0x17: {  	s4 =	simm.s32 $0x1BF5;
	[smem:$0x3F89] =	sst s0  }
0x18: {  	s0 =	sld [smem:$0x3F6C];
	_ =	swait.ge [sflag:s4], $0x0  }
0x19: {  	s7 =	sld [smem:$0x3F6D]  }
0x1a: {  	s8 =	sadd.s32 $0xFFFFE003, lr  }
0x1b: {  	s9 =	sadd.s32 $0xFFFFFEF7, lr;
	s5 =	simm.s32 $0xFFFFFFFF;
	p2 =	slt.u32 s8, $0xFFFFF086  }
0x1c: {  	p1 =	slt.u32 s9, $0xF7A;
	s5 =	simm.s32 @!p2 $0x0  }
0x1d: {  	s5 =	simm.s32 @p1 $0x1;
	p0 =	seq.s32 s7, s2  }
0x1e: {  	s7 =	smul.u32 @!p0 $0xF7A, s2;
	p2 =	seq.s32 @!p0 s5, $0x0  }
0x1f: {  	s9 =	smul.u32 $0xF7A, s1;
	s8 =	simm.s32 @!p0 $0x1BF5;
	p2 =	por !p2, p0  }
0x20: {  	[sflag:s8] =	ssyncset.s32 @!p0 $0xFFFFF086;
	s6 =	sadd.s32 @!p0 s3, s7;
	s7 =	simm.s32 @!p0 $0x108  }
0x21: {  	s3 =	sadd.s32 s3, s9;
	s6 =	sadd.s32 @!p0 $0x88, s6;
	s7 =	simm.s32 @p2 $0x1082  }
0x22: {  	[simem:s7], [sflag:s8] =	dma.local @!p0 [hbm:s6], $0xF7A  }
0x23: {  	s9 =	sor.u32 $0xD0000000, s2;
	s6 =	simm.s32 $0x108;
	_ =	swait.ge @!p0 [sflag:s8], $0x0  }
0x24: {  	s3 =	sadd.s32 $0x88, s3;
	s6 =	simm.s32 @!p1 $0x1082;
	[sflag:s4] =	ssyncset.s32 $0xFFFFF086  }
0x25: {  	[simem:s6], [sflag:s4] =	dma.local [hbm:s3], $0xF7A  }
0x26: {  	[smem:$0x3F6D] =	sst s1;
	(tag) =	ssettag s2;
	_ =	strace s9  }
0x27: {  	s1 =	sld [smem:$0x3F7D]  }
0x28: {  	s2 =	sld [smem:$0x3F7E]  }
0x29: {  	s4 =	sld [smem:$0x3F80]  }
0x2a: {  	p0 =	seq.s32 s5, $0x0;
	s5 =	sld [smem:$0x3F81]  }
0x2b: {  	s6 =	sld [smem:$0x3F82]  }
0x2c: {  	s7 =	sld [smem:$0x3F83]  }
0x2d: {  	s3 =	simm.s32 $0x108;
	s8 =	sld [smem:$0x3F84]  }
0x2e: {  	s3 =	simm.s32 @!p0 $0x1082;
	s9 =	sld [smem:$0x3F85]  }
0x2f: {  	lr =	sadd.s32 s0, s3;
	s0 =	sld [smem:$0x3F7C]  }
0x30: {  	s3 =	sld [smem:$0x3F7F]  }
0x31: {  	[smem:$0x3F88] =	sst s10  }
0x32: {  	s10 =	sld [smem:$0x3F86];
	_ =	sdelay $0x3  }
0x33: {  	p0 =	seq.s32 s10, $0x1;
	s10 =	sld [smem:$0x3F88];
	_ =	sdelay $0x3  }
0x34: {  	[smem:$0x3F88] =	sst s10  }
0x35: {  	s10 =	sld [smem:$0x3F87];
	_ =	sdelay $0x3  }
0x36: {  	p1 =	seq.s32 s10, $0x1;
	s10 =	sld [smem:$0x3F88];
	_ =	sdelay $0x3  }
0x37: {  	[smem:$0x3F88] =	sst s10  }
0x38: {  	s10 =	sld [smem:$0x3F89]  }
0x39: {  	_ = 	snop;
	(pc) =	sbr.ind lr, $3  }
0x3a: {  	_ = 	snop  }
0x3b: {  	_ = 	snop  }
0x3c: {  	p2 =	seq.s32 s10, $0x1;
	s10 =	sld [smem:$0x3F88]  }
0x3d: {  	_ =	shalt  }
0x3e: {  	_ =	shalt  }
0x3f: {  	_ =	shalt  }
0x40: {  	_ =	shalt  }
0x41: {  	_ =	shalt  }
0x42: {  	_ =	shalt  }
0x43: {  	_ =	shalt  }
0x44: {  	_ =	shalt  }
0x45: {  	_ =	shalt  }
0x46: {  	_ =	shalt  }
0x47: {  	_ =	shalt  }
0x48: {  	_ =	shalt  }
0x49: {  	_ =	shalt  }
0x4a: {  	_ =	shalt  }
0x4b: {  	_ =	shalt  }
0x4c: {  	_ =	shalt  }
0x4d: {  	_ =	shalt  }
0x4e: {  	_ =	shalt  }
0x4f: {  	_ =	shalt  }
0x50: {  	_ =	shalt  }
0x51: {  	_ =	shalt  }
0x52: {  	_ =	shalt  }
0x53: {  	_ =	shalt  }
0x54: {  	_ =	shalt  }
0x55: {  	_ =	shalt  }
0x56: {  	_ =	shalt  }
0x57: {  	_ =	shalt  }
0x58: {  	_ =	shalt  }
0x59: {  	_ =	shalt  }
0x5a: {  	_ =	shalt  }
0x5b: {  	_ =	shalt  }
0x5c: {  	_ =	shalt  }
0x5d: {  	_ =	shalt  }
0x5e: {  	_ =	shalt  }
0x5f: {  	_ =	shalt  }
0x60: {  	_ =	shalt  }
0x61: {  	_ =	shalt  }
0x62: {  	_ =	shalt  }
0x63: {  	_ =	shalt  }
0x64: {  	_ =	shalt  }
0x65: {  	_ =	shalt  }
0x66: {  	_ =	shalt  }
0x67: {  	_ =	shalt  }
0x68: {  	_ =	shalt  }
0x69: {  	_ =	shalt  }
0x6a: {  	_ =	shalt  }
0x6b: {  	_ =	shalt  }
0x6c: {  	_ =	shalt  }
0x6d: {  	_ =	shalt  }
0x6e: {  	_ =	shalt  }
0x6f: {  	_ =	shalt  }
0x70: {  	_ =	shalt  }
0x71: {  	_ =	shalt  }
0x72: {  	_ =	shalt  }
0x73: {  	_ =	shalt  }
0x74: {  	_ =	shalt  }
0x75: {  	_ =	shalt  }
0x76: {  	_ =	shalt  }
0x77: {  	_ =	shalt  }
0x78: {  	_ =	shalt  }
0x79: {  	_ =	shalt  }
0x7a: {  	_ =	shalt  }
0x7b: {  	_ =	shalt  }
0x7c: {  	_ =	shalt  }
0x7d: {  	_ =	shalt  }
0x7e: {  	_ =	shalt  }
0x7f: {  	_ =	shalt  }
0x80: {  	_ =	shalt  }
0x81: {  	_ =	shalt  }
0x82: {  	_ =	shalt  }
0x83: {  	_ =	shalt  }
0x84: {  	_ =	shalt  }
0x85: {  	_ =	shalt  }
0x86: {  	_ =	shalt  }
0x87: {  	_ =	shalt  }
.Lfunc_end0:
.L_simem_size_0:
called_computation_lowered:
.L_overlay_start_0:
0x88: {  	s2 =	sld [smem:$0x3FD9]  }
0x89: {  	s3 =	sld [smem:$0x3FFE];
	_ =	sdelay $0x1  }
0x8a: {  	s1 =	srdreg.scid  }
0x8b: {  	s0 =	sand.u32 $0x1, s1  }
0x8c: {  	s16 =	sshll.u32 s0, $0xA;
	s2 =	sadd.s32 s3, s2  }
0x8d: {  	s2 =	sadd.s32 s2, s16  }
0x8e: {  	[smem:$0x3F94] =	sst s2  }
0x8f: {  	_ = 	snop  }
0x90: {  	(tm) =	ssettm $0x1  }
0x91: {  	s17 =	sld [smem:$0x3FFB];
	_ =	sdelay $0x3  }
0x92: {  	_ =	strace s17  }
0x93: {  	s2 =	sld [smem:$0x3FFC];
	_ =	sdelay $0x3  }
0x94: {  	_ =	strace s2  }
0x95: {  	s2 =	sld [smem:$0x3FFD];
	_ =	sdelay $0x3  }
0x96: {  	_ =	strace s2  }
0x97: {  	_ =	strace $0x8FFFFFFF  }
0x98: {  	s18 =	sld [smem:$0x3FDB];
	_ =	sdelay $0x1  }
0x99: {  	s19 =	simm.s32 $_scs_section_size  }
0x9a: {  	s4 =	simm.s32 $_size__tile_overlayer_lowered;
	s5 =	simm.s32 $_tile_overlayer_lowered  }
0x9b: {  	s22 =	simm.s32 $0x1BFF;
	s21 =	sshll.u32 s5, $0x1;
	s2 =	sadd.s32 s19, s18  }
0x9c: {  	s6 =	simm.s32 $0x0;
	s20 =	sshll.u32 s4, $0x1;
	s4 =	sadd.s32 s21, s2  }
0x9d: {  	[timem:s6], [sflag:s22] =	dma.local [hbm:s4], s20  }
0x9e: {  	_ =	swait.ge [sflag:s22], s20  }
0x9f: {  	s3 =	ssub.s32 $0x0, s20;
	[sflag:s22] =	ssyncset.done $0x0  }
0xa0: {  	[sflag:s22] =	ssyncadd.s32 s3;
	_ =	sdelay $0x1  }
0xa1: {  	s23 =	simm.s32 $0x1B8B  }
0xa2: {  	_ =	swait.ge [sflag:s23], $0x1  }
0xa3: {  	[sflag:s23] =	ssyncset.done $0x0  }
0xa4: {  	s25 =	simm.s32 $0x1B8E;
	s24 =	sld [smem:$0x3FFE];
	[sflag:s23] =	ssyncadd.s32 $0xFFFFFFFF  }
0xa5: {  	s26 =	simm.s32 $execute0_lowered;
	[smem:$0x3FD2] =	sst s25  }
0xa6: {  	s4 =	sshll.u32 s26, $0x1;
	_ =	strace $0x80000046;
	[dreg:$0x1] =	wrdreg $0xFFFFFFFF  }
0xa7: {  	s28 =	simm.s32 $_size_execute0_lowered;
	s2 =	sadd.s32 s2, s4;
	[dreg:$0x0] =	wrdreg $0x0  }
0xa8: {  	s4 =	sshll.u32 s28, $0x1;
	[dreg:$0x2] =	wrdreg s2  }
0xa9: {  	[dreg:$0x3] =	wrdreg s4  }
0xaa: {  	[dreg:$0x4] =	wrdreg $0xC0  }
0xab: {  	_ =	task [dreg:s6], $0x5FFFF  }
0xac: {  	[dreg:$0x1] =	wrdreg $0xFFFFFFFF  }
0xad: {  	[dreg:$0x0] =	wrdreg $0x60  }
0xae: {  	[dreg:$0x2] =	wrdreg s24  }
0xaf: {  	[dreg:$0x3] =	wrdreg $0x9  }
0xb0: {  	_ =	task.clear_ibuf [dreg:s6], $0x4FFFF;
	_ =	strace $0x90000046  }
0xb1: {  	s29 =	simm.s32 $0x9;
	_ =	strace $0x80000048  }
0xb2: {  	_ =	swait.ge [sflag:s29], $0x1  }
0xb3: {  	[sflag:s29] =	ssyncadd.s32 $0xFFFFFFFF  }
0xb4: {  	_ =	strace $0x90000048  }
0xb5: {  	_ =	sfence  }
0xb6: {  	s30 =	sld [smem:$0x0];
	_ =	sdelay $0x2  }
0xb7: {  	s31 =	sshll.u32 s1, $0xD;
	s1 =	sshrl.u32 s1, $0x2  }
0xb8: {  	s3 =	sand.u32 $0x4000, s31;
	s1 =	sadd.s32 s1, s30  }
0xb9: {  	s0 =	sor.u32 s3, s0;
	s1 =	sshll.u32 s1, $0x11  }
0xba: {  	s0 =	sor.u32 s1, s0  }
0xbb: {  	s0 =	sadd.s32 $0x8F2B, s0  }
0xbc: {  	[sflag:s0] =	ssyncadd.remote.s32 $0x1  }
0xbd: {  	_ =	sfence.sel $0xFFFF  }
0xbe: {  	[dreg:$0x0] =	wrdreg $0xFFFFFFFF;
	(pc) =	sbr.abs _section_cstart, $3  }
0xbf: {  	[dreg:$0x1] =	wrdreg $0xFFFFFFFF  }
0xc0: {  	_ =	task.clear_ibuf [dreg:s6], $0x2FFFF;
	_ =	strace $0x9FFFFFFF  }
0xc1: {  	(tm) =	ssettm $0x7FFFFFFF  }
tec
execute0_lowered:
.L_overlay_start_1:
0x0: {  	(tag) =	ssettag $0x1  }
0x1: {  	s1 =	srdreg.scid  }
0x2: {  	s0 =	stileid.u32;
	s10 =	sand.u32 $0x1, s1  }
0x3: {  	s8 =	rddreg [dreg:$0x0];
	s3 =	sshll.u32 s0, $0xE;
	s4 =	sshll.u32 s10, $0xD  }
0x4: {  	s2 =	simm.s32 $0x0;
	s1 =	rddreg [dreg:$0x1];
	s9 =	sor.u32 s4, s3  }
0x5: {  	[smem:$0x7FF] =	sst s2;
	s11 =	sadd.s32 $0x87000, s8;
	s3 =	sshrl.u32 s9, $0x3  }
0x6: {  	_ =	strace $0x80000047;
	s4 =	sadd.s32 s11, s3;
	s3 =	simm.s32 $0x2  }
0x7: {  	[tilespmem:s2], [sflag:$0x2] =	stream.linear.gather [hbm4b:s4+s2], $0x1000, $0x38;
	[tilespmem:$0x11000] =	vst v63  }
0x8: {  	_ =	swait.ge [sflag:s3], $0x1000  }
0x9: {  	s6 =	simm.s32 $0x1000;
	[sflag:s3] =	ssyncset.done $0x0  }
0xa: {  	s7 =	simm.s32 $0x1;
	s5 =	sadd.s32 $0x18F000, s8;
	[sflag:s3] =	ssyncadd.s32 $0xFFFFF000  }
0xb: {  	[tilespmem:s6], [sflag:$0x1] =	stream.indirect.gather [hbm4b:s5+s6], $0x10, s2, s6, $0xb8;
	[tilespmem:$0x11000] =	vst v63  }
0xc: {  	_ =	swait.ge [sflag:s7], $0x10000  }
0xd: {  	s12 =	sadd.s32 $0x10F000, s8;
	s29 =	sshll.u32 s9, $0x1;
	[sflag:s7] =	ssyncset.done $0x0  }
0xe: {  	s8 =	sadd.s32 s12, s29;
	[sflag:s7] =	ssyncadd.s32 $0xFFFF0000  }
0xf: {  	[hbm4b:s8+s2] =	stream.linear.scatter [tilespmem:s6], [sflag:$0x2], $0x10000, $0x38;
	[tilespmem:$0x11000] =	vst v63  }
0x10: {  	s13 =	sor.u32 $0x1000, s9;
	_ =	swait.ge [sflag:s3], $0x10000  }
0x11: {  	s9 =	sshrl.u32 s13, $0x3;
	[sflag:s3] =	ssyncset.done $0x0  }
0x12: {  	s10 =	ssub.s32 $0x2, s10;
	s9 =	sadd.s32 s11, s9;
	[sflag:s3] =	ssyncadd.s32 $0xFFFF0000  }
0x13: {  	[tilespmem:s2], [sflag:$0x2] =	stream.linear.gather [hbm4b:s9+s2], $0x1000, $0x38;
	[tilespmem:$0x11000] =	vst v63  }
0x14: {  	s30 =	sshrl.u32 s10, $0x1;
	_ =	swait.ge [sflag:s3], $0x1000  }
0x15: {  	s11 =	ssub.s32 s10, s30;
	[sflag:s3] =	ssyncset.done $0x0  }
0x16: {  	s11 =	smax.u32 s11, $0x1;
	[sflag:s3] =	ssyncadd.s32 $0xFFFFF000  }
0x17: {  	[tilespmem:s6], [sflag:$0x1] =	stream.indirect.gather [hbm4b:s5+s6], $0x10, s2, s6, $0xb8;
	[tilespmem:$0x11000] =	vst v63  }
0x18: {  	p0 =	sne.s32 s11, $0x1;
	_ =	swait.ge [sflag:s7], $0x10000  }
.Ltmp0:
0x19: {  	s31 =	sshll.u32 s13, $0x1;
	[sflag:s7] =	ssyncset.done $0x0;
	(pc) =	sbr.rel @!p0 .LBB2_2-.Ltmp0, $4  }
0x1a: {  	s10 =	sadd.s32 s12, s31;
	[sflag:s7] =	ssyncadd.s32 $0xFFFF0000  }
0x1b: {  	[hbm4b:s10+s2] =	stream.linear.scatter [tilespmem:s6], [sflag:$0x2], $0x10000, $0x38;
	[tilespmem:$0x11000] =	vst v63  }
0x1c: {  	_ =	swait.ge [sflag:s3], $0x10000  }
0x1d: {  	s11 =	sadd.s32 $0xFFFFFFFF, s11;
	[sflag:s3] =	ssyncset.done $0x0  }
.LBB2_1:
0x1e: {  	p0 =	sne.s32 s11, $0x1;
	s11 =	sadd.s32 $0xFFFFFFFF, s11;
	[sflag:s3] =	ssyncadd.s32 $0xFFFF0000  }
0x1f: {  	[tilespmem:s2], [sflag:$0x2] =	stream.linear.gather [hbm4b:s4+s2], $0x1000, $0x38;
	[tilespmem:$0x11000] =	vst v63  }
0x20: {  	_ =	swait.ge [sflag:s3], $0x1000  }
0x21: {  	[sflag:s3] =	ssyncset.done $0x0  }
0x22: {  	[sflag:s3] =	ssyncadd.s32 $0xFFFFF000  }
0x23: {  	[tilespmem:s6], [sflag:$0x1] =	stream.indirect.gather [hbm4b:s5+s6], $0x10, s2, s6, $0xb8;
	[tilespmem:$0x11000] =	vst v63  }
0x24: {  	_ =	swait.ge [sflag:s7], $0x10000  }
0x25: {  	[sflag:s7] =	ssyncset.done $0x0  }
0x26: {  	[sflag:s7] =	ssyncadd.s32 $0xFFFF0000  }
0x27: {  	[hbm4b:s8+s2] =	stream.linear.scatter [tilespmem:s6], [sflag:$0x2], $0x10000, $0x38;
	[tilespmem:$0x11000] =	vst v63  }
0x28: {  	_ =	swait.ge [sflag:s3], $0x10000  }
0x29: {  	[sflag:s3] =	ssyncset.done $0x0  }
0x2a: {  	[sflag:s3] =	ssyncadd.s32 $0xFFFF0000  }
0x2b: {  	[tilespmem:s2], [sflag:$0x2] =	stream.linear.gather [hbm4b:s9+s2], $0x1000, $0x38;
	[tilespmem:$0x11000] =	vst v63  }
0x2c: {  	_ =	swait.ge [sflag:s3], $0x1000  }
0x2d: {  	[sflag:s3] =	ssyncset.done $0x0  }
0x2e: {  	[sflag:s3] =	ssyncadd.s32 $0xFFFFF000  }
0x2f: {  	[tilespmem:s6], [sflag:$0x1] =	stream.indirect.gather [hbm4b:s5+s6], $0x10, s2, s6, $0xb8;
	[tilespmem:$0x11000] =	vst v63  }
0x30: {  	_ =	swait.ge [sflag:s7], $0x10000  }
.Ltmp1:
0x31: {  	[sflag:s7] =	ssyncset.done $0x0;
	(pc) =	sbr.rel @p0 .LBB2_1-.Ltmp1, $4  }
0x32: {  	[sflag:s7] =	ssyncadd.s32 $0xFFFF0000  }
0x33: {  	[hbm4b:s10+s2] =	stream.linear.scatter [tilespmem:s6], [sflag:$0x2], $0x10000, $0x38;
	[tilespmem:$0x11000] =	vst v63  }
0x34: {  	_ =	swait.ge [sflag:s3], $0x10000  }
0x35: {  	[sflag:s3] =	ssyncset.done $0x0  }
.LBB2_2:
0x36: {  	[sflag:s3] =	ssyncadd.s32 $0xFFFF0000  }
0x37: {  	_ =	sfence.sel $0x180000  }
0x38: {  	[bflag:$0x0] =	sbarrier.arrive $0xFFFF  }
0x39: {  	p0 =	sne.s32 s0, $0x0;
	_ =	strace $0x90000047  }
0x3a: {  	s0 =	sadd.s32 @!p0 $0x100000, s1;
	[bflag:$0x2] =	sbarrier.arrive $0xFFFF  }
0x3b: {  	[sflag:s0] =	ssyncadd.tile.s32 @!p0 $0x1;
	_ =	shalt  }
.Lfunc_end2:
_tile_overlayer_lowered:
.L_overlay_start_2:
0x3c: {  	(tag) =	ssettag $0x2  }
0x3d: {  	s0 =	rddreg [dreg:$0x0];
	s2 =	stileid.u32  }
0x3e: {  	s1 =	rddreg [dreg:$0x1];
	p0 =	sne.s32 s2, $0x0  }
0x3f: {  	s3 =	rddreg [dreg:$0x2];
	[bflag:$0x3] =	sbarrier.arrive $0xFFFF;
	s2 =	simm.s32 @!p0 $0x1C02  }
0x40: {  	[timem:s3], [sflag:s2] =	dma.local @!p0 [hbm:s0], s1  }
0x41: {  	s0 =	simm.s32 @!p0 $0x2  }
0x42: {  	_ =	swait.ge @!p0 [sflag:s0], s1  }
0x43: {  	s1 =	ssub.s32 @!p0 $0x0, s1;
	[sflag:s0] =	ssyncset.done @!p0 $0x0  }
0x44: {  	[sflag:s0] =	ssyncadd.s32 @!p0 s1  }
0x45: {  	[bflag:$0x3] =	sbarrier.arrive $0xFFFF  }
0x46: {  	_ =	shalt  }

// kernel: kernel.16.cloned.1.call-start
scs
__scs_entry_jumppad:
0x0: {  	(pc) =	sbr.rel $0x88, $3  }
0x1: {  	(tag) =	ssettag $0x0;
	lr =	simm.s32 $0x1  }
0x2: {  	[smem:$0x3F6D] =	sst lr;
	_ =	strace $0xD0000000  }
0x3: {  	_ = 	snop  }
0x4: {  	_ = 	snop  }
0x5: {  	_ = 	snop  }
0x6: {  	_ = 	snop  }
0x7: {  	_ = 	snop  }
__scs_overlays_trampoline_lowered:
0x8: {  	[smem:$0x3F7C] =	sst s0  }
0x9: {  	[smem:$0x3F7D] =	sst s1  }
0xa: {  	[smem:$0x3F7E] =	sst s2  }
0xb: {  	[smem:$0x3F7F] =	sst s3  }
0xc: {  	[smem:$0x3F80] =	sst s4  }
0xd: {  	[smem:$0x3F81] =	sst s5  }
0xe: {  	[smem:$0x3F82] =	sst s6  }
0xf: {  	[smem:$0x3F83] =	sst s7  }
0x10: {  	[smem:$0x3F84] =	sst s8  }
0x11: {  	[smem:$0x3F85] =	sst s9;
	s0 =	simm.s32 @!p0 $0x0  }
0x12: {  	s1 =	sld [smem:$0x3F6B];
	s0 =	simm.s32 @p0 $0x1  }
0x13: {  	[smem:$0x3F86] =	sst s0;
	s0 =	simm.s32 @!p1 $0x0  }
0x14: {  	s2 =	sld [smem:$0x3F6A];
	s0 =	simm.s32 @p1 $0x1  }
0x15: {  	[smem:$0x3F87] =	sst s0;
	s0 =	simm.s32 @!p2 $0x0  }
0x16: {  	s3 =	sld [smem:$0x3FDB];
	s0 =	simm.s32 @p2 $0x1  }
0x17: {  	s4 =	simm.s32 $0x1BF5;
	[smem:$0x3F89] =	sst s0  }
0x18: {  	s0 =	sld [smem:$0x3F6C];
	_ =	swait.ge [sflag:s4], $0x0  }
0x19: {  	s7 =	sld [smem:$0x3F6D]  }
0x1a: {  	s8 =	sadd.s32 $0xFFFFE003, lr  }
0x1b: {  	s9 =	sadd.s32 $0xFFFFFEF7, lr;
	s5 =	simm.s32 $0xFFFFFFFF;
	p2 =	slt.u32 s8, $0xFFFFF086  }
0x1c: {  	p1 =	slt.u32 s9, $0xF7A;
	s5 =	simm.s32 @!p2 $0x0  }
0x1d: {  	s5 =	simm.s32 @p1 $0x1;
	p0 =	seq.s32 s7, s2  }
0x1e: {  	s7 =	smul.u32 @!p0 $0xF7A, s2;
	p2 =	seq.s32 @!p0 s5, $0x0  }
0x1f: {  	s9 =	smul.u32 $0xF7A, s1;
	s8 =	simm.s32 @!p0 $0x1BF5;
	p2 =	por !p2, p0  }
0x20: {  	[sflag:s8] =	ssyncset.s32 @!p0 $0xFFFFF086;
	s6 =	sadd.s32 @!p0 s3, s7;
	s7 =	simm.s32 @!p0 $0x108  }
0x21: {  	s3 =	sadd.s32 s3, s9;
	s6 =	sadd.s32 @!p0 $0x88, s6;
	s7 =	simm.s32 @p2 $0x1082  }
0x22: {  	[simem:s7], [sflag:s8] =	dma.local @!p0 [hbm:s6], $0xF7A  }
0x23: {  	s9 =	sor.u32 $0xD0000000, s2;
	s6 =	simm.s32 $0x108;
	_ =	swait.ge @!p0 [sflag:s8], $0x0  }
0x24: {  	s3 =	sadd.s32 $0x88, s3;
	s6 =	simm.s32 @!p1 $0x1082;
	[sflag:s4] =	ssyncset.s32 $0xFFFFF086  }
0x25: {  	[simem:s6], [sflag:s4] =	dma.local [hbm:s3], $0xF7A  }
0x26: {  	[smem:$0x3F6D] =	sst s1;
	(tag) =	ssettag s2;
	_ =	strace s9  }
0x27: {  	s1 =	sld [smem:$0x3F7D]  }
0x28: {  	s2 =	sld [smem:$0x3F7E]  }
0x29: {  	s4 =	sld [smem:$0x3F80]  }
0x2a: {  	p0 =	seq.s32 s5, $0x0;
	s5 =	sld [smem:$0x3F81]  }
0x2b: {  	s6 =	sld [smem:$0x3F82]  }
0x2c: {  	s7 =	sld [smem:$0x3F83]  }
0x2d: {  	s3 =	simm.s32 $0x108;
	s8 =	sld [smem:$0x3F84]  }
0x2e: {  	s3 =	simm.s32 @!p0 $0x1082;
	s9 =	sld [smem:$0x3F85]  }
0x2f: {  	lr =	sadd.s32 s0, s3;
	s0 =	sld [smem:$0x3F7C]  }
0x30: {  	s3 =	sld [smem:$0x3F7F]  }
0x31: {  	[smem:$0x3F88] =	sst s10  }
0x32: {  	s10 =	sld [smem:$0x3F86];
	_ =	sdelay $0x3  }
0x33: {  	p0 =	seq.s32 s10, $0x1;
	s10 =	sld [smem:$0x3F88];
	_ =	sdelay $0x3  }
0x34: {  	[smem:$0x3F88] =	sst s10  }
0x35: {  	s10 =	sld [smem:$0x3F87];
	_ =	sdelay $0x3  }
0x36: {  	p1 =	seq.s32 s10, $0x1;
	s10 =	sld [smem:$0x3F88];
	_ =	sdelay $0x3  }
0x37: {  	[smem:$0x3F88] =	sst s10  }
0x38: {  	s10 =	sld [smem:$0x3F89]  }
0x39: {  	_ = 	snop;
	(pc) =	sbr.ind lr, $3  }
0x3a: {  	_ = 	snop  }
0x3b: {  	_ = 	snop  }
0x3c: {  	p2 =	seq.s32 s10, $0x1;
	s10 =	sld [smem:$0x3F88]  }
0x3d: {  	_ =	shalt  }
0x3e: {  	_ =	shalt  }
0x3f: {  	_ =	shalt  }
0x40: {  	_ =	shalt  }
0x41: {  	_ =	shalt  }
0x42: {  	_ =	shalt  }
0x43: {  	_ =	shalt  }
0x44: {  	_ =	shalt  }
0x45: {  	_ =	shalt  }
0x46: {  	_ =	shalt  }
0x47: {  	_ =	shalt  }
0x48: {  	_ =	shalt  }
0x49: {  	_ =	shalt  }
0x4a: {  	_ =	shalt  }
0x4b: {  	_ =	shalt  }
0x4c: {  	_ =	shalt  }
0x4d: {  	_ =	shalt  }
0x4e: {  	_ =	shalt  }
0x4f: {  	_ =	shalt  }
0x50: {  	_ =	shalt  }
0x51: {  	_ =	shalt  }
0x52: {  	_ =	shalt  }
0x53: {  	_ =	shalt  }
0x54: {  	_ =	shalt  }
0x55: {  	_ =	shalt  }
0x56: {  	_ =	shalt  }
0x57: {  	_ =	shalt  }
0x58: {  	_ =	shalt  }
0x59: {  	_ =	shalt  }
0x5a: {  	_ =	shalt  }
0x5b: {  	_ =	shalt  }
0x5c: {  	_ =	shalt  }
0x5d: {  	_ =	shalt  }
0x5e: {  	_ =	shalt  }
0x5f: {  	_ =	shalt  }
0x60: {  	_ =	shalt  }
0x61: {  	_ =	shalt  }
0x62: {  	_ =	shalt  }
0x63: {  	_ =	shalt  }
0x64: {  	_ =	shalt  }
0x65: {  	_ =	shalt  }
0x66: {  	_ =	shalt  }
0x67: {  	_ =	shalt  }
0x68: {  	_ =	shalt  }
0x69: {  	_ =	shalt  }
0x6a: {  	_ =	shalt  }
0x6b: {  	_ =	shalt  }
0x6c: {  	_ =	shalt  }
0x6d: {  	_ =	shalt  }
0x6e: {  	_ =	shalt  }
0x6f: {  	_ =	shalt  }
0x70: {  	_ =	shalt  }
0x71: {  	_ =	shalt  }
0x72: {  	_ =	shalt  }
0x73: {  	_ =	shalt  }
0x74: {  	_ =	shalt  }
0x75: {  	_ =	shalt  }
0x76: {  	_ =	shalt  }
0x77: {  	_ =	shalt  }
0x78: {  	_ =	shalt  }
0x79: {  	_ =	shalt  }
0x7a: {  	_ =	shalt  }
0x7b: {  	_ =	shalt  }
0x7c: {  	_ =	shalt  }
0x7d: {  	_ =	shalt  }
0x7e: {  	_ =	shalt  }
0x7f: {  	_ =	shalt  }
0x80: {  	_ =	shalt  }
0x81: {  	_ =	shalt  }
0x82: {  	_ =	shalt  }
0x83: {  	_ =	shalt  }
0x84: {  	_ =	shalt  }
0x85: {  	_ =	shalt  }
0x86: {  	_ =	shalt  }
0x87: {  	_ =	shalt  }
.Lfunc_end0:
.L_simem_size_0:
called_computation.1_lowered:
.L_overlay_start_0:
0x88: {  	s2 =	sld [smem:$0x3FD9]  }
0x89: {  	s3 =	sld [smem:$0x3FFE];
	_ =	sdelay $0x1  }
0x8a: {  	s1 =	srdreg.scid  }
0x8b: {  	s0 =	sand.u32 $0x1, s1  }
0x8c: {  	s17 =	sshll.u32 s0, $0xA;
	s2 =	sadd.s32 s3, s2  }
0x8d: {  	s2 =	sadd.s32 s2, s17  }
0x8e: {  	[smem:$0x3F94] =	sst s2  }
0x8f: {  	_ = 	snop  }
0x90: {  	s2 =	sld [smem:$0x3FD0];
	(tm) =	ssettm $0x1  }
0x91: {  	s18 =	sld [smem:$0x3FFB];
	_ =	sdelay $0x3  }
0x92: {  	_ =	strace s18  }
0x93: {  	s3 =	sld [smem:$0x3FFC];
	_ =	sdelay $0x3  }
0x94: {  	_ =	strace s3  }
0x95: {  	s3 =	sld [smem:$0x3FFD];
	_ =	sdelay $0x3  }
0x96: {  	_ =	strace s3  }
0x97: {  	_ =	strace $0x8FFFFFFF  }
0x98: {  	s19 =	sld [smem:$0x3FDB];
	_ =	sdelay $0x1  }
0x99: {  	s4 =	simm.s32 $_scs_section_size  }
0x9a: {  	s5 =	simm.s32 $_size__tile_overlayer_lowered;
	s6 =	simm.s32 $_tile_overlayer_lowered  }
0x9b: {  	s22 =	simm.s32 $0x1BFF;
	s21 =	sshll.u32 s6, $0x1;
	s3 =	sadd.s32 s4, s19  }
0x9c: {  	s7 =	simm.s32 $0x0;
	s20 =	sshll.u32 s5, $0x1;
	s5 =	sadd.s32 s21, s3  }
0x9d: {  	[timem:s7], [sflag:s22] =	dma.local [hbm:s5], s20  }
0x9e: {  	_ =	swait.ge [sflag:s22], s20  }
0x9f: {  	s4 =	ssub.s32 $0x0, s20;
	[sflag:s22] =	ssyncset.done $0x0  }
0xa0: {  	[sflag:s22] =	ssyncadd.s32 s4;
	_ =	sdelay $0x1  }
0xa1: {  	s23 =	simm.s32 $0x1B8B  }
0xa2: {  	_ =	swait.ge [sflag:s23], $0x1  }
0xa3: {  	[sflag:s23] =	ssyncset.done $0x0  }
0xa4: {  	s25 =	simm.s32 $0x1B8E;
	s24 =	sld [smem:$0x3FFE];
	[sflag:s23] =	ssyncadd.s32 $0xFFFFFFFF  }
0xa5: {  	s26 =	simm.s32 $execute0_lowered;
	[smem:$0x3FD2] =	sst s25  }
0xa6: {  	s5 =	sshll.u32 s26, $0x1;
	_ =	strace $0x80000049;
	[dreg:$0x1] =	wrdreg $0xFFFFFFFF  }
0xa7: {  	s28 =	simm.s32 $_size_execute0_lowered;
	s3 =	sadd.s32 s3, s5;
	[dreg:$0x0] =	wrdreg $0x0  }
0xa8: {  	s5 =	sshll.u32 s28, $0x1;
	[dreg:$0x2] =	wrdreg s3  }
0xa9: {  	[dreg:$0x3] =	wrdreg s5  }
0xaa: {  	[dreg:$0x4] =	wrdreg $0xC0  }
0xab: {  	_ =	task [dreg:s7], $0x5FFFF  }
0xac: {  	[dreg:$0x1] =	wrdreg $0xFFFFFFFF  }
0xad: {  	[dreg:$0x0] =	wrdreg $0x60  }
0xae: {  	[dreg:$0x2] =	wrdreg s24  }
0xaf: {  	[dreg:$0x3] =	wrdreg s2  }
0xb0: {  	[dreg:$0x4] =	wrdreg $0x9  }
0xb1: {  	_ =	task.clear_ibuf [dreg:s7], $0x5FFFF;
	_ =	strace $0x90000049  }
0xb2: {  	s29 =	simm.s32 $0x9;
	_ =	strace $0x8000004B  }
0xb3: {  	_ =	swait.ge [sflag:s29], $0x1  }
0xb4: {  	[sflag:s29] =	ssyncadd.s32 $0xFFFFFFFF  }
0xb5: {  	_ =	strace $0x9000004B  }
0xb6: {  	_ =	sfence  }
0xb7: {  	s30 =	sld [smem:$0x0];
	_ =	sdelay $0x2  }
0xb8: {  	s31 =	sshll.u32 s1, $0xD;
	s1 =	sshrl.u32 s1, $0x2  }
0xb9: {  	s3 =	sand.u32 $0x4000, s31;
	s1 =	sadd.s32 s1, s30  }
0xba: {  	s0 =	sor.u32 s3, s0;
	s1 =	sshll.u32 s1, $0x11  }
0xbb: {  	s0 =	sor.u32 s1, s0  }
0xbc: {  	s0 =	sadd.s32 $0x8F2B, s0  }
0xbd: {  	[sflag:s0] =	ssyncadd.remote.s32 $0x1  }
0xbe: {  	_ =	sfence.sel $0xFFFF  }
0xbf: {  	[dreg:$0x0] =	wrdreg $0xFFFFFFFF;
	(pc) =	sbr.abs _section_cstart, $3  }
0xc0: {  	[dreg:$0x1] =	wrdreg $0xFFFFFFFF  }
0xc1: {  	_ =	task.clear_ibuf [dreg:s7], $0x2FFFF;
	_ =	strace $0x9FFFFFFF  }
0xc2: {  	(tm) =	ssettm $0x7FFFFFFF  }
0xc3: {  	_ =	shalt  }
tec
execute0_lowered:
.L_overlay_start_1:
0x0: {  	(tag) =	ssettag $0x1  }
0x1: {  	s1 =	srdreg.scid  }
0x2: {  	s8 =	rddreg [dreg:$0x0];
	s0 =	stileid.u32;
	s14 =	sand.u32 $0x1, s1  }
0x3: {  	s13 =	rddreg [dreg:$0x1];
	s3 =	sshll.u32 s0, $0xC;
	s4 =	sshll.u32 s14, $0xB  }
0x4: {  	s2 =	simm.s32 $0x0;
	s1 =	rddreg [dreg:$0x2];
	s15 =	sor.u32 s4, s3  }
0x5: {  	[smem:$0x7FF] =	sst s2;
	s3 =	sshrl.u32 s15, $0x3  }
0x6: {  	_ =	strace $0x8000004A;
	s4 =	sadd.s32 s13, s3;
	s3 =	simm.s32 $0x2  }
0x7: {  	[tilespmem:s2], [sflag:$0x2] =	stream.linear.gather [hbm4b:s4+s2], $0x200, $0x38;
	[tilespmem:$0xA200] =	vst v63  }
0x8: {  	_ =	swait.ge [sflag:s3], $0x200  }
0x9: {  	s6 =	simm.s32 $0x200;
	[sflag:s3] =	ssyncset.done $0x0  }
0xa: {  	s7 =	simm.s32 $0x1;
	s5 =	sadd.s32 $0x10F000, s8;
	[sflag:s3] =	ssyncadd.s32 $0xFFFFFE00  }
0xb: {  	[tilespmem:s6], [sflag:$0x1] =	stream.indirect.gather [hbm4b:s5+s6], $0x50, s2, s6, $0xb8;
	[tilespmem:$0xA200] =	vst v63  }
0xc: {  	s9 =	smul.u32 $0xA, s15;
	_ =	swait.ge [sflag:s7], $0xA000  }
0xd: {  	s16 =	sadd.s32 $0x123000, s8;
	[sflag:s7] =	ssyncset.done $0x0  }
0xe: {  	s8 =	sadd.s32 s16, s9;
	[sflag:s7] =	ssyncadd.s32 $0xFFFF6000  }
0xf: {  	[hbm4b:s8+s2] =	stream.linear.scatter [tilespmem:s6], [sflag:$0x2], $0xA000, $0x38;
	[tilespmem:$0xA200] =	vst v63  }
0x10: {  	s10 =	sor.u32 $0x200, s15;
	_ =	swait.ge [sflag:s3], $0xA000  }
0x11: {  	s29 =	sshrl.u32 s10, $0x3;
	[sflag:s3] =	ssyncset.done $0x0  }
0x12: {  	s9 =	sadd.s32 s13, s29;
	[sflag:s3] =	ssyncadd.s32 $0xFFFF6000  }
0x13: {  	[tilespmem:s2], [sflag:$0x2] =	stream.linear.gather [hbm4b:s9+s2], $0x200, $0x38;
	[tilespmem:$0xA200] =	vst v63  }
0x14: {  	_ =	swait.ge [sflag:s3], $0x200  }
0x15: {  	[sflag:s3] =	ssyncset.done $0x0  }
0x16: {  	[sflag:s3] =	ssyncadd.s32 $0xFFFFFE00  }
0x17: {  	[tilespmem:s6], [sflag:$0x1] =	stream.indirect.gather [hbm4b:s5+s6], $0x50, s2, s6, $0xb8;
	[tilespmem:$0xA200] =	vst v63  }
0x18: {  	s10 =	smul.u32 $0xA, s10;
	_ =	swait.ge [sflag:s7], $0xA000  }
0x19: {  	[sflag:s7] =	ssyncset.done $0x0  }
0x1a: {  	s10 =	sadd.s32 s16, s10;
	[sflag:s7] =	ssyncadd.s32 $0xFFFF6000  }
0x1b: {  	[hbm4b:s10+s2] =	stream.linear.scatter [tilespmem:s6], [sflag:$0x2], $0xA000, $0x38;
	[tilespmem:$0xA200] =	vst v63  }
0x1c: {  	s12 =	sor.u32 $0x400, s15;
	_ =	swait.ge [sflag:s3], $0xA000  }
0x1d: {  	s11 =	sshrl.u32 s12, $0x3;
	[sflag:s3] =	ssyncset.done $0x0  }
0x1e: {  	s11 =	sadd.s32 s13, s11;
	[sflag:s3] =	ssyncadd.s32 $0xFFFF6000  }
0x1f: {  	[tilespmem:s2], [sflag:$0x2] =	stream.linear.gather [hbm4b:s11+s2], $0x200, $0x38;
	[tilespmem:$0xA200] =	vst v63  }
0x20: {  	_ =	swait.ge [sflag:s3], $0x200  }
0x21: {  	[sflag:s3] =	ssyncset.done $0x0  }
0x22: {  	[sflag:s3] =	ssyncadd.s32 $0xFFFFFE00  }
0x23: {  	[tilespmem:s6], [sflag:$0x1] =	stream.indirect.gather [hbm4b:s5+s6], $0x50, s2, s6, $0xb8;
	[tilespmem:$0xA200] =	vst v63  }
0x24: {  	s12 =	smul.u32 $0xA, s12;
	_ =	swait.ge [sflag:s7], $0xA000  }
0x25: {  	[sflag:s7] =	ssyncset.done $0x0  }
0x26: {  	s12 =	sadd.s32 s16, s12;
	[sflag:s7] =	ssyncadd.s32 $0xFFFF6000  }
0x27: {  	[hbm4b:s12+s2] =	stream.linear.scatter [tilespmem:s6], [sflag:$0x2], $0xA000, $0x38;
	[tilespmem:$0xA200] =	vst v63  }
0x28: {  	s15 =	sor.u32 $0x600, s15;
	_ =	swait.ge [sflag:s3], $0xA000  }
0x29: {  	s17 =	sshrl.u32 s15, $0x3;
	[sflag:s3] =	ssyncset.done $0x0  }
0x2a: {  	s14 =	ssub.s32 $0x2, s14;
	s13 =	sadd.s32 s13, s17;
	[sflag:s3] =	ssyncadd.s32 $0xFFFF6000  }
0x2b: {  	[tilespmem:s2], [sflag:$0x2] =	stream.linear.gather [hbm4b:s13+s2], $0x200, $0x38;
	[tilespmem:$0xA200] =	vst v63  }
0x2c: {  	s30 =	sshrl.u32 s14, $0x1;
	_ =	swait.ge [sflag:s3], $0x200  }
0x2d: {  	s17 =	ssub.s32 s14, s30;
	[sflag:s3] =	ssyncset.done $0x0  }
0x2e: {  	s31 =	smax.u32 s17, $0x1;
	[sflag:s3] =	ssyncadd.s32 $0xFFFFFE00  }
0x2f: {  	[tilespmem:s6], [sflag:$0x1] =	stream.indirect.gather [hbm4b:s5+s6], $0x50, s2, s6, $0xb8;
	[tilespmem:$0xA200] =	vst v63  }
0x30: {  	s15 =	smul.u32 $0xA, s15;
	p0 =	sne.s32 s31, $0x1;
	_ =	swait.ge [sflag:s7], $0xA000  }
.Ltmp0:
0x31: {  	[sflag:s7] =	ssyncset.done $0x0;
	(pc) =	sbr.rel @!p0 .LBB2_2-.Ltmp0, $4  }
0x32: {  	s14 =	sadd.s32 s16, s15;
	[sflag:s7] =	ssyncadd.s32 $0xFFFF6000  }
0x33: {  	[hbm4b:s14+s2] =	stream.linear.scatter [tilespmem:s6], [sflag:$0x2], $0xA000, $0x38;
	[tilespmem:$0xA200] =	vst v63  }
0x34: {  	_ =	swait.ge [sflag:s3], $0xA000  }
0x35: {  	s15 =	sadd.s32 $0xFFFFFFFF, s31;
	[sflag:s3] =	ssyncset.done $0x0  }
.LBB2_1:
0x36: {  	p0 =	sne.s32 s15, $0x1;
	s15 =	sadd.s32 $0xFFFFFFFF, s15;
	[sflag:s3] =	ssyncadd.s32 $0xFFFF6000  }
0x37: {  	[tilespmem:s2], [sflag:$0x2] =	stream.linear.gather [hbm4b:s4+s2], $0x200, $0x38;
	[tilespmem:$0xA200] =	vst v63  }
0x38: {  	_ =	swait.ge [sflag:s3], $0x200  }
0x39: {  	[sflag:s3] =	ssyncset.done $0x0  }
0x3a: {  	[sflag:s3] =	ssyncadd.s32 $0xFFFFFE00  }
0x3b: {  	[tilespmem:s6], [sflag:$0x1] =	stream.indirect.gather [hbm4b:s5+s6], $0x50, s2, s6, $0xb8;
	[tilespmem:$0xA200] =	vst v63  }
0x3c: {  	_ =	swait.ge [sflag:s7], $0xA000  }
0x3d: {  	[sflag:s7] =	ssyncset.done $0x0  }
0x3e: {  	[sflag:s7] =	ssyncadd.s32 $0xFFFF6000  }
0x3f: {  	[hbm4b:s8+s2] =	stream.linear.scatter [tilespmem:s6], [sflag:$0x2], $0xA000, $0x38;
	[tilespmem:$0xA200] =	vst v63  }
0x40: {  	_ =	swait.ge [sflag:s3], $0xA000  }
0x41: {  	[sflag:s3] =	ssyncset.done $0x0  }
0x42: {  	[sflag:s3] =	ssyncadd.s32 $0xFFFF6000  }
0x43: {  	[tilespmem:s2], [sflag:$0x2] =	stream.linear.gather [hbm4b:s9+s2], $0x200, $0x38;
	[tilespmem:$0xA200] =	vst v63  }
0x44: {  	_ =	swait.ge [sflag:s3], $0x200  }
0x45: {  	[sflag:s3] =	ssyncset.done $0x0  }
0x46: {  	[sflag:s3] =	ssyncadd.s32 $0xFFFFFE00  }
0x47: {  	[tilespmem:s6], [sflag:$0x1] =	stream.indirect.gather [hbm4b:s5+s6], $0x50, s2, s6, $0xb8;
	[tilespmem:$0xA200] =	vst v63  }
0x48: {  	_ =	swait.ge [sflag:s7], $0xA000  }
0x49: {  	[sflag:s7] =	ssyncset.done $0x0  }
0x4a: {  	[sflag:s7] =	ssyncadd.s32 $0xFFFF6000  }
0x4b: {  	[hbm4b:s10+s2] =	stream.linear.scatter [tilespmem:s6], [sflag:$0x2], $0xA000, $0x38;
	[tilespmem:$0xA200] =	vst v63  }
0x4c: {  	_ =	swait.ge [sflag:s3], $0xA000  }
0x4d: {  	[sflag:s3] =	ssyncset.done $0x0  }
0x4e: {  	[sflag:s3] =	ssyncadd.s32 $0xFFFF6000  }
0x4f: {  	[tilespmem:s2], [sflag:$0x2] =	stream.linear.gather [hbm4b:s11+s2], $0x200, $0x38;
	[tilespmem:$0xA200] =	vst v63  }
0x50: {  	_ =	swait.ge [sflag:s3], $0x200  }
0x51: {  	[sflag:s3] =	ssyncset.done $0x0  }
0x52: {  	[sflag:s3] =	ssyncadd.s32 $0xFFFFFE00  }
0x53: {  	[tilespmem:s6], [sflag:$0x1] =	stream.indirect.gather [hbm4b:s5+s6], $0x50, s2, s6, $0xb8;
	[tilespmem:$0xA200] =	vst v63  }
0x54: {  	_ =	swait.ge [sflag:s7], $0xA000  }
0x55: {  	[sflag:s7] =	ssyncset.done $0x0  }
0x56: {  	[sflag:s7] =	ssyncadd.s32 $0xFFFF6000  }
0x57: {  	[hbm4b:s12+s2] =	stream.linear.scatter [tilespmem:s6], [sflag:$0x2], $0xA000, $0x38;
	[tilespmem:$0xA200] =	vst v63  }
0x58: {  	_ =	swait.ge [sflag:s3], $0xA000  }
0x59: {  	[sflag:s3] =	ssyncset.done $0x0  }
0x5a: {  	[sflag:s3] =	ssyncadd.s32 $0xFFFF6000  }
0x5b: {  	[tilespmem:s2], [sflag:$0x2] =	stream.linear.gather [hbm4b:s13+s2], $0x200, $0x38;
	[tilespmem:$0xA200] =	vst v63  }
0x5c: {  	_ =	swait.ge [sflag:s3], $0x200  }
0x5d: {  	[sflag:s3] =	ssyncset.done $0x0  }
0x5e: {  	[sflag:s3] =	ssyncadd.s32 $0xFFFFFE00  }
0x5f: {  	[tilespmem:s6], [sflag:$0x1] =	stream.indirect.gather [hbm4b:s5+s6], $0x50, s2, s6, $0xb8;
	[tilespmem:$0xA200] =	vst v63  }
0x60: {  	_ =	swait.ge [sflag:s7], $0xA000  }
.Ltmp1:
0x61: {  	[sflag:s7] =	ssyncset.done $0x0;
	(pc) =	sbr.rel @p0 .LBB2_1-.Ltmp1, $4  }
0x62: {  	[sflag:s7] =	ssyncadd.s32 $0xFFFF6000  }
0x63: {  	[hbm4b:s14+s2] =	stream.linear.scatter [tilespmem:s6], [sflag:$0x2], $0xA000, $0x38;
	[tilespmem:$0xA200] =	vst v63  }
0x64: {  	_ =	swait.ge [sflag:s3], $0xA000  }
0x65: {  	[sflag:s3] =	ssyncset.done $0x0  }
.LBB2_2:
0x66: {  	[sflag:s3] =	ssyncadd.s32 $0xFFFF6000  }
0x67: {  	_ =	sfence.sel $0x180000  }
0x68: {  	[bflag:$0x0] =	sbarrier.arrive $0xFFFF  }
0x69: {  	p0 =	sne.s32 s0, $0x0;
	_ =	strace $0x9000004A  }
0x6a: {  	s0 =	sadd.s32 @!p0 $0x100000, s1;
	[bflag:$0x2] =	sbarrier.arrive $0xFFFF  }
0x6b: {  	[sflag:s0] =	ssyncadd.tile.s32 @!p0 $0x1;
	_ =	shalt  }
.Lfunc_end2:
_tile_overlayer_lowered:
.L_overlay_start_2:
0x6c: {  	(tag) =	ssettag $0x2  }
0x6d: {  	s0 =	rddreg [dreg:$0x0];
	s2 =	stileid.u32  }
0x6e: {  	s1 =	rddreg [dreg:$0x1];
	p0 =	sne.s32 s2, $0x0  }
0x6f: {  	s3 =	rddreg [dreg:$0x2];
	[bflag:$0x3] =	sbarrier.arrive $0xFFFF;
	s2 =	simm.s32 @!p0 $0x1C02  }
0x70: {  	[timem:s3], [sflag:s2] =	dma.local @!p0 [hbm:s0], s1  }
0x71: {  	s0 =	simm.s32 @!p0 $0x2  }
0x72: {  	_ =	swait.ge @!p0 [sflag:s0], s1  }
0x73: {  	s1 =	ssub.s32 @!p0 $0x0, s1;
	[sflag:s0] =	ssyncset.done @!p0 $0x0  }
0x74: {  	[sflag:s0] =	ssyncadd.s32 @!p0 s1  }
0x75: {  	[bflag:$0x3] =	sbarrier.arrive $0xFFFF  }
0x76: {  	_ =	shalt  }

</sc_bundles>
